<compile_context>
chip_gen: v7x
topology: tpu7x:2x2x1
jax: 0.10.2.dev20260603
libtpu: 0.0.44.dev20260713+nightly
codegen_flags: <defaults>
</compile_context>

<pallas_src>
import functools

import jax
import jax.numpy as jnp
import numpy as np
from jax import lax
from jax.experimental import pallas as pl
from jax.experimental.pallas import tpu as pltpu
from jax.experimental.pallas import tpu_sc as plsc

NEIGHBOR_PROB = 0.05
STRENGTH = 0.5
K = 1024
D = 256
_SKIP = int(np.ceil(0.05 * K))
POS = int(np.clip(_SKIP + int(np.floor(STRENGTH * (K - _SKIP - 1))), 0, K - 1))
INT_MIN = np.int32(-2147483648)
INT_MAX = np.int32(2147483647)



def _mask_body(m_ref, of_ref, oc_ref):
    m = m_ref[0]
    def pool(fh, fw, oh, ow):
        ih = jax.lax.broadcasted_iota(jnp.int32, (oh, 128), 0)
        rh = jax.lax.broadcasted_iota(jnp.int32, (oh, 128), 1)
        Ph = (rh // fh == ih).astype(jnp.float32)
        rw = jax.lax.broadcasted_iota(jnp.int32, (256, ow), 0)
        iw = jax.lax.broadcasted_iota(jnp.int32, (256, ow), 1)
        Pw = (rw // fw == iw).astype(jnp.float32)
        s1 = jax.lax.dot_general(Ph, m, (((1,), (0,)), ((), ())),
                                 preferred_element_type=jnp.float32)
        s2 = jax.lax.dot_general(s1, Pw, (((1,), (0,)), ((), ())),
                                 preferred_element_type=jnp.float32)
        return (s2 > 0).astype(jnp.float32)
    of_ref[0] = pool(2, 2, 64, 128)
    oc_ref[0] = pool(4, 4, 32, 64)


def _project_masks(M):
    Mf = M.astype(jnp.float32).reshape(4, 128, 256)
    return pl.pallas_call(
        _mask_body,
        grid=(4,),
        in_specs=[pl.BlockSpec((1, 128, 256), lambda i: (i, 0, 0))],
        out_specs=[pl.BlockSpec((1, 64, 128), lambda i: (i, 0, 0)),
                   pl.BlockSpec((1, 32, 64), lambda i: (i, 0, 0))],
        out_shape=[jax.ShapeDtypeStruct((4, 64, 128), jnp.float32),
                   jax.ShapeDtypeStruct((4, 32, 64), jnp.float32)],
    )(Mf)



def _select_body(zf_ref, cbt_ref, csq_ref, zsq_ref, nb_ref, m_ref, out_ref,
                 *, T):
    G = jax.lax.dot_general(
        zf_ref[...], cbt_ref[...], (((1,), (0,)), ((), ())),
        preferred_element_type=jnp.float32)
    d2 = (zsq_ref[0] - 2.0 * G) + csq_ref[...]
    ib = jax.lax.bitcast_convert_type(d2, jnp.int32)
    keys = jnp.where(ib < 0, ib ^ INT_MAX, ib)
    kiota = jax.lax.broadcasted_iota(jnp.int32, (T, K), 1)

    kmin = jnp.min(keys, axis=1, keepdims=True)
    i1 = jnp.min(jnp.where(keys == kmin, kiota, jnp.int32(K)),
                 axis=1, keepdims=True)
    keys2 = jnp.where(kiota == i1, INT_MAX, keys)
    kmin2 = jnp.min(keys2, axis=1, keepdims=True)
    i2 = jnp.min(jnp.where(keys2 == kmin2, kiota, jnp.int32(K)),
                 axis=1, keepdims=True)

    def vstep(i, v):
        t = v | jnp.left_shift(jnp.int32(1), 31 - i)
        s = t ^ INT_MIN
        cnt = jnp.sum((keys < s).astype(jnp.int32), axis=1, keepdims=True)
        return jnp.where(cnt <= POS, t, v)
    v = jax.lax.fori_loop(0, 32, vstep, jnp.zeros((T, 1), jnp.int32))
    vk = v ^ INT_MIN
    cless = jnp.sum((keys < vk).astype(jnp.int32), axis=1, keepdims=True)
    r = POS - cless
    eq = keys == vk

    def istep(i, j):
        t = j + jnp.left_shift(jnp.int32(1), 9 - i)
        cnt = jnp.sum((eq & (kiota < t)).astype(jnp.int32),
                      axis=1, keepdims=True)
        return jnp.where(cnt <= r, t, j)
    chosen = jax.lax.fori_loop(0, 10, istep, jnp.zeros((T, 1), jnp.int32))

    code = jnp.where(nb_ref[0] != 0, i2, chosen)
    tbase = pl.program_id(0) * T + K
    tiota = jax.lax.broadcasted_iota(jnp.int32, (T, 1), 0)
    out_ref[0] = jnp.where(m_ref[0] != 0, code, tbase + tiota)


def _select_codes(zf, cb_t, csq_row, zsq3, nb3, m3, T):
    N = zf.shape[0]
    NB = N // T
    return pl.pallas_call(
        functools.partial(_select_body, T=T),
        grid=(NB,),
        in_specs=[pl.BlockSpec((T, D), lambda i: (i, 0)),
                  pl.BlockSpec((D, K), lambda i: (0, 0)),
                  pl.BlockSpec((1, K), lambda i: (0, 0)),
                  pl.BlockSpec((1, T, 1), lambda i: (i, 0, 0)),
                  pl.BlockSpec((1, T, 1), lambda i: (i, 0, 0)),
                  pl.BlockSpec((1, T, 1), lambda i: (i, 0, 0))],
        out_specs=pl.BlockSpec((1, T, 1), lambda i: (i, 0, 0)),
        out_shape=jax.ShapeDtypeStruct((NB, T, 1), jnp.int32),
    )(zf, cb_t, csq_row, zsq3, nb3, m3)



def _make_sc_gather(B, CHUNK):
    mesh = plsc.VectorSubcoreMesh(core_axis_name="c", subcore_axis_name="s")
    b_per_w = B // 32

    @functools.partial(
        pl.kernel, mesh=mesh,
        out_type=jax.ShapeDtypeStruct((B, D), jnp.float32),
        scratch_types=[pltpu.VMEM((CHUNK,), jnp.int32),
                       pltpu.VMEM((CHUNK, D), jnp.float32),
                       pltpu.SemaphoreType.DMA],
    )
    def k(table_hbm, idx_hbm, out_hbm, idx_v, rows_v, sem):
        wid = lax.axis_index("s") * 2 + lax.axis_index("c")
        base = wid * b_per_w
        for j in range(b_per_w // CHUNK):
            off = base + j * CHUNK
            pltpu.sync_copy(idx_hbm.at[pl.ds(off, CHUNK)], idx_v)
            pltpu.async_copy(table_hbm.at[idx_v], rows_v, sem).wait()
            pltpu.sync_copy(rows_v, out_hbm.at[pl.ds(off, CHUNK)])

    return k



def _one_scale(q, cb, mask, rng_key, T):
    B, Dd, H, W = q.shape
    N = B * H * W
    NB = N // T
    ztr = jnp.transpose(q, (0, 2, 3, 1))
    zf = ztr.reshape(-1, Dd)
    ztr_b, zf_b, cb_b = jax.lax.optimization_barrier((ztr, zf, cb))
    if H * W >= 8192:
        zsq = jax.lax.optimization_barrier(
            jnp.sum(zf_b * zf_b, axis=1, keepdims=True))
    else:
        zsq = jax.lax.optimization_barrier(
            jnp.sum(ztr_b * ztr_b, axis=3)).reshape(-1, 1)
    csq = jax.lax.optimization_barrier(jnp.sum(cb_b * cb_b, axis=1))
    use_nb = jax.random.uniform(rng_key, (zf.shape[0],)) < NEIGHBOR_PROB

    zsq3 = zsq.reshape(NB, T, 1)
    nb3 = use_nb.astype(jnp.int32).reshape(NB, T, 1)
    m3 = mask.astype(jnp.int32).reshape(NB, T, 1)
    codes = _select_codes(zf, cb.T, csq.reshape(1, K), zsq3, nb3, m3,
                          T).reshape(N)
    table = jnp.concatenate([cb, zf], axis=0)
    out_tok = _make_sc_gather(N, 128)(table, codes)
    return out_tok.reshape(B, H, W, Dd).transpose(0, 3, 1, 2)


def kernel(q_fine, q_coarse, M, cb_fine, cb_coarse):
    mask_f, mask_c = _project_masks(M)
    key = jax.random.key(42)
    kf, kc = jax.random.split(key)
    q_coarse_a = _one_scale(q_coarse, cb_coarse, mask_c, kc, 512)
    q_fine_a = _one_scale(q_fine, cb_fine, mask_f, kf, 512)
    return (q_fine_a, q_coarse_a)

# --- scband reference (transcript-rebuilt; emitter-appended) ---
"""Pipeline reference for scband-anomaly-generation-5781025980832 (READ-ONLY COPY).

The authoritative reference and input builder live on the scoring server;
editing this copy changes nothing except your own understanding.
"""

import jax, jax.numpy as jnp
import numpy as np

NEIGHBOR_PROB = 0.05
STRENGTH = 0.5


def _project_mask(M, H_lat, W_lat):
    # avg-pool spec-resolution mask onto latent grid, pad/crop, binarize (>0)
    Mf = M.astype(jnp.float32)
    H_spec, W_spec = Mf.shape[2], Mf.shape[3]
    kh = max(1, H_spec // H_lat)
    kw = max(1, W_spec // W_lat)
    pooled = jax.lax.reduce_window(Mf, 0.0, jax.lax.add,
                                   (1, 1, kh, kw), (1, 1, kh, kw), 'VALID') / float(kh * kw)
    _, _, h, w = pooled.shape
    if h < H_lat or w < W_lat:
        pooled = jnp.pad(pooled, ((0, 0), (0, 0), (0, max(0, H_lat - h)), (0, max(0, W_lat - w))))
    pooled = pooled[:, :, :H_lat, :W_lat]
    return (pooled > 0).astype(jnp.float32)


def _generate_fake_anomalies_distant(z, q, cb, M_lat, strength, neighbor_prob, key):
    # similarity-ordered sampling: L2 distances z -> codebook, argsort,
    # skip closest 5%, pick rank according to strength; with prob neighbor_prob
    # take the nearest non-identical neighbor instead. Masked blend into q.
    B, D, H, W = z.shape
    zf = jnp.transpose(z, (0, 2, 3, 1)).reshape(-1, D)
    d2 = (jnp.sum(zf * zf, axis=1, keepdims=True)
          - 2.0 * (zf @ cb.T)
          + jnp.sum(cb * cb, axis=1)[None, :])
    order = jnp.argsort(d2, axis=1)
    K = cb.shape[0]
    skip = int(np.ceil(0.05 * K))
    pos = int(np.clip(skip + int(np.floor(strength * (K - skip - 1))), 0, K - 1))
    chosen = order[:, pos]
    neighbor = order[:, 1]
    use_nb = jax.random.uniform(key, (zf.shape[0],)) < neighbor_prob
    codes = jnp.where(use_nb, neighbor, chosen)
    fake = jnp.take(cb, codes, axis=0).reshape(B, H, W, D)
    fake = jnp.transpose(fake, (0, 3, 1, 2))
    return q * (1.0 - M_lat) + fake * M_lat


def setup_inputs(seed: int = 0):
    key = jax.random.key(seed)
    k1, k2, k3, k4, k5 = jax.random.split(key, 5)
    q_fine = jax.random.normal(k1, (4, 256, 64, 128), dtype=jnp.float32)
    q_coarse = jax.random.normal(k2, (4, 256, 32, 64), dtype=jnp.float32)
    M = jax.random.randint(k3, (4, 1, 128, 256), 0, 2).astype(jnp.int32)
    cb_fine = jax.random.normal(k4, (1024, 256), dtype=jnp.float32)
    cb_coarse = jax.random.normal(k5, (1024, 256), dtype=jnp.float32)
    return {"q_fine": q_fine, "q_coarse": q_coarse, "M": M,
            "cb_fine": cb_fine, "cb_coarse": cb_coarse}


def reference(q_fine, q_coarse, M, cb_fine, cb_coarse):
    H_fine, W_fine = q_fine.shape[2], q_fine.shape[3]
    H_coarse, W_coarse = q_coarse.shape[2], q_coarse.shape[3]
    M_fine = _project_mask(M, H_fine, W_fine)
    M_coarse = _project_mask(M, H_coarse, W_coarse)
    key = jax.random.key(42)
    kf, kc = jax.random.split(key)
    # z defaults to q (z_fine/z_coarse None), strength defaults 0.5
    q_coarse_a = _generate_fake_anomalies_distant(q_coarse, q_coarse, cb_coarse, M_coarse,
                                                  STRENGTH, NEIGHBOR_PROB, kc)
    q_fine_a = _generate_fake_anomalies_distant(q_fine, q_fine, cb_fine, M_fine,
                                                STRENGTH, NEIGHBOR_PROB, kf)
    return (q_fine_a, q_coarse_a)

if __name__ == "__main__":
    import jax
    _d = setup_inputs()
    print(jax.jit(kernel)(*tuple(_d.values())))

</pallas_src>

<mosaic_0001>
#map = affine_map<(d0, d1) -> (0, 0)>
#map1 = affine_map<(d0, d1) -> (0)>
module attributes {stable_mosaic.version = 14 : i64} {
  func.func @k(%arg0: i32, %arg1: i32, %arg2: memref<33792x256xf32, #tpu.memory_space<hbm>>, %arg3: memref<32768xi32, #tpu.memory_space<hbm>>, %arg4: memref<32768x256xf32, #tpu.memory_space<hbm>>, %arg5: memref<128xi32, #tpu.memory_space<vmem>>, %arg6: memref<128x256xf32, #tpu.memory_space<vmem>>, %arg7: memref<!tpu.dma_semaphore, #tpu.memory_space<semaphore_mem>>) attributes {dimension_semantics = [#tpu.dimension_semantics<core_parallel>, #tpu.dimension_semantics<subcore_parallel>], iteration_bounds = array<i64: 2, 16>, scalar_prefetch = 0 : i64, scratch_operands = 3 : i64, tpu.core_type = #tpu.core_type<sc_vector_subcore>, window_params = [{transform_indices = #map}, {transform_indices = #map1}, {transform_indices = #map}]} {
    %mul3A = arith.constant 2 : i32
    %mul3A_0 = arith.muli %arg1, %mul3A : i32
    %add3A = arith.addi %mul3A_0, %arg0 : i32
    %mul3A_1 = arith.constant 1024 : i32
    %mul3A_2 = arith.muli %add3A, %mul3A_1 : i32
    %add3A_3 = arith.constant 0 : i32
    %add3A_4 = arith.addi %mul3A_2, %add3A_3 : i32
    "tpu.region"() ({
      %run_scoped3A = tpu.sem_alloc : memref<!tpu.dma_semaphore, #tpu.memory_space<semaphore_mem>>
      %dma_start3A_65 = tpu.memref_slice %arg3[%add3A_4] : memref<32768xi32, #tpu.memory_space<hbm>> -> memref<128xi32, #tpu.memory_space<hbm>>
      %dma_start3A_66 = tpu.memref_slice %arg3[%add3A_4] : memref<32768xi32, #tpu.memory_space<hbm>> -> memref<128xi32, #tpu.memory_space<hbm>>
      tpu.enqueue_dma source(%dma_start3A_66 : memref<128xi32, #tpu.memory_space<hbm>>) target(%arg5 : memref<128xi32, #tpu.memory_space<vmem>>) target_semaphore(%run_scoped3A : memref<!tpu.dma_semaphore, #tpu.memory_space<semaphore_mem>>)
      %dma_wait3A_67 = tpu.memref_slice %arg3[%add3A_4] : memref<32768xi32, #tpu.memory_space<hbm>> -> memref<128xi32, #tpu.memory_space<hbm>>
      %dma_wait3A_68 = tpu.memref_slice %arg3[%add3A_4] : memref<32768xi32, #tpu.memory_space<hbm>> -> memref<128xi32, #tpu.memory_space<hbm>>
      tpu.wait_dma2 semaphore(%run_scoped3A : memref<!tpu.dma_semaphore, #tpu.memory_space<semaphore_mem>>) src(%dma_wait3A_68 : memref<128xi32, #tpu.memory_space<hbm>>) dst(%arg5 : memref<128xi32, #tpu.memory_space<vmem>>)
      tpu.yield
    }) : () -> ()
    %dma_start3A = arith.constant 0 : i32
    %dma_start3A_5 = arith.constant 0 : i32
    %dma_start3A_6 = tpu.memref_slice %arg2[%dma_start3A, %dma_start3A_5] : memref<33792x256xf32, #tpu.memory_space<hbm>> -> memref<33792x256xf32, #tpu.memory_space<hbm>>
    tpu.enqueue_indirect_dma source(%dma_start3A_6 : memref<33792x256xf32, #tpu.memory_space<hbm>>) target(%arg6 : memref<128x256xf32, #tpu.memory_space<vmem>>) offsets(%arg5 : memref<128xi32, #tpu.memory_space<vmem>>) semaphore(%arg7 : memref<!tpu.dma_semaphore, #tpu.memory_space<semaphore_mem>>)
    %dma_wait3A = arith.constant 0 : i32
    %dma_wait3A_7 = arith.constant 0 : i32
    %dma_wait3A_8 = tpu.memref_slice %arg2[%dma_wait3A, %dma_wait3A_7] : memref<33792x256xf32, #tpu.memory_space<hbm>> -> memref<33792x256xf32, #tpu.memory_space<hbm>>
    tpu.wait_indirect_dma semaphore(%arg7 : memref<!tpu.dma_semaphore, #tpu.memory_space<semaphore_mem>>) src(%dma_wait3A_8 : memref<33792x256xf32, #tpu.memory_space<hbm>>) dst(%arg6 : memref<128x256xf32, #tpu.memory_space<vmem>>)
    "tpu.region"() ({
      %run_scoped3A = tpu.sem_alloc : memref<!tpu.dma_semaphore, #tpu.memory_space<semaphore_mem>>
      %dma_start3A_65 = arith.constant 0 : i32
      %dma_start3A_66 = tpu.memref_slice %arg4[%add3A_4, %dma_start3A_65] : memref<32768x256xf32, #tpu.memory_space<hbm>> -> memref<128x256xf32, #tpu.memory_space<hbm>>
      %dma_start3A_67 = arith.constant 0 : i32
      %dma_start3A_68 = tpu.memref_slice %arg4[%add3A_4, %dma_start3A_67] : memref<32768x256xf32, #tpu.memory_space<hbm>> -> memref<128x256xf32, #tpu.memory_space<hbm>>
      tpu.enqueue_dma source(%arg6 : memref<128x256xf32, #tpu.memory_space<vmem>>) target(%dma_start3A_68 : memref<128x256xf32, #tpu.memory_space<hbm>>) target_semaphore(%run_scoped3A : memref<!tpu.dma_semaphore, #tpu.memory_space<semaphore_mem>>)
      %dma_wait3A_69 = arith.constant 0 : i32
      %dma_wait3A_70 = tpu.memref_slice %arg4[%add3A_4, %dma_wait3A_69] : memref<32768x256xf32, #tpu.memory_space<hbm>> -> memref<128x256xf32, #tpu.memory_space<hbm>>
      %dma_wait3A_71 = arith.constant 0 : i32
      %dma_wait3A_72 = tpu.memref_slice %arg4[%add3A_4, %dma_wait3A_71] : memref<32768x256xf32, #tpu.memory_space<hbm>> -> memref<128x256xf32, #tpu.memory_space<hbm>>
      tpu.wait_dma2 semaphore(%run_scoped3A : memref<!tpu.dma_semaphore, #tpu.memory_space<semaphore_mem>>) src(%arg6 : memref<128x256xf32, #tpu.memory_space<vmem>>) dst(%dma_wait3A_72 : memref<128x256xf32, #tpu.memory_space<hbm>>)
      tpu.yield
    }) : () -> ()
    %add3A_9 = arith.constant 128 : i32
    %add3A_10 = arith.addi %mul3A_2, %add3A_9 : i32
    "tpu.region"() ({
      %run_scoped3A = tpu.sem_alloc : memref<!tpu.dma_semaphore, #tpu.memory_space<semaphore_mem>>
      %dma_start3A_65 = tpu.memref_slice %arg3[%add3A_10] : memref<32768xi32, #tpu.memory_space<hbm>> -> memref<128xi32, #tpu.memory_space<hbm>>
      %dma_start3A_66 = tpu.memref_slice %arg3[%add3A_10] : memref<32768xi32, #tpu.memory_space<hbm>> -> memref<128xi32, #tpu.memory_space<hbm>>
      tpu.enqueue_dma source(%dma_start3A_66 : memref<128xi32, #tpu.memory_space<hbm>>) target(%arg5 : memref<128xi32, #tpu.memory_space<vmem>>) target_semaphore(%run_scoped3A : memref<!tpu.dma_semaphore, #tpu.memory_space<semaphore_mem>>)
      %dma_wait3A_67 = tpu.memref_slice %arg3[%add3A_10] : memref<32768xi32, #tpu.memory_space<hbm>> -> memref<128xi32, #tpu.memory_space<hbm>>
      %dma_wait3A_68 = tpu.memref_slice %arg3[%add3A_10] : memref<32768xi32, #tpu.memory_space<hbm>> -> memref<128xi32, #tpu.memory_space<hbm>>
      tpu.wait_dma2 semaphore(%run_scoped3A : memref<!tpu.dma_semaphore, #tpu.memory_space<semaphore_mem>>) src(%dma_wait3A_68 : memref<128xi32, #tpu.memory_space<hbm>>) dst(%arg5 : memref<128xi32, #tpu.memory_space<vmem>>)
      tpu.yield
    }) : () -> ()
    %dma_start3A_11 = arith.constant 0 : i32
    %dma_start3A_12 = arith.constant 0 : i32
    %dma_start3A_13 = tpu.memref_slice %arg2[%dma_start3A_11, %dma_start3A_12] : memref<33792x256xf32, #tpu.memory_space<hbm>> -> memref<33792x256xf32, #tpu.memory_space<hbm>>
    tpu.enqueue_indirect_dma source(%dma_start3A_13 : memref<33792x256xf32, #tpu.memory_space<hbm>>) target(%arg6 : memref<128x256xf32, #tpu.memory_space<vmem>>) offsets(%arg5 : memref<128xi32, #tpu.memory_space<vmem>>) semaphore(%arg7 : memref<!tpu.dma_semaphore, #tpu.memory_space<semaphore_mem>>)
    %dma_wait3A_14 = arith.constant 0 : i32
    %dma_wait3A_15 = arith.constant 0 : i32
    %dma_wait3A_16 = tpu.memref_slice %arg2[%dma_wait3A_14, %dma_wait3A_15] : memref<33792x256xf32, #tpu.memory_space<hbm>> -> memref<33792x256xf32, #tpu.memory_space<hbm>>
    tpu.wait_indirect_dma semaphore(%arg7 : memref<!tpu.dma_semaphore, #tpu.memory_space<semaphore_mem>>) src(%dma_wait3A_16 : memref<33792x256xf32, #tpu.memory_space<hbm>>) dst(%arg6 : memref<128x256xf32, #tpu.memory_space<vmem>>)
    "tpu.region"() ({
      %run_scoped3A = tpu.sem_alloc : memref<!tpu.dma_semaphore, #tpu.memory_space<semaphore_mem>>
      %dma_start3A_65 = arith.constant 0 : i32
      %dma_start3A_66 = tpu.memref_slice %arg4[%add3A_10, %dma_start3A_65] : memref<32768x256xf32, #tpu.memory_space<hbm>> -> memref<128x256xf32, #tpu.memory_space<hbm>>
      %dma_start3A_67 = arith.constant 0 : i32
      %dma_start3A_68 = tpu.memref_slice %arg4[%add3A_10, %dma_start3A_67] : memref<32768x256xf32, #tpu.memory_space<hbm>> -> memref<128x256xf32, #tpu.memory_space<hbm>>
      tpu.enqueue_dma source(%arg6 : memref<128x256xf32, #tpu.memory_space<vmem>>) target(%dma_start3A_68 : memref<128x256xf32, #tpu.memory_space<hbm>>) target_semaphore(%run_scoped3A : memref<!tpu.dma_semaphore, #tpu.memory_space<semaphore_mem>>)
      %dma_wait3A_69 = arith.constant 0 : i32
      %dma_wait3A_70 = tpu.memref_slice %arg4[%add3A_10, %dma_wait3A_69] : memref<32768x256xf32, #tpu.memory_space<hbm>> -> memref<128x256xf32, #tpu.memory_space<hbm>>
      %dma_wait3A_71 = arith.constant 0 : i32
      %dma_wait3A_72 = tpu.memref_slice %arg4[%add3A_10, %dma_wait3A_71] : memref<32768x256xf32, #tpu.memory_space<hbm>> -> memref<128x256xf32, #tpu.memory_space<hbm>>
      tpu.wait_dma2 semaphore(%run_scoped3A : memref<!tpu.dma_semaphore, #tpu.memory_space<semaphore_mem>>) src(%arg6 : memref<128x256xf32, #tpu.memory_space<vmem>>) dst(%dma_wait3A_72 : memref<128x256xf32, #tpu.memory_space<hbm>>)
      tpu.yield
    }) : () -> ()
    %add3A_17 = arith.constant 256 : i32
    %add3A_18 = arith.addi %mul3A_2, %add3A_17 : i32
    "tpu.region"() ({
      %run_scoped3A = tpu.sem_alloc : memref<!tpu.dma_semaphore, #tpu.memory_space<semaphore_mem>>
      %dma_start3A_65 = tpu.memref_slice %arg3[%add3A_18] : memref<32768xi32, #tpu.memory_space<hbm>> -> memref<128xi32, #tpu.memory_space<hbm>>
      %dma_start3A_66 = tpu.memref_slice %arg3[%add3A_18] : memref<32768xi32, #tpu.memory_space<hbm>> -> memref<128xi32, #tpu.memory_space<hbm>>
      tpu.enqueue_dma source(%dma_start3A_66 : memref<128xi32, #tpu.memory_space<hbm>>) target(%arg5 : memref<128xi32, #tpu.memory_space<vmem>>) target_semaphore(%run_scoped3A : memref<!tpu.dma_semaphore, #tpu.memory_space<semaphore_mem>>)
      %dma_wait3A_67 = tpu.memref_slice %arg3[%add3A_18] : memref<32768xi32, #tpu.memory_space<hbm>> -> memref<128xi32, #tpu.memory_space<hbm>>
      %dma_wait3A_68 = tpu.memref_slice %arg3[%add3A_18] : memref<32768xi32, #tpu.memory_space<hbm>> -> memref<128xi32, #tpu.memory_space<hbm>>
      tpu.wait_dma2 semaphore(%run_scoped3A : memref<!tpu.dma_semaphore, #tpu.memory_space<semaphore_mem>>) src(%dma_wait3A_68 : memref<128xi32, #tpu.memory_space<hbm>>) dst(%arg5 : memref<128xi32, #tpu.memory_space<vmem>>)
      tpu.yield
    }) : () -> ()
    %dma_start3A_19 = arith.constant 0 : i32
    %dma_start3A_20 = arith.constant 0 : i32
    %dma_start3A_21 = tpu.memref_slice %arg2[%dma_start3A_19, %dma_start3A_20] : memref<33792x256xf32, #tpu.memory_space<hbm>> -> memref<33792x256xf32, #tpu.memory_space<hbm>>
    tpu.enqueue_indirect_dma source(%dma_start3A_21 : memref<33792x256xf32, #tpu.memory_space<hbm>>) target(%arg6 : memref<128x256xf32, #tpu.memory_space<vmem>>) offsets(%arg5 : memref<128xi32, #tpu.memory_space<vmem>>) semaphore(%arg7 : memref<!tpu.dma_semaphore, #tpu.memory_space<semaphore_mem>>)
    %dma_wait3A_22 = arith.constant 0 : i32
    %dma_wait3A_23 = arith.constant 0 : i32
    %dma_wait3A_24 = tpu.memref_slice %arg2[%dma_wait3A_22, %dma_wait3A_23] : memref<33792x256xf32, #tpu.memory_space<hbm>> -> memref<33792x256xf32, #tpu.memory_space<hbm>>
    tpu.wait_indirect_dma semaphore(%arg7 : memref<!tpu.dma_semaphore, #tpu.memory_space<semaphore_mem>>) src(%dma_wait3A_24 : memref<33792x256xf32, #tpu.memory_space<hbm>>) dst(%arg6 : memref<128x256xf32, #tpu.memory_space<vmem>>)
    "tpu.region"() ({
      %run_scoped3A = tpu.sem_alloc : memref<!tpu.dma_semaphore, #tpu.memory_space<semaphore_mem>>
      %dma_start3A_65 = arith.constant 0 : i32
      %dma_start3A_66 = tpu.memref_slice %arg4[%add3A_18, %dma_start3A_65] : memref<32768x256xf32, #tpu.memory_space<hbm>> -> memref<128x256xf32, #tpu.memory_space<hbm>>
      %dma_start3A_67 = arith.constant 0 : i32
      %dma_start3A_68 = tpu.memref_slice %arg4[%add3A_18, %dma_start3A_67] : memref<32768x256xf32, #tpu.memory_space<hbm>> -> memref<128x256xf32, #tpu.memory_space<hbm>>
      tpu.enqueue_dma source(%arg6 : memref<128x256xf32, #tpu.memory_space<vmem>>) target(%dma_start3A_68 : memref<128x256xf32, #tpu.memory_space<hbm>>) target_semaphore(%run_scoped3A : memref<!tpu.dma_semaphore, #tpu.memory_space<semaphore_mem>>)
      %dma_wait3A_69 = arith.constant 0 : i32
      %dma_wait3A_70 = tpu.memref_slice %arg4[%add3A_18, %dma_wait3A_69] : memref<32768x256xf32, #tpu.memory_space<hbm>> -> memref<128x256xf32, #tpu.memory_space<hbm>>
      %dma_wait3A_71 = arith.constant 0 : i32
      %dma_wait3A_72 = tpu.memref_slice %arg4[%add3A_18, %dma_wait3A_71] : memref<32768x256xf32, #tpu.memory_space<hbm>> -> memref<128x256xf32, #tpu.memory_space<hbm>>
      tpu.wait_dma2 semaphore(%run_scoped3A : memref<!tpu.dma_semaphore, #tpu.memory_space<semaphore_mem>>) src(%arg6 : memref<128x256xf32, #tpu.memory_space<vmem>>) dst(%dma_wait3A_72 : memref<128x256xf32, #tpu.memory_space<hbm>>)
      tpu.yield
    }) : () -> ()
    %add3A_25 = arith.constant 384 : i32
    %add3A_26 = arith.addi %mul3A_2, %add3A_25 : i32
    "tpu.region"() ({
      %run_scoped3A = tpu.sem_alloc : memref<!tpu.dma_semaphore, #tpu.memory_space<semaphore_mem>>
      %dma_start3A_65 = tpu.memref_slice %arg3[%add3A_26] : memref<32768xi32, #tpu.memory_space<hbm>> -> memref<128xi32, #tpu.memory_space<hbm>>
      %dma_start3A_66 = tpu.memref_slice %arg3[%add3A_26] : memref<32768xi32, #tpu.memory_space<hbm>> -> memref<128xi32, #tpu.memory_space<hbm>>
      tpu.enqueue_dma source(%dma_start3A_66 : memref<128xi32, #tpu.memory_space<hbm>>) target(%arg5 : memref<128xi32, #tpu.memory_space<vmem>>) target_semaphore(%run_scoped3A : memref<!tpu.dma_semaphore, #tpu.memory_space<semaphore_mem>>)
      %dma_wait3A_67 = tpu.memref_slice %arg3[%add3A_26] : memref<32768xi32, #tpu.memory_space<hbm>> -> memref<128xi32, #tpu.memory_space<hbm>>
      %dma_wait3A_68 = tpu.memref_slice %arg3[%add3A_26] : memref<32768xi32, #tpu.memory_space<hbm>> -> memref<128xi32, #tpu.memory_space<hbm>>
      tpu.wait_dma2 semaphore(%run_scoped3A : memref<!tpu.dma_semaphore, #tpu.memory_space<semaphore_mem>>) src(%dma_wait3A_68 : memref<128xi32, #tpu.memory_space<hbm>>) dst(%arg5 : memref<128xi32, #tpu.memory_space<vmem>>)
      tpu.yield
    }) : () -> ()
    %dma_start3A_27 = arith.constant 0 : i32
    %dma_start3A_28 = arith.constant 0 : i32
    %dma_start3A_29 = tpu.memref_slice %arg2[%dma_start3A_27, %dma_start3A_28] : memref<33792x256xf32, #tpu.memory_space<hbm>> -> memref<33792x256xf32, #tpu.memory_space<hbm>>
    tpu.enqueue_indirect_dma source(%dma_start3A_29 : memref<33792x256xf32, #tpu.memory_space<hbm>>) target(%arg6 : memref<128x256xf32, #tpu.memory_space<vmem>>) offsets(%arg5 : memref<128xi32, #tpu.memory_space<vmem>>) semaphore(%arg7 : memref<!tpu.dma_semaphore, #tpu.memory_space<semaphore_mem>>)
    %dma_wait3A_30 = arith.constant 0 : i32
    %dma_wait3A_31 = arith.constant 0 : i32
    %dma_wait3A_32 = tpu.memref_slice %arg2[%dma_wait3A_30, %dma_wait3A_31] : memref<33792x256xf32, #tpu.memory_space<hbm>> -> memref<33792x256xf32, #tpu.memory_space<hbm>>
    tpu.wait_indirect_dma semaphore(%arg7 : memref<!tpu.dma_semaphore, #tpu.memory_space<semaphore_mem>>) src(%dma_wait3A_32 : memref<33792x256xf32, #tpu.memory_space<hbm>>) dst(%arg6 : memref<128x256xf32, #tpu.memory_space<vmem>>)
    "tpu.region"() ({
      %run_scoped3A = tpu.sem_alloc : memref<!tpu.dma_semaphore, #tpu.memory_space<semaphore_mem>>
      %dma_start3A_65 = arith.constant 0 : i32
      %dma_start3A_66 = tpu.memref_slice %arg4[%add3A_26, %dma_start3A_65] : memref<32768x256xf32, #tpu.memory_space<hbm>> -> memref<128x256xf32, #tpu.memory_space<hbm>>
      %dma_start3A_67 = arith.constant 0 : i32
      %dma_start3A_68 = tpu.memref_slice %arg4[%add3A_26, %dma_start3A_67] : memref<32768x256xf32, #tpu.memory_space<hbm>> -> memref<128x256xf32, #tpu.memory_space<hbm>>
      tpu.enqueue_dma source(%arg6 : memref<128x256xf32, #tpu.memory_space<vmem>>) target(%dma_start3A_68 : memref<128x256xf32, #tpu.memory_space<hbm>>) target_semaphore(%run_scoped3A : memref<!tpu.dma_semaphore, #tpu.memory_space<semaphore_mem>>)
      %dma_wait3A_69 = arith.constant 0 : i32
      %dma_wait3A_70 = tpu.memref_slice %arg4[%add3A_26, %dma_wait3A_69] : memref<32768x256xf32, #tpu.memory_space<hbm>> -> memref<128x256xf32, #tpu.memory_space<hbm>>
      %dma_wait3A_71 = arith.constant 0 : i32
      %dma_wait3A_72 = tpu.memref_slice %arg4[%add3A_26, %dma_wait3A_71] : memref<32768x256xf32, #tpu.memory_space<hbm>> -> memref<128x256xf32, #tpu.memory_space<hbm>>
      tpu.wait_dma2 semaphore(%run_scoped3A : memref<!tpu.dma_semaphore, #tpu.memory_space<semaphore_mem>>) src(%arg6 : memref<128x256xf32, #tpu.memory_space<vmem>>) dst(%dma_wait3A_72 : memref<128x256xf32, #tpu.memory_space<hbm>>)
      tpu.yield
    }) : () -> ()
    %add3A_33 = arith.constant 512 : i32
    %add3A_34 = arith.addi %mul3A_2, %add3A_33 : i32
    "tpu.region"() ({
      %run_scoped3A = tpu.sem_alloc : memref<!tpu.dma_semaphore, #tpu.memory_space<semaphore_mem>>
      %dma_start3A_65 = tpu.memref_slice %arg3[%add3A_34] : memref<32768xi32, #tpu.memory_space<hbm>> -> memref<128xi32, #tpu.memory_space<hbm>>
      %dma_start3A_66 = tpu.memref_slice %arg3[%add3A_34] : memref<32768xi32, #tpu.memory_space<hbm>> -> memref<128xi32, #tpu.memory_space<hbm>>
      tpu.enqueue_dma source(%dma_start3A_66 : memref<128xi32, #tpu.memory_space<hbm>>) target(%arg5 : memref<128xi32, #tpu.memory_space<vmem>>) target_semaphore(%run_scoped3A : memref<!tpu.dma_semaphore, #tpu.memory_space<semaphore_mem>>)
      %dma_wait3A_67 = tpu.memref_slice %arg3[%add3A_34] : memref<32768xi32, #tpu.memory_space<hbm>> -> memref<128xi32, #tpu.memory_space<hbm>>
      %dma_wait3A_68 = tpu.memref_slice %arg3[%add3A_34] : memref<32768xi32, #tpu.memory_space<hbm>> -> memref<128xi32, #tpu.memory_space<hbm>>
      tpu.wait_dma2 semaphore(%run_scoped3A : memref<!tpu.dma_semaphore, #tpu.memory_space<semaphore_mem>>) src(%dma_wait3A_68 : memref<128xi32, #tpu.memory_space<hbm>>) dst(%arg5 : memref<128xi32, #tpu.memory_space<vmem>>)
      tpu.yield
    }) : () -> ()
    %dma_start3A_35 = arith.constant 0 : i32
    %dma_start3A_36 = arith.constant 0 : i32
    %dma_start3A_37 = tpu.memref_slice %arg2[%dma_start3A_35, %dma_start3A_36] : memref<33792x256xf32, #tpu.memory_space<hbm>> -> memref<33792x256xf32, #tpu.memory_space<hbm>>
    tpu.enqueue_indirect_dma source(%dma_start3A_37 : memref<33792x256xf32, #tpu.memory_space<hbm>>) target(%arg6 : memref<128x256xf32, #tpu.memory_space<vmem>>) offsets(%arg5 : memref<128xi32, #tpu.memory_space<vmem>>) semaphore(%arg7 : memref<!tpu.dma_semaphore, #tpu.memory_space<semaphore_mem>>)
    %dma_wait3A_38 = arith.constant 0 : i32
    %dma_wait3A_39 = arith.constant 0 : i32
    %dma_wait3A_40 = tpu.memref_slice %arg2[%dma_wait3A_38, %dma_wait3A_39] : memref<33792x256xf32, #tpu.memory_space<hbm>> -> memref<33792x256xf32, #tpu.memory_space<hbm>>
    tpu.wait_indirect_dma semaphore(%arg7 : memref<!tpu.dma_semaphore, #tpu.memory_space<semaphore_mem>>) src(%dma_wait3A_40 : memref<33792x256xf32, #tpu.memory_space<hbm>>) dst(%arg6 : memref<128x256xf32, #tpu.memory_space<vmem>>)
    "tpu.region"() ({
      %run_scoped3A = tpu.sem_alloc : memref<!tpu.dma_semaphore, #tpu.memory_space<semaphore_mem>>
      %dma_start3A_65 = arith.constant 0 : i32
      %dma_start3A_66 = tpu.memref_slice %arg4[%add3A_34, %dma_start3A_65] : memref<32768x256xf32, #tpu.memory_space<hbm>> -> memref<128x256xf32, #tpu.memory_space<hbm>>
      %dma_start3A_67 = arith.constant 0 : i32
      %dma_start3A_68 = tpu.memref_slice %arg4[%add3A_34, %dma_start3A_67] : memref<32768x256xf32, #tpu.memory_space<hbm>> -> memref<128x256xf32, #tpu.memory_space<hbm>>
      tpu.enqueue_dma source(%arg6 : memref<128x256xf32, #tpu.memory_space<vmem>>) target(%dma_start3A_68 : memref<128x256xf32, #tpu.memory_space<hbm>>) target_semaphore(%run_scoped3A : memref<!tpu.dma_semaphore, #tpu.memory_space<semaphore_mem>>)
      %dma_wait3A_69 = arith.constant 0 : i32
      %dma_wait3A_70 = tpu.memref_slice %arg4[%add3A_34, %dma_wait3A_69] : memref<32768x256xf32, #tpu.memory_space<hbm>> -> memref<128x256xf32, #tpu.memory_space<hbm>>
      %dma_wait3A_71 = arith.constant 0 : i32
      %dma_wait3A_72 = tpu.memref_slice %arg4[%add3A_34, %dma_wait3A_71] : memref<32768x256xf32, #tpu.memory_space<hbm>> -> memref<128x256xf32, #tpu.memory_space<hbm>>
      tpu.wait_dma2 semaphore(%run_scoped3A : memref<!tpu.dma_semaphore, #tpu.memory_space<semaphore_mem>>) src(%arg6 : memref<128x256xf32, #tpu.memory_space<vmem>>) dst(%dma_wait3A_72 : memref<128x256xf32, #tpu.memory_space<hbm>>)
      tpu.yield
    }) : () -> ()
    %add3A_41 = arith.constant 640 : i32
    %add3A_42 = arith.addi %mul3A_2, %add3A_41 : i32
    "tpu.region"() ({
      %run_scoped3A = tpu.sem_alloc : memref<!tpu.dma_semaphore, #tpu.memory_space<semaphore_mem>>
      %dma_start3A_65 = tpu.memref_slice %arg3[%add3A_42] : memref<32768xi32, #tpu.memory_space<hbm>> -> memref<128xi32, #tpu.memory_space<hbm>>
      %dma_start3A_66 = tpu.memref_slice %arg3[%add3A_42] : memref<32768xi32, #tpu.memory_space<hbm>> -> memref<128xi32, #tpu.memory_space<hbm>>
      tpu.enqueue_dma source(%dma_start3A_66 : memref<128xi32, #tpu.memory_space<hbm>>) target(%arg5 : memref<128xi32, #tpu.memory_space<vmem>>) target_semaphore(%run_scoped3A : memref<!tpu.dma_semaphore, #tpu.memory_space<semaphore_mem>>)
      %dma_wait3A_67 = tpu.memref_slice %arg3[%add3A_42] : memref<32768xi32, #tpu.memory_space<hbm>> -> memref<128xi32, #tpu.memory_space<hbm>>
      %dma_wait3A_68 = tpu.memref_slice %arg3[%add3A_42] : memref<32768xi32, #tpu.memory_space<hbm>> -> memref<128xi32, #tpu.memory_space<hbm>>
      tpu.wait_dma2 semaphore(%run_scoped3A : memref<!tpu.dma_semaphore, #tpu.memory_space<semaphore_mem>>) src(%dma_wait3A_68 : memref<128xi32, #tpu.memory_space<hbm>>) dst(%arg5 : memref<128xi32, #tpu.memory_space<vmem>>)
      tpu.yield
    }) : () -> ()
    %dma_start3A_43 = arith.constant 0 : i32
    %dma_start3A_44 = arith.constant 0 : i32
    %dma_start3A_45 = tpu.memref_slice %arg2[%dma_start3A_43, %dma_start3A_44] : memref<33792x256xf32, #tpu.memory_space<hbm>> -> memref<33792x256xf32, #tpu.memory_space<hbm>>
    tpu.enqueue_indirect_dma source(%dma_start3A_45 : memref<33792x256xf32, #tpu.memory_space<hbm>>) target(%arg6 : memref<128x256xf32, #tpu.memory_space<vmem>>) offsets(%arg5 : memref<128xi32, #tpu.memory_space<vmem>>) semaphore(%arg7 : memref<!tpu.dma_semaphore, #tpu.memory_space<semaphore_mem>>)
    %dma_wait3A_46 = arith.constant 0 : i32
    %dma_wait3A_47 = arith.constant 0 : i32
    %dma_wait3A_48 = tpu.memref_slice %arg2[%dma_wait3A_46, %dma_wait3A_47] : memref<33792x256xf32, #tpu.memory_space<hbm>> -> memref<33792x256xf32, #tpu.memory_space<hbm>>
    tpu.wait_indirect_dma semaphore(%arg7 : memref<!tpu.dma_semaphore, #tpu.memory_space<semaphore_mem>>) src(%dma_wait3A_48 : memref<33792x256xf32, #tpu.memory_space<hbm>>) dst(%arg6 : memref<128x256xf32, #tpu.memory_space<vmem>>)
    "tpu.region"() ({
      %run_scoped3A = tpu.sem_alloc : memref<!tpu.dma_semaphore, #tpu.memory_space<semaphore_mem>>
      %dma_start3A_65 = arith.constant 0 : i32
      %dma_start3A_66 = tpu.memref_slice %arg4[%add3A_42, %dma_start3A_65] : memref<32768x256xf32, #tpu.memory_space<hbm>> -> memref<128x256xf32, #tpu.memory_space<hbm>>
      %dma_start3A_67 = arith.constant 0 : i32
      %dma_start3A_68 = tpu.memref_slice %arg4[%add3A_42, %dma_start3A_67] : memref<32768x256xf32, #tpu.memory_space<hbm>> -> memref<128x256xf32, #tpu.memory_space<hbm>>
      tpu.enqueue_dma source(%arg6 : memref<128x256xf32, #tpu.memory_space<vmem>>) target(%dma_start3A_68 : memref<128x256xf32, #tpu.memory_space<hbm>>) target_semaphore(%run_scoped3A : memref<!tpu.dma_semaphore, #tpu.memory_space<semaphore_mem>>)
      %dma_wait3A_69 = arith.constant 0 : i32
      %dma_wait3A_70 = tpu.memref_slice %arg4[%add3A_42, %dma_wait3A_69] : memref<32768x256xf32, #tpu.memory_space<hbm>> -> memref<128x256xf32, #tpu.memory_space<hbm>>
      %dma_wait3A_71 = arith.constant 0 : i32
      %dma_wait3A_72 = tpu.memref_slice %arg4[%add3A_42, %dma_wait3A_71] : memref<32768x256xf32, #tpu.memory_space<hbm>> -> memref<128x256xf32, #tpu.memory_space<hbm>>
      tpu.wait_dma2 semaphore(%run_scoped3A : memref<!tpu.dma_semaphore, #tpu.memory_space<semaphore_mem>>) src(%arg6 : memref<128x256xf32, #tpu.memory_space<vmem>>) dst(%dma_wait3A_72 : memref<128x256xf32, #tpu.memory_space<hbm>>)
      tpu.yield
    }) : () -> ()
    %add3A_49 = arith.constant 768 : i32
    %add3A_50 = arith.addi %mul3A_2, %add3A_49 : i32
    "tpu.region"() ({
      %run_scoped3A = tpu.sem_alloc : memref<!tpu.dma_semaphore, #tpu.memory_space<semaphore_mem>>
      %dma_start3A_65 = tpu.memref_slice %arg3[%add3A_50] : memref<32768xi32, #tpu.memory_space<hbm>> -> memref<128xi32, #tpu.memory_space<hbm>>
      %dma_start3A_66 = tpu.memref_slice %arg3[%add3A_50] : memref<32768xi32, #tpu.memory_space<hbm>> -> memref<128xi32, #tpu.memory_space<hbm>>
      tpu.enqueue_dma source(%dma_start3A_66 : memref<128xi32, #tpu.memory_space<hbm>>) target(%arg5 : memref<128xi32, #tpu.memory_space<vmem>>) target_semaphore(%run_scoped3A : memref<!tpu.dma_semaphore, #tpu.memory_space<semaphore_mem>>)
      %dma_wait3A_67 = tpu.memref_slice %arg3[%add3A_50] : memref<32768xi32, #tpu.memory_space<hbm>> -> memref<128xi32, #tpu.memory_space<hbm>>
      %dma_wait3A_68 = tpu.memref_slice %arg3[%add3A_50] : memref<32768xi32, #tpu.memory_space<hbm>> -> memref<128xi32, #tpu.memory_space<hbm>>
      tpu.wait_dma2 semaphore(%run_scoped3A : memref<!tpu.dma_semaphore, #tpu.memory_space<semaphore_mem>>) src(%dma_wait3A_68 : memref<128xi32, #tpu.memory_space<hbm>>) dst(%arg5 : memref<128xi32, #tpu.memory_space<vmem>>)
      tpu.yield
    }) : () -> ()
    %dma_start3A_51 = arith.constant 0 : i32
    %dma_start3A_52 = arith.constant 0 : i32
    %dma_start3A_53 = tpu.memref_slice %arg2[%dma_start3A_51, %dma_start3A_52] : memref<33792x256xf32, #tpu.memory_space<hbm>> -> memref<33792x256xf32, #tpu.memory_space<hbm>>
    tpu.enqueue_indirect_dma source(%dma_start3A_53 : memref<33792x256xf32, #tpu.memory_space<hbm>>) target(%arg6 : memref<128x256xf32, #tpu.memory_space<vmem>>) offsets(%arg5 : memref<128xi32, #tpu.memory_space<vmem>>) semaphore(%arg7 : memref<!tpu.dma_semaphore, #tpu.memory_space<semaphore_mem>>)
    %dma_wait3A_54 = arith.constant 0 : i32
    %dma_wait3A_55 = arith.constant 0 : i32
    %dma_wait3A_56 = tpu.memref_slice %arg2[%dma_wait3A_54, %dma_wait3A_55] : memref<33792x256xf32, #tpu.memory_space<hbm>> -> memref<33792x256xf32, #tpu.memory_space<hbm>>
    tpu.wait_indirect_dma semaphore(%arg7 : memref<!tpu.dma_semaphore, #tpu.memory_space<semaphore_mem>>) src(%dma_wait3A_56 : memref<33792x256xf32, #tpu.memory_space<hbm>>) dst(%arg6 : memref<128x256xf32, #tpu.memory_space<vmem>>)
    "tpu.region"() ({
      %run_scoped3A = tpu.sem_alloc : memref<!tpu.dma_semaphore, #tpu.memory_space<semaphore_mem>>
      %dma_start3A_65 = arith.constant 0 : i32
      %dma_start3A_66 = tpu.memref_slice %arg4[%add3A_50, %dma_start3A_65] : memref<32768x256xf32, #tpu.memory_space<hbm>> -> memref<128x256xf32, #tpu.memory_space<hbm>>
      %dma_start3A_67 = arith.constant 0 : i32
      %dma_start3A_68 = tpu.memref_slice %arg4[%add3A_50, %dma_start3A_67] : memref<32768x256xf32, #tpu.memory_space<hbm>> -> memref<128x256xf32, #tpu.memory_space<hbm>>
      tpu.enqueue_dma source(%arg6 : memref<128x256xf32, #tpu.memory_space<vmem>>) target(%dma_start3A_68 : memref<128x256xf32, #tpu.memory_space<hbm>>) target_semaphore(%run_scoped3A : memref<!tpu.dma_semaphore, #tpu.memory_space<semaphore_mem>>)
      %dma_wait3A_69 = arith.constant 0 : i32
      %dma_wait3A_70 = tpu.memref_slice %arg4[%add3A_50, %dma_wait3A_69] : memref<32768x256xf32, #tpu.memory_space<hbm>> -> memref<128x256xf32, #tpu.memory_space<hbm>>
      %dma_wait3A_71 = arith.constant 0 : i32
      %dma_wait3A_72 = tpu.memref_slice %arg4[%add3A_50, %dma_wait3A_71] : memref<32768x256xf32, #tpu.memory_space<hbm>> -> memref<128x256xf32, #tpu.memory_space<hbm>>
      tpu.wait_dma2 semaphore(%run_scoped3A : memref<!tpu.dma_semaphore, #tpu.memory_space<semaphore_mem>>) src(%arg6 : memref<128x256xf32, #tpu.memory_space<vmem>>) dst(%dma_wait3A_72 : memref<128x256xf32, #tpu.memory_space<hbm>>)
      tpu.yield
    }) : () -> ()
    %add3A_57 = arith.constant 896 : i32
    %add3A_58 = arith.addi %mul3A_2, %add3A_57 : i32
    "tpu.region"() ({
      %run_scoped3A = tpu.sem_alloc : memref<!tpu.dma_semaphore, #tpu.memory_space<semaphore_mem>>
      %dma_start3A_65 = tpu.memref_slice %arg3[%add3A_58] : memref<32768xi32, #tpu.memory_space<hbm>> -> memref<128xi32, #tpu.memory_space<hbm>>
      %dma_start3A_66 = tpu.memref_slice %arg3[%add3A_58] : memref<32768xi32, #tpu.memory_space<hbm>> -> memref<128xi32, #tpu.memory_space<hbm>>
      tpu.enqueue_dma source(%dma_start3A_66 : memref<128xi32, #tpu.memory_space<hbm>>) target(%arg5 : memref<128xi32, #tpu.memory_space<vmem>>) target_semaphore(%run_scoped3A : memref<!tpu.dma_semaphore, #tpu.memory_space<semaphore_mem>>)
      %dma_wait3A_67 = tpu.memref_slice %arg3[%add3A_58] : memref<32768xi32, #tpu.memory_space<hbm>> -> memref<128xi32, #tpu.memory_space<hbm>>
      %dma_wait3A_68 = tpu.memref_slice %arg3[%add3A_58] : memref<32768xi32, #tpu.memory_space<hbm>> -> memref<128xi32, #tpu.memory_space<hbm>>
      tpu.wait_dma2 semaphore(%run_scoped3A : memref<!tpu.dma_semaphore, #tpu.memory_space<semaphore_mem>>) src(%dma_wait3A_68 : memref<128xi32, #tpu.memory_space<hbm>>) dst(%arg5 : memref<128xi32, #tpu.memory_space<vmem>>)
      tpu.yield
    }) : () -> ()
    %dma_start3A_59 = arith.constant 0 : i32
    %dma_start3A_60 = arith.constant 0 : i32
    %dma_start3A_61 = tpu.memref_slice %arg2[%dma_start3A_59, %dma_start3A_60] : memref<33792x256xf32, #tpu.memory_space<hbm>> -> memref<33792x256xf32, #tpu.memory_space<hbm>>
    tpu.enqueue_indirect_dma source(%dma_start3A_61 : memref<33792x256xf32, #tpu.memory_space<hbm>>) target(%arg6 : memref<128x256xf32, #tpu.memory_space<vmem>>) offsets(%arg5 : memref<128xi32, #tpu.memory_space<vmem>>) semaphore(%arg7 : memref<!tpu.dma_semaphore, #tpu.memory_space<semaphore_mem>>)
    %dma_wait3A_62 = arith.constant 0 : i32
    %dma_wait3A_63 = arith.constant 0 : i32
    %dma_wait3A_64 = tpu.memref_slice %arg2[%dma_wait3A_62, %dma_wait3A_63] : memref<33792x256xf32, #tpu.memory_space<hbm>> -> memref<33792x256xf32, #tpu.memory_space<hbm>>
    tpu.wait_indirect_dma semaphore(%arg7 : memref<!tpu.dma_semaphore, #tpu.memory_space<semaphore_mem>>) src(%dma_wait3A_64 : memref<33792x256xf32, #tpu.memory_space<hbm>>) dst(%arg6 : memref<128x256xf32, #tpu.memory_space<vmem>>)
    "tpu.region"() ({
      %run_scoped3A = tpu.sem_alloc : memref<!tpu.dma_semaphore, #tpu.memory_space<semaphore_mem>>
      %dma_start3A_65 = arith.constant 0 : i32
      %dma_start3A_66 = tpu.memref_slice %arg4[%add3A_58, %dma_start3A_65] : memref<32768x256xf32, #tpu.memory_space<hbm>> -> memref<128x256xf32, #tpu.memory_space<hbm>>
      %dma_start3A_67 = arith.constant 0 : i32
      %dma_start3A_68 = tpu.memref_slice %arg4[%add3A_58, %dma_start3A_67] : memref<32768x256xf32, #tpu.memory_space<hbm>> -> memref<128x256xf32, #tpu.memory_space<hbm>>
      tpu.enqueue_dma source(%arg6 : memref<128x256xf32, #tpu.memory_space<vmem>>) target(%dma_start3A_68 : memref<128x256xf32, #tpu.memory_space<hbm>>) target_semaphore(%run_scoped3A : memref<!tpu.dma_semaphore, #tpu.memory_space<semaphore_mem>>)
      %dma_wait3A_69 = arith.constant 0 : i32
      %dma_wait3A_70 = tpu.memref_slice %arg4[%add3A_58, %dma_wait3A_69] : memref<32768x256xf32, #tpu.memory_space<hbm>> -> memref<128x256xf32, #tpu.memory_space<hbm>>
      %dma_wait3A_71 = arith.constant 0 : i32
      %dma_wait3A_72 = tpu.memref_slice %arg4[%add3A_58, %dma_wait3A_71] : memref<32768x256xf32, #tpu.memory_space<hbm>> -> memref<128x256xf32, #tpu.memory_space<hbm>>
      tpu.wait_dma2 semaphore(%run_scoped3A : memref<!tpu.dma_semaphore, #tpu.memory_space<semaphore_mem>>) src(%arg6 : memref<128x256xf32, #tpu.memory_space<vmem>>) dst(%dma_wait3A_72 : memref<128x256xf32, #tpu.memory_space<hbm>>)
      tpu.yield
    }) : () -> ()
    return
  }
}

#map = affine_map<(d0, d1) -> (0, 0)>
#map1 = affine_map<(d0, d1) -> (0)>
module attributes {stable_mosaic.version = 14 : i64} {
  func.func @k(%arg0: i32, %arg1: i32, %arg2: memref<9216x256xf32, #tpu.memory_space<hbm>>, %arg3: memref<8192xi32, #tpu.memory_space<hbm>>, %arg4: memref<8192x256xf32, #tpu.memory_space<hbm>>, %arg5: memref<128xi32, #tpu.memory_space<vmem>>, %arg6: memref<128x256xf32, #tpu.memory_space<vmem>>, %arg7: memref<!tpu.dma_semaphore, #tpu.memory_space<semaphore_mem>>) attributes {dimension_semantics = [#tpu.dimension_semantics<core_parallel>, #tpu.dimension_semantics<subcore_parallel>], iteration_bounds = array<i64: 2, 16>, scalar_prefetch = 0 : i64, scratch_operands = 3 : i64, tpu.core_type = #tpu.core_type<sc_vector_subcore>, window_params = [{transform_indices = #map}, {transform_indices = #map1}, {transform_indices = #map}]} {
    %mul3A = arith.constant 2 : i32
    %mul3A_0 = arith.muli %arg1, %mul3A : i32
    %add3A = arith.addi %mul3A_0, %arg0 : i32
    %mul3A_1 = arith.constant 256 : i32
    %mul3A_2 = arith.muli %add3A, %mul3A_1 : i32
    %add3A_3 = arith.constant 0 : i32
    %add3A_4 = arith.addi %mul3A_2, %add3A_3 : i32
    "tpu.region"() ({
      %run_scoped3A = tpu.sem_alloc : memref<!tpu.dma_semaphore, #tpu.memory_space<semaphore_mem>>
      %dma_start3A_17 = tpu.memref_slice %arg3[%add3A_4] : memref<8192xi32, #tpu.memory_space<hbm>> -> memref<128xi32, #tpu.memory_space<hbm>>
      %dma_start3A_18 = tpu.memref_slice %arg3[%add3A_4] : memref<8192xi32, #tpu.memory_space<hbm>> -> memref<128xi32, #tpu.memory_space<hbm>>
      tpu.enqueue_dma source(%dma_start3A_18 : memref<128xi32, #tpu.memory_space<hbm>>) target(%arg5 : memref<128xi32, #tpu.memory_space<vmem>>) target_semaphore(%run_scoped3A : memref<!tpu.dma_semaphore, #tpu.memory_space<semaphore_mem>>)
      %dma_wait3A_19 = tpu.memref_slice %arg3[%add3A_4] : memref<8192xi32, #tpu.memory_space<hbm>> -> memref<128xi32, #tpu.memory_space<hbm>>
      %dma_wait3A_20 = tpu.memref_slice %arg3[%add3A_4] : memref<8192xi32, #tpu.memory_space<hbm>> -> memref<128xi32, #tpu.memory_space<hbm>>
      tpu.wait_dma2 semaphore(%run_scoped3A : memref<!tpu.dma_semaphore, #tpu.memory_space<semaphore_mem>>) src(%dma_wait3A_20 : memref<128xi32, #tpu.memory_space<hbm>>) dst(%arg5 : memref<128xi32, #tpu.memory_space<vmem>>)
      tpu.yield
    }) : () -> ()
    %dma_start3A = arith.constant 0 : i32
    %dma_start3A_5 = arith.constant 0 : i32
    %dma_start3A_6 = tpu.memref_slice %arg2[%dma_start3A, %dma_start3A_5] : memref<9216x256xf32, #tpu.memory_space<hbm>> -> memref<9216x256xf32, #tpu.memory_space<hbm>>
    tpu.enqueue_indirect_dma source(%dma_start3A_6 : memref<9216x256xf32, #tpu.memory_space<hbm>>) target(%arg6 : memref<128x256xf32, #tpu.memory_space<vmem>>) offsets(%arg5 : memref<128xi32, #tpu.memory_space<vmem>>) semaphore(%arg7 : memref<!tpu.dma_semaphore, #tpu.memory_space<semaphore_mem>>)
    %dma_wait3A = arith.constant 0 : i32
    %dma_wait3A_7 = arith.constant 0 : i32
    %dma_wait3A_8 = tpu.memref_slice %arg2[%dma_wait3A, %dma_wait3A_7] : memref<9216x256xf32, #tpu.memory_space<hbm>> -> memref<9216x256xf32, #tpu.memory_space<hbm>>
    tpu.wait_indirect_dma semaphore(%arg7 : memref<!tpu.dma_semaphore, #tpu.memory_space<semaphore_mem>>) src(%dma_wait3A_8 : memref<9216x256xf32, #tpu.memory_space<hbm>>) dst(%arg6 : memref<128x256xf32, #tpu.memory_space<vmem>>)
    "tpu.region"() ({
      %run_scoped3A = tpu.sem_alloc : memref<!tpu.dma_semaphore, #tpu.memory_space<semaphore_mem>>
      %dma_start3A_17 = arith.constant 0 : i32
      %dma_start3A_18 = tpu.memref_slice %arg4[%add3A_4, %dma_start3A_17] : memref<8192x256xf32, #tpu.memory_space<hbm>> -> memref<128x256xf32, #tpu.memory_space<hbm>>
      %dma_start3A_19 = arith.constant 0 : i32
      %dma_start3A_20 = tpu.memref_slice %arg4[%add3A_4, %dma_start3A_19] : memref<8192x256xf32, #tpu.memory_space<hbm>> -> memref<128x256xf32, #tpu.memory_space<hbm>>
      tpu.enqueue_dma source(%arg6 : memref<128x256xf32, #tpu.memory_space<vmem>>) target(%dma_start3A_20 : memref<128x256xf32, #tpu.memory_space<hbm>>) target_semaphore(%run_scoped3A : memref<!tpu.dma_semaphore, #tpu.memory_space<semaphore_mem>>)
      %dma_wait3A_21 = arith.constant 0 : i32
      %dma_wait3A_22 = tpu.memref_slice %arg4[%add3A_4, %dma_wait3A_21] : memref<8192x256xf32, #tpu.memory_space<hbm>> -> memref<128x256xf32, #tpu.memory_space<hbm>>
      %dma_wait3A_23 = arith.constant 0 : i32
      %dma_wait3A_24 = tpu.memref_slice %arg4[%add3A_4, %dma_wait3A_23] : memref<8192x256xf32, #tpu.memory_space<hbm>> -> memref<128x256xf32, #tpu.memory_space<hbm>>
      tpu.wait_dma2 semaphore(%run_scoped3A : memref<!tpu.dma_semaphore, #tpu.memory_space<semaphore_mem>>) src(%arg6 : memref<128x256xf32, #tpu.memory_space<vmem>>) dst(%dma_wait3A_24 : memref<128x256xf32, #tpu.memory_space<hbm>>)
      tpu.yield
    }) : () -> ()
    %add3A_9 = arith.constant 128 : i32
    %add3A_10 = arith.addi %mul3A_2, %add3A_9 : i32
    "tpu.region"() ({
      %run_scoped3A = tpu.sem_alloc : memref<!tpu.dma_semaphore, #tpu.memory_space<semaphore_mem>>
      %dma_start3A_17 = tpu.memref_slice %arg3[%add3A_10] : memref<8192xi32, #tpu.memory_space<hbm>> -> memref<128xi32, #tpu.memory_space<hbm>>
      %dma_start3A_18 = tpu.memref_slice %arg3[%add3A_10] : memref<8192xi32, #tpu.memory_space<hbm>> -> memref<128xi32, #tpu.memory_space<hbm>>
      tpu.enqueue_dma source(%dma_start3A_18 : memref<128xi32, #tpu.memory_space<hbm>>) target(%arg5 : memref<128xi32, #tpu.memory_space<vmem>>) target_semaphore(%run_scoped3A : memref<!tpu.dma_semaphore, #tpu.memory_space<semaphore_mem>>)
      %dma_wait3A_19 = tpu.memref_slice %arg3[%add3A_10] : memref<8192xi32, #tpu.memory_space<hbm>> -> memref<128xi32, #tpu.memory_space<hbm>>
      %dma_wait3A_20 = tpu.memref_slice %arg3[%add3A_10] : memref<8192xi32, #tpu.memory_space<hbm>> -> memref<128xi32, #tpu.memory_space<hbm>>
      tpu.wait_dma2 semaphore(%run_scoped3A : memref<!tpu.dma_semaphore, #tpu.memory_space<semaphore_mem>>) src(%dma_wait3A_20 : memref<128xi32, #tpu.memory_space<hbm>>) dst(%arg5 : memref<128xi32, #tpu.memory_space<vmem>>)
      tpu.yield
    }) : () -> ()
    %dma_start3A_11 = arith.constant 0 : i32
    %dma_start3A_12 = arith.constant 0 : i32
    %dma_start3A_13 = tpu.memref_slice %arg2[%dma_start3A_11, %dma_start3A_12] : memref<9216x256xf32, #tpu.memory_space<hbm>> -> memref<9216x256xf32, #tpu.memory_space<hbm>>
    tpu.enqueue_indirect_dma source(%dma_start3A_13 : memref<9216x256xf32, #tpu.memory_space<hbm>>) target(%arg6 : memref<128x256xf32, #tpu.memory_space<vmem>>) offsets(%arg5 : memref<128xi32, #tpu.memory_space<vmem>>) semaphore(%arg7 : memref<!tpu.dma_semaphore, #tpu.memory_space<semaphore_mem>>)
    %dma_wait3A_14 = arith.constant 0 : i32
    %dma_wait3A_15 = arith.constant 0 : i32
    %dma_wait3A_16 = tpu.memref_slice %arg2[%dma_wait3A_14, %dma_wait3A_15] : memref<9216x256xf32, #tpu.memory_space<hbm>> -> memref<9216x256xf32, #tpu.memory_space<hbm>>
    tpu.wait_indirect_dma semaphore(%arg7 : memref<!tpu.dma_semaphore, #tpu.memory_space<semaphore_mem>>) src(%dma_wait3A_16 : memref<9216x256xf32, #tpu.memory_space<hbm>>) dst(%arg6 : memref<128x256xf32, #tpu.memory_space<vmem>>)
    "tpu.region"() ({
      %run_scoped3A = tpu.sem_alloc : memref<!tpu.dma_semaphore, #tpu.memory_space<semaphore_mem>>
      %dma_start3A_17 = arith.constant 0 : i32
      %dma_start3A_18 = tpu.memref_slice %arg4[%add3A_10, %dma_start3A_17] : memref<8192x256xf32, #tpu.memory_space<hbm>> -> memref<128x256xf32, #tpu.memory_space<hbm>>
      %dma_start3A_19 = arith.constant 0 : i32
      %dma_start3A_20 = tpu.memref_slice %arg4[%add3A_10, %dma_start3A_19] : memref<8192x256xf32, #tpu.memory_space<hbm>> -> memref<128x256xf32, #tpu.memory_space<hbm>>
      tpu.enqueue_dma source(%arg6 : memref<128x256xf32, #tpu.memory_space<vmem>>) target(%dma_start3A_20 : memref<128x256xf32, #tpu.memory_space<hbm>>) target_semaphore(%run_scoped3A : memref<!tpu.dma_semaphore, #tpu.memory_space<semaphore_mem>>)
      %dma_wait3A_21 = arith.constant 0 : i32
      %dma_wait3A_22 = tpu.memref_slice %arg4[%add3A_10, %dma_wait3A_21] : memref<8192x256xf32, #tpu.memory_space<hbm>> -> memref<128x256xf32, #tpu.memory_space<hbm>>
      %dma_wait3A_23 = arith.constant 0 : i32
      %dma_wait3A_24 = tpu.memref_slice %arg4[%add3A_10, %dma_wait3A_23] : memref<8192x256xf32, #tpu.memory_space<hbm>> -> memref<128x256xf32, #tpu.memory_space<hbm>>
      tpu.wait_dma2 semaphore(%run_scoped3A : memref<!tpu.dma_semaphore, #tpu.memory_space<semaphore_mem>>) src(%arg6 : memref<128x256xf32, #tpu.memory_space<vmem>>) dst(%dma_wait3A_24 : memref<128x256xf32, #tpu.memory_space<hbm>>)
      tpu.yield
    }) : () -> ()
    return
  }
}

module attributes {stable_mosaic.version = 14 : i64} {
  func.func @_mask_body(%arg0: i32, %arg1: memref<1x128x256xf32, #tpu.memory_space<vmem>>, %arg2: memref<1x64x128xf32, #tpu.memory_space<vmem>>, %arg3: memref<1x32x64xf32, #tpu.memory_space<vmem>>) attributes {dimension_semantics = [#tpu.dimension_semantics<arbitrary>], iteration_bounds = array<i64: 4>, scalar_prefetch = 0 : i64, scratch_operands = 0 : i64, tpu.core_type = #tpu.core_type<tc>, window_params = [{transform_indices = @transform_0, window_bounds = array<i64: 1, 128, 256>}, {transform_indices = @transform_1, window_bounds = array<i64: 1, 64, 128>}, {transform_indices = @transform_2, window_bounds = array<i64: 1, 32, 64>}]} {
    %get3A = arith.constant 0 : index
    %get3A_0 = arith.constant 0 : index
    %get3A_1 = arith.constant 0 : index
    %get3A_2 = vector.load %arg1[%get3A, %get3A_0, %get3A_1] : memref<1x128x256xf32, #tpu.memory_space<vmem>>, vector<1x128x256xf32>
    %get3A_3 = vector.shape_cast %get3A_2 : vector<1x128x256xf32> to vector<128x256xf32>
    %iota3A = tpu.iota {dimensions = array<i32: 0>} : vector<64x128xi32>
    %iota3A_4 = tpu.iota {dimensions = array<i32: 1>} : vector<64x128xi32>
    %jit3A = arith.constant 2 : i32
    %div3A = vector.broadcast %jit3A : i32 to vector<64x128xi32>
    %div3A_5 = arith.divsi %iota3A_4, %div3A : vector<64x128xi32>
    %sign3A = arith.constant 0 : i32
    %sign3A_6 = vector.broadcast %sign3A : i32 to vector<64x128xi32>
    %sign3A_7 = arith.cmpi sgt, %iota3A_4, %sign3A_6 : vector<64x128xi32>
    %sign3A_8 = arith.extui %sign3A_7 : vector<64x128xi1> to vector<64x128xi32>
    %sign3A_9 = arith.constant 0 : i32
    %sign3A_10 = vector.broadcast %sign3A_9 : i32 to vector<64x128xi32>
    %sign3A_11 = arith.cmpi slt, %iota3A_4, %sign3A_10 : vector<64x128xi32>
    %sign3A_12 = arith.extui %sign3A_11 : vector<64x128xi1> to vector<64x128xi32>
    %sign3A_13 = arith.subi %sign3A_8, %sign3A_12 : vector<64x128xi32>
    %sign3A_14 = arith.constant 0 : i32
    %sign3A_15 = arith.cmpi sgt, %jit3A, %sign3A_14 : i32
    %sign3A_16 = arith.extui %sign3A_15 : i1 to i32
    %sign3A_17 = arith.constant 0 : i32
    %sign3A_18 = arith.cmpi slt, %jit3A, %sign3A_17 : i32
    %sign3A_19 = arith.extui %sign3A_18 : i1 to i32
    %sign3A_20 = arith.subi %sign3A_16, %sign3A_19 : i32
    %ne3A = vector.broadcast %sign3A_20 : i32 to vector<64x128xi32>
    %ne3A_21 = arith.cmpi ne, %sign3A_13, %ne3A : vector<64x128xi32>
    %rem3A = vector.broadcast %jit3A : i32 to vector<64x128xi32>
    %rem3A_22 = arith.remsi %iota3A_4, %rem3A : vector<64x128xi32>
    %ne3A_23 = arith.constant 0 : i32
    %ne3A_24 = vector.broadcast %ne3A_23 : i32 to vector<64x128xi32>
    %ne3A_25 = arith.cmpi ne, %rem3A_22, %ne3A_24 : vector<64x128xi32>
    %and3A = arith.andi %ne3A_21, %ne3A_25 : vector<64x128xi1>
    %sub3A = arith.constant 1 : i32
    %sub3A_26 = vector.broadcast %sub3A : i32 to vector<64x128xi32>
    %sub3A_27 = arith.subi %div3A_5, %sub3A_26 : vector<64x128xi32>
    %select_n3A = arith.select %and3A, %sub3A_27, %div3A_5 : vector<64x128xi1>, vector<64x128xi32>
    %eq3A = arith.cmpi eq, %select_n3A, %iota3A : vector<64x128xi32>
    %convert_element_type3A = arith.extui %eq3A : vector<64x128xi1> to vector<64x128xi32>
    %convert_element_type3A_28 = arith.sitofp %convert_element_type3A : vector<64x128xi32> to vector<64x128xf32>
    %iota3A_29 = tpu.iota {dimensions = array<i32: 0>} : vector<256x128xi32>
    %iota3A_30 = tpu.iota {dimensions = array<i32: 1>} : vector<256x128xi32>
    %jit3A_31 = arith.constant 2 : i32
    %div3A_32 = vector.broadcast %jit3A_31 : i32 to vector<256x128xi32>
    %div3A_33 = arith.divsi %iota3A_29, %div3A_32 : vector<256x128xi32>
    %sign3A_34 = arith.constant 0 : i32
    %sign3A_35 = vector.broadcast %sign3A_34 : i32 to vector<256x128xi32>
    %sign3A_36 = arith.cmpi sgt, %iota3A_29, %sign3A_35 : vector<256x128xi32>
    %sign3A_37 = arith.extui %sign3A_36 : vector<256x128xi1> to vector<256x128xi32>
    %sign3A_38 = arith.constant 0 : i32
    %sign3A_39 = vector.broadcast %sign3A_38 : i32 to vector<256x128xi32>
    %sign3A_40 = arith.cmpi slt, %iota3A_29, %sign3A_39 : vector<256x128xi32>
    %sign3A_41 = arith.extui %sign3A_40 : vector<256x128xi1> to vector<256x128xi32>
    %sign3A_42 = arith.subi %sign3A_37, %sign3A_41 : vector<256x128xi32>
    %sign3A_43 = arith.constant 0 : i32
    %sign3A_44 = arith.cmpi sgt, %jit3A_31, %sign3A_43 : i32
    %sign3A_45 = arith.extui %sign3A_44 : i1 to i32
    %sign3A_46 = arith.constant 0 : i32
    %sign3A_47 = arith.cmpi slt, %jit3A_31, %sign3A_46 : i32
    %sign3A_48 = arith.extui %sign3A_47 : i1 to i32
    %sign3A_49 = arith.subi %sign3A_45, %sign3A_48 : i32
    %ne3A_50 = vector.broadcast %sign3A_49 : i32 to vector<256x128xi32>
    %ne3A_51 = arith.cmpi ne, %sign3A_42, %ne3A_50 : vector<256x128xi32>
    %rem3A_52 = vector.broadcast %jit3A_31 : i32 to vector<256x128xi32>
    %rem3A_53 = arith.remsi %iota3A_29, %rem3A_52 : vector<256x128xi32>
    %ne3A_54 = arith.constant 0 : i32
    %ne3A_55 = vector.broadcast %ne3A_54 : i32 to vector<256x128xi32>
    %ne3A_56 = arith.cmpi ne, %rem3A_53, %ne3A_55 : vector<256x128xi32>
    %and3A_57 = arith.andi %ne3A_51, %ne3A_56 : vector<256x128xi1>
    %sub3A_58 = arith.constant 1 : i32
    %sub3A_59 = vector.broadcast %sub3A_58 : i32 to vector<256x128xi32>
    %sub3A_60 = arith.subi %div3A_33, %sub3A_59 : vector<256x128xi32>
    %select_n3A_61 = arith.select %and3A_57, %sub3A_60, %div3A_33 : vector<256x128xi1>, vector<256x128xi32>
    %eq3A_62 = arith.cmpi eq, %select_n3A_61, %iota3A_30 : vector<256x128xi32>
    %convert_element_type3A_63 = arith.extui %eq3A_62 : vector<256x128xi1> to vector<256x128xi32>
    %convert_element_type3A_64 = arith.sitofp %convert_element_type3A_63 : vector<256x128xi32> to vector<256x128xf32>
    %dot_general3A = arith.constant dense<0.000000e+00> : vector<64x256xf32>
    %dot_general3A_65 = tpu.matmul %convert_element_type3A_28, %get3A_3, %dot_general3A {dimension_numbers = #tpu.dot_dimension_numbers<[1], [0], [0], [1], [0, 0, 1, 1], [], []>, transpose_lhs_hint = false} : vector<64x128xf32>, vector<128x256xf32>, vector<64x256xf32> -> vector<64x256xf32>
    %dot_general3A_66 = arith.constant dense<0.000000e+00> : vector<64x128xf32>
    %dot_general3A_67 = tpu.matmul %dot_general3A_65, %convert_element_type3A_64, %dot_general3A_66 {dimension_numbers = #tpu.dot_dimension_numbers<[1], [0], [0], [1], [0, 0, 1, 1], [], []>, transpose_lhs_hint = false} : vector<64x256xf32>, vector<256x128xf32>, vector<64x128xf32> -> vector<64x128xf32>
    %gt3A = arith.constant 0.000000e+00 : f32
    %gt3A_68 = vector.broadcast %gt3A : f32 to vector<64x128xf32>
    %gt3A_69 = arith.cmpf ogt, %dot_general3A_67, %gt3A_68 : vector<64x128xf32>
    %convert_element_type3A_70 = arith.extui %gt3A_69 : vector<64x128xi1> to vector<64x128xi32>
    %convert_element_type3A_71 = arith.sitofp %convert_element_type3A_70 : vector<64x128xi32> to vector<64x128xf32>
    %swap3A = arith.constant 0 : index
    %swap3A_72 = arith.constant 0 : index
    %swap3A_73 = arith.constant 0 : index
    %swap3A_74 = vector.load %arg2[%swap3A, %swap3A_72, %swap3A_73] : memref<1x64x128xf32, #tpu.memory_space<vmem>>, vector<1x64x128xf32>
    %swap3A_75 = vector.shape_cast %swap3A_74 : vector<1x64x128xf32> to vector<64x128xf32>
    %swap3A_76 = vector.shape_cast %convert_element_type3A_71 : vector<64x128xf32> to vector<1x64x128xf32>
    tpu.vector_store %arg2[%swap3A, %swap3A_72, %swap3A_73], %swap3A_76 {strides = array<i32>} : memref<1x64x128xf32, #tpu.memory_space<vmem>>, vector<1x64x128xf32>,
    %iota3A_77 = tpu.iota {dimensions = array<i32: 0>} : vector<32x128xi32>
    %iota3A_78 = tpu.iota {dimensions = array<i32: 1>} : vector<32x128xi32>
    %jit3A_79 = arith.constant 4 : i32
    %div3A_80 = vector.broadcast %jit3A_79 : i32 to vector<32x128xi32>
    %div3A_81 = arith.divsi %iota3A_78, %div3A_80 : vector<32x128xi32>
    %sign3A_82 = arith.constant 0 : i32
    %sign3A_83 = vector.broadcast %sign3A_82 : i32 to vector<32x128xi32>
    %sign3A_84 = arith.cmpi sgt, %iota3A_78, %sign3A_83 : vector<32x128xi32>
    %sign3A_85 = arith.extui %sign3A_84 : vector<32x128xi1> to vector<32x128xi32>
    %sign3A_86 = arith.constant 0 : i32
    %sign3A_87 = vector.broadcast %sign3A_86 : i32 to vector<32x128xi32>
    %sign3A_88 = arith.cmpi slt, %iota3A_78, %sign3A_87 : vector<32x128xi32>
    %sign3A_89 = arith.extui %sign3A_88 : vector<32x128xi1> to vector<32x128xi32>
    %sign3A_90 = arith.subi %sign3A_85, %sign3A_89 : vector<32x128xi32>
    %sign3A_91 = arith.constant 0 : i32
    %sign3A_92 = arith.cmpi sgt, %jit3A_79, %sign3A_91 : i32
    %sign3A_93 = arith.extui %sign3A_92 : i1 to i32
    %sign3A_94 = arith.constant 0 : i32
    %sign3A_95 = arith.cmpi slt, %jit3A_79, %sign3A_94 : i32
    %sign3A_96 = arith.extui %sign3A_95 : i1 to i32
    %sign3A_97 = arith.subi %sign3A_93, %sign3A_96 : i32
    %ne3A_98 = vector.broadcast %sign3A_97 : i32 to vector<32x128xi32>
    %ne3A_99 = arith.cmpi ne, %sign3A_90, %ne3A_98 : vector<32x128xi32>
    %rem3A_100 = vector.broadcast %jit3A_79 : i32 to vector<32x128xi32>
    %rem3A_101 = arith.remsi %iota3A_78, %rem3A_100 : vector<32x128xi32>
    %ne3A_102 = arith.constant 0 : i32
    %ne3A_103 = vector.broadcast %ne3A_102 : i32 to vector<32x128xi32>
    %ne3A_104 = arith.cmpi ne, %rem3A_101, %ne3A_103 : vector<32x128xi32>
    %and3A_105 = arith.andi %ne3A_99, %ne3A_104 : vector<32x128xi1>
    %sub3A_106 = arith.constant 1 : i32
    %sub3A_107 = vector.broadcast %sub3A_106 : i32 to vector<32x128xi32>
    %sub3A_108 = arith.subi %div3A_81, %sub3A_107 : vector<32x128xi32>
    %select_n3A_109 = arith.select %and3A_105, %sub3A_108, %div3A_81 : vector<32x128xi1>, vector<32x128xi32>
    %eq3A_110 = arith.cmpi eq, %select_n3A_109, %iota3A_77 : vector<32x128xi32>
    %convert_element_type3A_111 = arith.extui %eq3A_110 : vector<32x128xi1> to vector<32x128xi32>
    %convert_element_type3A_112 = arith.sitofp %convert_element_type3A_111 : vector<32x128xi32> to vector<32x128xf32>
    %iota3A_113 = tpu.iota {dimensions = array<i32: 0>} : vector<256x64xi32>
    %iota3A_114 = tpu.iota {dimensions = array<i32: 1>} : vector<256x64xi32>
    %jit3A_115 = arith.constant 4 : i32
    %div3A_116 = vector.broadcast %jit3A_115 : i32 to vector<256x64xi32>
    %div3A_117 = arith.divsi %iota3A_113, %div3A_116 : vector<256x64xi32>
    %sign3A_118 = arith.constant 0 : i32
    %sign3A_119 = vector.broadcast %sign3A_118 : i32 to vector<256x64xi32>
    %sign3A_120 = arith.cmpi sgt, %iota3A_113, %sign3A_119 : vector<256x64xi32>
    %sign3A_121 = arith.extui %sign3A_120 : vector<256x64xi1> to vector<256x64xi32>
    %sign3A_122 = arith.constant 0 : i32
    %sign3A_123 = vector.broadcast %sign3A_122 : i32 to vector<256x64xi32>
    %sign3A_124 = arith.cmpi slt, %iota3A_113, %sign3A_123 : vector<256x64xi32>
    %sign3A_125 = arith.extui %sign3A_124 : vector<256x64xi1> to vector<256x64xi32>
    %sign3A_126 = arith.subi %sign3A_121, %sign3A_125 : vector<256x64xi32>
    %sign3A_127 = arith.constant 0 : i32
    %sign3A_128 = arith.cmpi sgt, %jit3A_115, %sign3A_127 : i32
    %sign3A_129 = arith.extui %sign3A_128 : i1 to i32
    %sign3A_130 = arith.constant 0 : i32
    %sign3A_131 = arith.cmpi slt, %jit3A_115, %sign3A_130 : i32
    %sign3A_132 = arith.extui %sign3A_131 : i1 to i32
    %sign3A_133 = arith.subi %sign3A_129, %sign3A_132 : i32
    %ne3A_134 = vector.broadcast %sign3A_133 : i32 to vector<256x64xi32>
    %ne3A_135 = arith.cmpi ne, %sign3A_126, %ne3A_134 : vector<256x64xi32>
    %rem3A_136 = vector.broadcast %jit3A_115 : i32 to vector<256x64xi32>
    %rem3A_137 = arith.remsi %iota3A_113, %rem3A_136 : vector<256x64xi32>
    %ne3A_138 = arith.constant 0 : i32
    %ne3A_139 = vector.broadcast %ne3A_138 : i32 to vector<256x64xi32>
    %ne3A_140 = arith.cmpi ne, %rem3A_137, %ne3A_139 : vector<256x64xi32>
    %and3A_141 = arith.andi %ne3A_135, %ne3A_140 : vector<256x64xi1>
    %sub3A_142 = arith.constant 1 : i32
    %sub3A_143 = vector.broadcast %sub3A_142 : i32 to vector<256x64xi32>
    %sub3A_144 = arith.subi %div3A_117, %sub3A_143 : vector<256x64xi32>
    %select_n3A_145 = arith.select %and3A_141, %sub3A_144, %div3A_117 : vector<256x64xi1>, vector<256x64xi32>
    %eq3A_146 = arith.cmpi eq, %select_n3A_145, %iota3A_114 : vector<256x64xi32>
    %convert_element_type3A_147 = arith.extui %eq3A_146 : vector<256x64xi1> to vector<256x64xi32>
    %convert_element_type3A_148 = arith.sitofp %convert_element_type3A_147 : vector<256x64xi32> to vector<256x64xf32>
    %dot_general3A_149 = arith.constant dense<0.000000e+00> : vector<32x256xf32>
    %dot_general3A_150 = tpu.matmul %convert_element_type3A_112, %get3A_3, %dot_general3A_149 {dimension_numbers = #tpu.dot_dimension_numbers<[1], [0], [0], [1], [0, 0, 1, 1], [], []>, transpose_lhs_hint = false} : vector<32x128xf32>, vector<128x256xf32>, vector<32x256xf32> -> vector<32x256xf32>
    %dot_general3A_151 = arith.constant dense<0.000000e+00> : vector<32x64xf32>
    %dot_general3A_152 = tpu.matmul %dot_general3A_150, %convert_element_type3A_148, %dot_general3A_151 {dimension_numbers = #tpu.dot_dimension_numbers<[1], [0], [0], [1], [0, 0, 1, 1], [], []>, transpose_lhs_hint = false} : vector<32x256xf32>, vector<256x64xf32>, vector<32x64xf32> -> vector<32x64xf32>
    %gt3A_153 = arith.constant 0.000000e+00 : f32
    %gt3A_154 = vector.broadcast %gt3A_153 : f32 to vector<32x64xf32>
    %gt3A_155 = arith.cmpf ogt, %dot_general3A_152, %gt3A_154 : vector<32x64xf32>
    %convert_element_type3A_156 = arith.extui %gt3A_155 : vector<32x64xi1> to vector<32x64xi32>
    %convert_element_type3A_157 = arith.sitofp %convert_element_type3A_156 : vector<32x64xi32> to vector<32x64xf32>
    %swap3A_158 = arith.constant 0 : index
    %swap3A_159 = arith.constant 0 : index
    %swap3A_160 = arith.constant 0 : index
    %swap3A_161 = vector.load %arg3[%swap3A_158, %swap3A_159, %swap3A_160] : memref<1x32x64xf32, #tpu.memory_space<vmem>>, vector<1x32x64xf32>
    %swap3A_162 = vector.shape_cast %swap3A_161 : vector<1x32x64xf32> to vector<32x64xf32>
    %swap3A_163 = vector.shape_cast %convert_element_type3A_157 : vector<32x64xf32> to vector<1x32x64xf32>
    tpu.vector_store %arg3[%swap3A_158, %swap3A_159, %swap3A_160], %swap3A_163 {strides = array<i32>} : memref<1x32x64xf32, #tpu.memory_space<vmem>>, vector<1x32x64xf32>,
    return
  }
  func.func @transform_0(%arg0: i32) -> (i32, i32, i32) {
    %c0_i32 = arith.constant 0 : i32
    %c0_i32_0 = arith.constant 0 : i32
    %c0_i32_1 = arith.constant 0 : i32
    return %arg0, %c0_i32, %c0_i32_0 : i32, i32, i32
  }
  func.func @transform_1(%arg0: i32) -> (i32, i32, i32) {
    %c0_i32 = arith.constant 0 : i32
    %c0_i32_0 = arith.constant 0 : i32
    %c0_i32_1 = arith.constant 0 : i32
    return %arg0, %c0_i32, %c0_i32_0 : i32, i32, i32
  }
  func.func @transform_2(%arg0: i32) -> (i32, i32, i32) {
    %c0_i32 = arith.constant 0 : i32
    %c0_i32_0 = arith.constant 0 : i32
    %c0_i32_1 = arith.constant 0 : i32
    return %arg0, %c0_i32, %c0_i32_0 : i32, i32, i32
  }
}

module attributes {stable_mosaic.version = 14 : i64} {
  func.func @_select_body(%arg0: i32, %arg1: memref<512x256xf32, #tpu.memory_space<vmem>>, %arg2: memref<256x1024xf32, #tpu.memory_space<vmem>>, %arg3: memref<1x1024xf32, #tpu.memory_space<vmem>>, %arg4: memref<1x512x1xf32, #tpu.memory_space<vmem>>, %arg5: memref<1x512x1xi32, #tpu.memory_space<vmem>>, %arg6: memref<1x512x1xi32, #tpu.memory_space<vmem>>, %arg7: memref<1x512x1xi32, #tpu.memory_space<vmem>>) attributes {dimension_semantics = [#tpu.dimension_semantics<arbitrary>], iteration_bounds = array<i64: 64>, scalar_prefetch = 0 : i64, scratch_operands = 0 : i64, tpu.core_type = #tpu.core_type<tc>, window_params = [{transform_indices = @transform_0, window_bounds = array<i64: 512, 256>}, {pipeline_mode = #tpu.pipeline_mode<synchronous>, transform_indices = @transform_1, window_bounds = array<i64: 256, 1024>}, {pipeline_mode = #tpu.pipeline_mode<synchronous>, transform_indices = @transform_2, window_bounds = array<i64: 1, 1024>}, {transform_indices = @transform_3, window_bounds = array<i64: 1, 512, 1>}, {transform_indices = @transform_4, window_bounds = array<i64: 1, 512, 1>}, {transform_indices = @transform_5, window_bounds = array<i64: 1, 512, 1>}, {transform_indices = @transform_6, window_bounds = array<i64: 1, 512, 1>}]} {
    %get3A = arith.constant 0 : index
    %get3A_0 = arith.constant 0 : index
    %get3A_1 = vector.load %arg1[%get3A, %get3A_0] : memref<512x256xf32, #tpu.memory_space<vmem>>, vector<512x256xf32>
    %get3A_2 = arith.constant 0 : index
    %get3A_3 = arith.constant 0 : index
    %get3A_4 = vector.load %arg2[%get3A_2, %get3A_3] : memref<256x1024xf32, #tpu.memory_space<vmem>>, vector<256x1024xf32>
    %dot_general3A = arith.constant dense<0.000000e+00> : vector<512x1024xf32>
    %dot_general3A_5 = tpu.matmul %get3A_1, %get3A_4, %dot_general3A {dimension_numbers = #tpu.dot_dimension_numbers<[1], [0], [0], [1], [0, 0, 1, 1], [], []>, transpose_lhs_hint = false} : vector<512x256xf32>, vector<256x1024xf32>, vector<512x1024xf32> -> vector<512x1024xf32>
    %get3A_6 = arith.constant 0 : index
    %get3A_7 = arith.constant 0 : index
    %get3A_8 = arith.constant 0 : index
    %get3A_9 = vector.load %arg4[%get3A_6, %get3A_7, %get3A_8] : memref<1x512x1xf32, #tpu.memory_space<vmem>>, vector<1x512x1xf32>
    %get3A_10 = vector.shape_cast %get3A_9 : vector<1x512x1xf32> to vector<512x1xf32>
    %mul3A = arith.constant 2.000000e+00 : f32
    %mul3A_11 = vector.broadcast %mul3A : f32 to vector<512x1024xf32>
    %mul3A_12 = arith.mulf %mul3A_11, %dot_general3A_5 : vector<512x1024xf32>
    %sub3A = vector.broadcast %get3A_10 : vector<512x1xf32> to vector<512x1024xf32>
    %sub3A_13 = arith.subf %sub3A, %mul3A_12 : vector<512x1024xf32>
    %get3A_14 = arith.constant 0 : index
    %get3A_15 = arith.constant 0 : index
    %get3A_16 = vector.load %arg3[%get3A_14, %get3A_15] : memref<1x1024xf32, #tpu.memory_space<vmem>>, vector<1x1024xf32>
    %add3A = vector.broadcast %get3A_16 : vector<1x1024xf32> to vector<512x1024xf32>
    %add3A_17 = arith.addf %sub3A_13, %add3A : vector<512x1024xf32>
    %bitcast_convert_type3A = tpu.bitcast %add3A_17 : vector<512x1024xf32> -> vector<512x1024xi32>
    %lt3A = arith.constant 0 : i32
    %lt3A_18 = vector.broadcast %lt3A : i32 to vector<512x1024xi32>
    %lt3A_19 = arith.cmpi slt, %bitcast_convert_type3A, %lt3A_18 : vector<512x1024xi32>
    %xor3A = arith.constant 2147483647 : i32
    %xor3A_20 = vector.broadcast %xor3A : i32 to vector<512x1024xi32>
    %xor3A_21 = arith.xori %bitcast_convert_type3A, %xor3A_20 : vector<512x1024xi32>
    %select_n3A = arith.select %lt3A_19, %xor3A_21, %bitcast_convert_type3A : vector<512x1024xi1>, vector<512x1024xi32>
    %iota3A = tpu.iota {dimensions = array<i32: 1>} : vector<512x1024xi32>
    %reduce_min3A = arith.constant dense<2147483647> : vector<512xi32>
    %reduce_min3A_22 = vector.multi_reduction <minsi>, %select_n3A, %reduce_min3A [1] : vector<512x1024xi32> to vector<512xi32>
    %broadcast_in_dim3A = vector.shape_cast %reduce_min3A_22 : vector<512xi32> to vector<512x1xi32>
    %eq3A = vector.broadcast %broadcast_in_dim3A : vector<512x1xi32> to vector<512x1024xi32>
    %eq3A_23 = arith.cmpi eq, %select_n3A, %eq3A : vector<512x1024xi32>
    %jit3A = arith.constant 1024 : i32
    %broadcast_in_dim3A_24 = vector.broadcast %jit3A : i32 to vector<512x1024xi32>
    %select_n3A_25 = arith.select %eq3A_23, %iota3A, %broadcast_in_dim3A_24 : vector<512x1024xi1>, vector<512x1024xi32>
    %reduce_min3A_26 = arith.constant dense<2147483647> : vector<512xi32>
    %reduce_min3A_27 = vector.multi_reduction <minsi>, %select_n3A_25, %reduce_min3A_26 [1] : vector<512x1024xi32> to vector<512xi32>
    %broadcast_in_dim3A_28 = vector.shape_cast %reduce_min3A_27 : vector<512xi32> to vector<512x1xi32>
    %eq3A_29 = vector.broadcast %broadcast_in_dim3A_28 : vector<512x1xi32> to vector<512x1024xi32>
    %eq3A_30 = arith.cmpi eq, %iota3A, %eq3A_29 : vector<512x1024xi32>
    %jit3A_31 = arith.constant 2147483647 : i32
    %broadcast_in_dim3A_32 = vector.broadcast %jit3A_31 : i32 to vector<512x1024xi32>
    %select_n3A_33 = arith.select %eq3A_30, %broadcast_in_dim3A_32, %select_n3A : vector<512x1024xi1>, vector<512x1024xi32>
    %reduce_min3A_34 = arith.constant dense<2147483647> : vector<512xi32>
    %reduce_min3A_35 = vector.multi_reduction <minsi>, %select_n3A_33, %reduce_min3A_34 [1] : vector<512x1024xi32> to vector<512xi32>
    %broadcast_in_dim3A_36 = vector.shape_cast %reduce_min3A_35 : vector<512xi32> to vector<512x1xi32>
    %eq3A_37 = vector.broadcast %broadcast_in_dim3A_36 : vector<512x1xi32> to vector<512x1024xi32>
    %eq3A_38 = arith.cmpi eq, %select_n3A_33, %eq3A_37 : vector<512x1024xi32>
    %jit3A_39 = arith.constant 1024 : i32
    %broadcast_in_dim3A_40 = vector.broadcast %jit3A_39 : i32 to vector<512x1024xi32>
    %select_n3A_41 = arith.select %eq3A_38, %iota3A, %broadcast_in_dim3A_40 : vector<512x1024xi1>, vector<512x1024xi32>
    %reduce_min3A_42 = arith.constant dense<2147483647> : vector<512xi32>
    %reduce_min3A_43 = vector.multi_reduction <minsi>, %select_n3A_41, %reduce_min3A_42 [1] : vector<512x1024xi32> to vector<512xi32>
    %broadcast_in_dim3A_44 = vector.shape_cast %reduce_min3A_43 : vector<512xi32> to vector<512x1xi32>
    %broadcast_in_dim3A_45 = arith.constant 0 : i32
    %broadcast_in_dim3A_46 = vector.broadcast %broadcast_in_dim3A_45 : i32 to vector<512x1xi32>
    %scan3A = arith.constant 0 : i32
    %scan3A_47 = arith.constant 32 : i32
    %scan3A_48 = arith.addi %scan3A, %scan3A_47 : i32
    %scan3A_49 = arith.constant 1 : i32
    %scan3A_50 = scf.for %scan3A_101 = %scan3A to %scan3A_48 step %scan3A_49 iter_args(%scan3A_102 = %broadcast_in_dim3A_46) -> (vector<512x1xi32>)  : i32 {
      %sub3A_103 = arith.constant 31 : i32
      %sub3A_104 = arith.subi %sub3A_103, %scan3A_101 : i32
      %shift_left3A = arith.constant 1 : i32
      %shift_left3A_105 = arith.shli %shift_left3A, %sub3A_104 : i32
      %or3A = vector.broadcast %shift_left3A_105 : i32 to vector<512x1xi32>
      %or3A_106 = arith.ori %scan3A_102, %or3A : vector<512x1xi32>
      %xor3A_107 = arith.constant -2147483648 : i32
      %xor3A_108 = vector.broadcast %xor3A_107 : i32 to vector<512x1xi32>
      %xor3A_109 = arith.xori %or3A_106, %xor3A_108 : vector<512x1xi32>
      %lt3A_110 = vector.broadcast %xor3A_109 : vector<512x1xi32> to vector<512x1024xi32>
      %lt3A_111 = arith.cmpi slt, %select_n3A, %lt3A_110 : vector<512x1024xi32>
      %convert_element_type3A_112 = arith.extui %lt3A_111 : vector<512x1024xi1> to vector<512x1024xi32>
      %reduce_sum3A_113 = arith.constant dense<0> : vector<512xi32>
      %reduce_sum3A_114 = vector.multi_reduction <add>, %convert_element_type3A_112, %reduce_sum3A_113 [1] : vector<512x1024xi32> to vector<512xi32>
      %broadcast_in_dim3A_115 = vector.shape_cast %reduce_sum3A_114 : vector<512xi32> to vector<512x1xi32>
      %le3A = arith.constant 537 : i32
      %le3A_116 = vector.broadcast %le3A : i32 to vector<512x1xi32>
      %le3A_117 = arith.cmpi sle, %broadcast_in_dim3A_115, %le3A_116 : vector<512x1xi32>
      %select_n3A_118 = arith.select %le3A_117, %or3A_106, %scan3A_102 : vector<512x1xi1>, vector<512x1xi32>
      scf.yield %select_n3A_118 : vector<512x1xi32>
    }
    %scan3A_51 = arith.constant 32 : i32
    %xor3A_52 = arith.constant -2147483648 : i32
    %xor3A_53 = vector.broadcast %xor3A_52 : i32 to vector<512x1xi32>
    %xor3A_54 = arith.xori %scan3A_50, %xor3A_53 : vector<512x1xi32>
    %lt3A_55 = vector.broadcast %xor3A_54 : vector<512x1xi32> to vector<512x1024xi32>
    %lt3A_56 = arith.cmpi slt, %select_n3A, %lt3A_55 : vector<512x1024xi32>
    %convert_element_type3A = arith.extui %lt3A_56 : vector<512x1024xi1> to vector<512x1024xi32>
    %reduce_sum3A = arith.constant dense<0> : vector<512xi32>
    %reduce_sum3A_57 = vector.multi_reduction <add>, %convert_element_type3A, %reduce_sum3A [1] : vector<512x1024xi32> to vector<512xi32>
    %broadcast_in_dim3A_58 = vector.shape_cast %reduce_sum3A_57 : vector<512xi32> to vector<512x1xi32>
    %sub3A_59 = arith.constant 537 : i32
    %sub3A_60 = vector.broadcast %sub3A_59 : i32 to vector<512x1xi32>
    %sub3A_61 = arith.subi %sub3A_60, %broadcast_in_dim3A_58 : vector<512x1xi32>
    %eq3A_62 = vector.broadcast %xor3A_54 : vector<512x1xi32> to vector<512x1024xi32>
    %eq3A_63 = arith.cmpi eq, %select_n3A, %eq3A_62 : vector<512x1024xi32>
    %broadcast_in_dim3A_64 = arith.constant 0 : i32
    %broadcast_in_dim3A_65 = vector.broadcast %broadcast_in_dim3A_64 : i32 to vector<512x1xi32>
    %scan3A_66 = arith.constant 0 : i32
    %scan3A_67 = arith.constant 10 : i32
    %scan3A_68 = arith.addi %scan3A_66, %scan3A_67 : i32
    %scan3A_69 = arith.constant 1 : i32
    %scan3A_70 = scf.for %scan3A_101 = %scan3A_66 to %scan3A_68 step %scan3A_69 iter_args(%scan3A_102 = %broadcast_in_dim3A_65) -> (vector<512x1xi32>)  : i32 {
      %sub3A_103 = arith.constant 9 : i32
      %sub3A_104 = arith.subi %sub3A_103, %scan3A_101 : i32
      %shift_left3A = arith.constant 1 : i32
      %shift_left3A_105 = arith.shli %shift_left3A, %sub3A_104 : i32
      %add3A_106 = vector.broadcast %shift_left3A_105 : i32 to vector<512x1xi32>
      %add3A_107 = arith.addi %scan3A_102, %add3A_106 : vector<512x1xi32>
      %lt3A_108 = vector.broadcast %add3A_107 : vector<512x1xi32> to vector<512x1024xi32>
      %lt3A_109 = arith.cmpi slt, %iota3A, %lt3A_108 : vector<512x1024xi32>
      %and3A = arith.andi %eq3A_63, %lt3A_109 : vector<512x1024xi1>
      %convert_element_type3A_110 = arith.extui %and3A : vector<512x1024xi1> to vector<512x1024xi32>
      %reduce_sum3A_111 = arith.constant dense<0> : vector<512xi32>
      %reduce_sum3A_112 = vector.multi_reduction <add>, %convert_element_type3A_110, %reduce_sum3A_111 [1] : vector<512x1024xi32> to vector<512xi32>
      %broadcast_in_dim3A_113 = vector.shape_cast %reduce_sum3A_112 : vector<512xi32> to vector<512x1xi32>
      %le3A = arith.cmpi sle, %broadcast_in_dim3A_113, %sub3A_61 : vector<512x1xi32>
      %select_n3A_114 = arith.select %le3A, %add3A_107, %scan3A_102 : vector<512x1xi1>, vector<512x1xi32>
      scf.yield %select_n3A_114 : vector<512x1xi32>
    }
    %scan3A_71 = arith.constant 10 : i32
    %get3A_72 = arith.constant 0 : index
    %get3A_73 = arith.constant 0 : index
    %get3A_74 = arith.constant 0 : index
    %get3A_75 = vector.load %arg5[%get3A_72, %get3A_73, %get3A_74] : memref<1x512x1xi32, #tpu.memory_space<vmem>>, vector<1x512x1xi32>
    %get3A_76 = vector.shape_cast %get3A_75 : vector<1x512x1xi32> to vector<512x1xi32>
    %ne3A = arith.constant 0 : i32
    %ne3A_77 = vector.broadcast %ne3A : i32 to vector<512x1xi32>
    %ne3A_78 = arith.cmpi ne, %get3A_76, %ne3A_77 : vector<512x1xi32>
    %select_n3A_79 = arith.select %ne3A_78, %broadcast_in_dim3A_44, %scan3A_70 : vector<512x1xi1>, vector<512x1xi32>
    %mul3A_80 = arith.constant 512 : i32
    %mul3A_81 = arith.muli %arg0, %mul3A_80 : i32
    %add3A_82 = arith.constant 1024 : i32
    %add3A_83 = arith.addi %mul3A_81, %add3A_82 : i32
    %iota3A_84 = tpu.iota {dimensions = array<i32: 0>} : vector<512x1xi32>
    %get3A_85 = arith.constant 0 : index
    %get3A_86 = arith.constant 0 : index
    %get3A_87 = arith.constant 0 : index
    %get3A_88 = vector.load %arg6[%get3A_85, %get3A_86, %get3A_87] : memref<1x512x1xi32, #tpu.memory_space<vmem>>, vector<1x512x1xi32>
    %get3A_89 = vector.shape_cast %get3A_88 : vector<1x512x1xi32> to vector<512x1xi32>
    %ne3A_90 = arith.constant 0 : i32
    %ne3A_91 = vector.broadcast %ne3A_90 : i32 to vector<512x1xi32>
    %ne3A_92 = arith.cmpi ne, %get3A_89, %ne3A_91 : vector<512x1xi32>
    %add3A_93 = vector.broadcast %add3A_83 : i32 to vector<512x1xi32>
    %add3A_94 = arith.addi %add3A_93, %iota3A_84 : vector<512x1xi32>
    %select_n3A_95 = arith.select %ne3A_92, %select_n3A_79, %add3A_94 : vector<512x1xi1>, vector<512x1xi32>
    %swap3A = arith.constant 0 : index
    %swap3A_96 = arith.constant 0 : index
    %swap3A_97 = arith.constant 0 : index
    %swap3A_98 = vector.load %arg7[%swap3A, %swap3A_96, %swap3A_97] : memref<1x512x1xi32, #tpu.memory_space<vmem>>, vector<1x512x1xi32>
    %swap3A_99 = vector.shape_cast %swap3A_98 : vector<1x512x1xi32> to vector<512x1xi32>
    %swap3A_100 = vector.shape_cast %select_n3A_95 : vector<512x1xi32> to vector<1x512x1xi32>
    tpu.vector_store %arg7[%swap3A, %swap3A_96, %swap3A_97], %swap3A_100 {strides = array<i32>} : memref<1x512x1xi32, #tpu.memory_space<vmem>>, vector<1x512x1xi32>,
    return
  }
  func.func @transform_0(%arg0: i32) -> (i32, i32) {
    %c0_i32 = arith.constant 0 : i32
    %c0_i32_0 = arith.constant 0 : i32
    return %arg0, %c0_i32 : i32, i32
  }
  func.func @transform_1(%arg0: i32) -> (i32, i32) {
    %c0_i32 = arith.constant 0 : i32
    %c0_i32_0 = arith.constant 0 : i32
    %c0_i32_1 = arith.constant 0 : i32
    return %c0_i32, %c0_i32_0 : i32, i32
  }
  func.func @transform_2(%arg0: i32) -> (i32, i32) {
    %c0_i32 = arith.constant 0 : i32
    %c0_i32_0 = arith.constant 0 : i32
    %c0_i32_1 = arith.constant 0 : i32
    return %c0_i32, %c0_i32_0 : i32, i32
  }
  func.func @transform_3(%arg0: i32) -> (i32, i32, i32) {
    %c0_i32 = arith.constant 0 : i32
    %c0_i32_0 = arith.constant 0 : i32
    %c0_i32_1 = arith.constant 0 : i32
    return %arg0, %c0_i32, %c0_i32_0 : i32, i32, i32
  }
  func.func @transform_4(%arg0: i32) -> (i32, i32, i32) {
    %c0_i32 = arith.constant 0 : i32
    %c0_i32_0 = arith.constant 0 : i32
    %c0_i32_1 = arith.constant 0 : i32
    return %arg0, %c0_i32, %c0_i32_0 : i32, i32, i32
  }
  func.func @transform_5(%arg0: i32) -> (i32, i32, i32) {
    %c0_i32 = arith.constant 0 : i32
    %c0_i32_0 = arith.constant 0 : i32
    %c0_i32_1 = arith.constant 0 : i32
    return %arg0, %c0_i32, %c0_i32_0 : i32, i32, i32
  }
  func.func @transform_6(%arg0: i32) -> (i32, i32, i32) {
    %c0_i32 = arith.constant 0 : i32
    %c0_i32_0 = arith.constant 0 : i32
    %c0_i32_1 = arith.constant 0 : i32
    return %arg0, %c0_i32, %c0_i32_0 : i32, i32, i32
  }
}

module attributes {stable_mosaic.version = 14 : i64} {
  func.func @_select_body(%arg0: i32, %arg1: memref<512x256xf32, #tpu.memory_space<vmem>>, %arg2: memref<256x1024xf32, #tpu.memory_space<vmem>>, %arg3: memref<1x1024xf32, #tpu.memory_space<vmem>>, %arg4: memref<1x512x1xf32, #tpu.memory_space<vmem>>, %arg5: memref<1x512x1xi32, #tpu.memory_space<vmem>>, %arg6: memref<1x512x1xi32, #tpu.memory_space<vmem>>, %arg7: memref<1x512x1xi32, #tpu.memory_space<vmem>>) attributes {dimension_semantics = [#tpu.dimension_semantics<arbitrary>], iteration_bounds = array<i64: 16>, scalar_prefetch = 0 : i64, scratch_operands = 0 : i64, tpu.core_type = #tpu.core_type<tc>, window_params = [{transform_indices = @transform_0, window_bounds = array<i64: 512, 256>}, {pipeline_mode = #tpu.pipeline_mode<synchronous>, transform_indices = @transform_1, window_bounds = array<i64: 256, 1024>}, {pipeline_mode = #tpu.pipeline_mode<synchronous>, transform_indices = @transform_2, window_bounds = array<i64: 1, 1024>}, {transform_indices = @transform_3, window_bounds = array<i64: 1, 512, 1>}, {transform_indices = @transform_4, window_bounds = array<i64: 1, 512, 1>}, {transform_indices = @transform_5, window_bounds = array<i64: 1, 512, 1>}, {transform_indices = @transform_6, window_bounds = array<i64: 1, 512, 1>}]} {
    %get3A = arith.constant 0 : index
    %get3A_0 = arith.constant 0 : index
    %get3A_1 = vector.load %arg1[%get3A, %get3A_0] : memref<512x256xf32, #tpu.memory_space<vmem>>, vector<512x256xf32>
    %get3A_2 = arith.constant 0 : index
    %get3A_3 = arith.constant 0 : index
    %get3A_4 = vector.load %arg2[%get3A_2, %get3A_3] : memref<256x1024xf32, #tpu.memory_space<vmem>>, vector<256x1024xf32>
    %dot_general3A = arith.constant dense<0.000000e+00> : vector<512x1024xf32>
    %dot_general3A_5 = tpu.matmul %get3A_1, %get3A_4, %dot_general3A {dimension_numbers = #tpu.dot_dimension_numbers<[1], [0], [0], [1], [0, 0, 1, 1], [], []>, transpose_lhs_hint = false} : vector<512x256xf32>, vector<256x1024xf32>, vector<512x1024xf32> -> vector<512x1024xf32>
    %get3A_6 = arith.constant 0 : index
    %get3A_7 = arith.constant 0 : index
    %get3A_8 = arith.constant 0 : index
    %get3A_9 = vector.load %arg4[%get3A_6, %get3A_7, %get3A_8] : memref<1x512x1xf32, #tpu.memory_space<vmem>>, vector<1x512x1xf32>
    %get3A_10 = vector.shape_cast %get3A_9 : vector<1x512x1xf32> to vector<512x1xf32>
    %mul3A = arith.constant 2.000000e+00 : f32
    %mul3A_11 = vector.broadcast %mul3A : f32 to vector<512x1024xf32>
    %mul3A_12 = arith.mulf %mul3A_11, %dot_general3A_5 : vector<512x1024xf32>
    %sub3A = vector.broadcast %get3A_10 : vector<512x1xf32> to vector<512x1024xf32>
    %sub3A_13 = arith.subf %sub3A, %mul3A_12 : vector<512x1024xf32>
    %get3A_14 = arith.constant 0 : index
    %get3A_15 = arith.constant 0 : index
    %get3A_16 = vector.load %arg3[%get3A_14, %get3A_15] : memref<1x1024xf32, #tpu.memory_space<vmem>>, vector<1x1024xf32>
    %add3A = vector.broadcast %get3A_16 : vector<1x1024xf32> to vector<512x1024xf32>
    %add3A_17 = arith.addf %sub3A_13, %add3A : vector<512x1024xf32>
    %bitcast_convert_type3A = tpu.bitcast %add3A_17 : vector<512x1024xf32> -> vector<512x1024xi32>
    %lt3A = arith.constant 0 : i32
    %lt3A_18 = vector.broadcast %lt3A : i32 to vector<512x1024xi32>
    %lt3A_19 = arith.cmpi slt, %bitcast_convert_type3A, %lt3A_18 : vector<512x1024xi32>
    %xor3A = arith.constant 2147483647 : i32
    %xor3A_20 = vector.broadcast %xor3A : i32 to vector<512x1024xi32>
    %xor3A_21 = arith.xori %bitcast_convert_type3A, %xor3A_20 : vector<512x1024xi32>
    %select_n3A = arith.select %lt3A_19, %xor3A_21, %bitcast_convert_type3A : vector<512x1024xi1>, vector<512x1024xi32>
    %iota3A = tpu.iota {dimensions = array<i32: 1>} : vector<512x1024xi32>
    %reduce_min3A = arith.constant dense<2147483647> : vector<512xi32>
    %reduce_min3A_22 = vector.multi_reduction <minsi>, %select_n3A, %reduce_min3A [1] : vector<512x1024xi32> to vector<512xi32>
    %broadcast_in_dim3A = vector.shape_cast %reduce_min3A_22 : vector<512xi32> to vector<512x1xi32>
    %eq3A = vector.broadcast %broadcast_in_dim3A : vector<512x1xi32> to vector<512x1024xi32>
    %eq3A_23 = arith.cmpi eq, %select_n3A, %eq3A : vector<512x1024xi32>
    %jit3A = arith.constant 1024 : i32
    %broadcast_in_dim3A_24 = vector.broadcast %jit3A : i32 to vector<512x1024xi32>
    %select_n3A_25 = arith.select %eq3A_23, %iota3A, %broadcast_in_dim3A_24 : vector<512x1024xi1>, vector<512x1024xi32>
    %reduce_min3A_26 = arith.constant dense<2147483647> : vector<512xi32>
    %reduce_min3A_27 = vector.multi_reduction <minsi>, %select_n3A_25, %reduce_min3A_26 [1] : vector<512x1024xi32> to vector<512xi32>
    %broadcast_in_dim3A_28 = vector.shape_cast %reduce_min3A_27 : vector<512xi32> to vector<512x1xi32>
    %eq3A_29 = vector.broadcast %broadcast_in_dim3A_28 : vector<512x1xi32> to vector<512x1024xi32>
    %eq3A_30 = arith.cmpi eq, %iota3A, %eq3A_29 : vector<512x1024xi32>
    %jit3A_31 = arith.constant 2147483647 : i32
    %broadcast_in_dim3A_32 = vector.broadcast %jit3A_31 : i32 to vector<512x1024xi32>
    %select_n3A_33 = arith.select %eq3A_30, %broadcast_in_dim3A_32, %select_n3A : vector<512x1024xi1>, vector<512x1024xi32>
    %reduce_min3A_34 = arith.constant dense<2147483647> : vector<512xi32>
    %reduce_min3A_35 = vector.multi_reduction <minsi>, %select_n3A_33, %reduce_min3A_34 [1] : vector<512x1024xi32> to vector<512xi32>
    %broadcast_in_dim3A_36 = vector.shape_cast %reduce_min3A_35 : vector<512xi32> to vector<512x1xi32>
    %eq3A_37 = vector.broadcast %broadcast_in_dim3A_36 : vector<512x1xi32> to vector<512x1024xi32>
    %eq3A_38 = arith.cmpi eq, %select_n3A_33, %eq3A_37 : vector<512x1024xi32>
    %jit3A_39 = arith.constant 1024 : i32
    %broadcast_in_dim3A_40 = vector.broadcast %jit3A_39 : i32 to vector<512x1024xi32>
    %select_n3A_41 = arith.select %eq3A_38, %iota3A, %broadcast_in_dim3A_40 : vector<512x1024xi1>, vector<512x1024xi32>
    %reduce_min3A_42 = arith.constant dense<2147483647> : vector<512xi32>
    %reduce_min3A_43 = vector.multi_reduction <minsi>, %select_n3A_41, %reduce_min3A_42 [1] : vector<512x1024xi32> to vector<512xi32>
    %broadcast_in_dim3A_44 = vector.shape_cast %reduce_min3A_43 : vector<512xi32> to vector<512x1xi32>
    %broadcast_in_dim3A_45 = arith.constant 0 : i32
    %broadcast_in_dim3A_46 = vector.broadcast %broadcast_in_dim3A_45 : i32 to vector<512x1xi32>
    %scan3A = arith.constant 0 : i32
    %scan3A_47 = arith.constant 32 : i32
    %scan3A_48 = arith.addi %scan3A, %scan3A_47 : i32
    %scan3A_49 = arith.constant 1 : i32
    %scan3A_50 = scf.for %scan3A_101 = %scan3A to %scan3A_48 step %scan3A_49 iter_args(%scan3A_102 = %broadcast_in_dim3A_46) -> (vector<512x1xi32>)  : i32 {
      %sub3A_103 = arith.constant 31 : i32
      %sub3A_104 = arith.subi %sub3A_103, %scan3A_101 : i32
      %shift_left3A = arith.constant 1 : i32
      %shift_left3A_105 = arith.shli %shift_left3A, %sub3A_104 : i32
      %or3A = vector.broadcast %shift_left3A_105 : i32 to vector<512x1xi32>
      %or3A_106 = arith.ori %scan3A_102, %or3A : vector<512x1xi32>
      %xor3A_107 = arith.constant -2147483648 : i32
      %xor3A_108 = vector.broadcast %xor3A_107 : i32 to vector<512x1xi32>
      %xor3A_109 = arith.xori %or3A_106, %xor3A_108 : vector<512x1xi32>
      %lt3A_110 = vector.broadcast %xor3A_109 : vector<512x1xi32> to vector<512x1024xi32>
      %lt3A_111 = arith.cmpi slt, %select_n3A, %lt3A_110 : vector<512x1024xi32>
      %convert_element_type3A_112 = arith.extui %lt3A_111 : vector<512x1024xi1> to vector<512x1024xi32>
      %reduce_sum3A_113 = arith.constant dense<0> : vector<512xi32>
      %reduce_sum3A_114 = vector.multi_reduction <add>, %convert_element_type3A_112, %reduce_sum3A_113 [1] : vector<512x1024xi32> to vector<512xi32>
      %broadcast_in_dim3A_115 = vector.shape_cast %reduce_sum3A_114 : vector<512xi32> to vector<512x1xi32>
      %le3A = arith.constant 537 : i32
      %le3A_116 = vector.broadcast %le3A : i32 to vector<512x1xi32>
      %le3A_117 = arith.cmpi sle, %broadcast_in_dim3A_115, %le3A_116 : vector<512x1xi32>
      %select_n3A_118 = arith.select %le3A_117, %or3A_106, %scan3A_102 : vector<512x1xi1>, vector<512x1xi32>
      scf.yield %select_n3A_118 : vector<512x1xi32>
    }
    %scan3A_51 = arith.constant 32 : i32
    %xor3A_52 = arith.constant -2147483648 : i32
    %xor3A_53 = vector.broadcast %xor3A_52 : i32 to vector<512x1xi32>
    %xor3A_54 = arith.xori %scan3A_50, %xor3A_53 : vector<512x1xi32>
    %lt3A_55 = vector.broadcast %xor3A_54 : vector<512x1xi32> to vector<512x1024xi32>
    %lt3A_56 = arith.cmpi slt, %select_n3A, %lt3A_55 : vector<512x1024xi32>
    %convert_element_type3A = arith.extui %lt3A_56 : vector<512x1024xi1> to vector<512x1024xi32>
    %reduce_sum3A = arith.constant dense<0> : vector<512xi32>
    %reduce_sum3A_57 = vector.multi_reduction <add>, %convert_element_type3A, %reduce_sum3A [1] : vector<512x1024xi32> to vector<512xi32>
    %broadcast_in_dim3A_58 = vector.shape_cast %reduce_sum3A_57 : vector<512xi32> to vector<512x1xi32>
    %sub3A_59 = arith.constant 537 : i32
    %sub3A_60 = vector.broadcast %sub3A_59 : i32 to vector<512x1xi32>
    %sub3A_61 = arith.subi %sub3A_60, %broadcast_in_dim3A_58 : vector<512x1xi32>
    %eq3A_62 = vector.broadcast %xor3A_54 : vector<512x1xi32> to vector<512x1024xi32>
    %eq3A_63 = arith.cmpi eq, %select_n3A, %eq3A_62 : vector<512x1024xi32>
    %broadcast_in_dim3A_64 = arith.constant 0 : i32
    %broadcast_in_dim3A_65 = vector.broadcast %broadcast_in_dim3A_64 : i32 to vector<512x1xi32>
    %scan3A_66 = arith.constant 0 : i32
    %scan3A_67 = arith.constant 10 : i32
    %scan3A_68 = arith.addi %scan3A_66, %scan3A_67 : i32
    %scan3A_69 = arith.constant 1 : i32
    %scan3A_70 = scf.for %scan3A_101 = %scan3A_66 to %scan3A_68 step %scan3A_69 iter_args(%scan3A_102 = %broadcast_in_dim3A_65) -> (vector<512x1xi32>)  : i32 {
      %sub3A_103 = arith.constant 9 : i32
      %sub3A_104 = arith.subi %sub3A_103, %scan3A_101 : i32
      %shift_left3A = arith.constant 1 : i32
      %shift_left3A_105 = arith.shli %shift_left3A, %sub3A_104 : i32
      %add3A_106 = vector.broadcast %shift_left3A_105 : i32 to vector<512x1xi32>
      %add3A_107 = arith.addi %scan3A_102, %add3A_106 : vector<512x1xi32>
      %lt3A_108 = vector.broadcast %add3A_107 : vector<512x1xi32> to vector<512x1024xi32>
      %lt3A_109 = arith.cmpi slt, %iota3A, %lt3A_108 : vector<512x1024xi32>
      %and3A = arith.andi %eq3A_63, %lt3A_109 : vector<512x1024xi1>
      %convert_element_type3A_110 = arith.extui %and3A : vector<512x1024xi1> to vector<512x1024xi32>
      %reduce_sum3A_111 = arith.constant dense<0> : vector<512xi32>
      %reduce_sum3A_112 = vector.multi_reduction <add>, %convert_element_type3A_110, %reduce_sum3A_111 [1] : vector<512x1024xi32> to vector<512xi32>
      %broadcast_in_dim3A_113 = vector.shape_cast %reduce_sum3A_112 : vector<512xi32> to vector<512x1xi32>
      %le3A = arith.cmpi sle, %broadcast_in_dim3A_113, %sub3A_61 : vector<512x1xi32>
      %select_n3A_114 = arith.select %le3A, %add3A_107, %scan3A_102 : vector<512x1xi1>, vector<512x1xi32>
      scf.yield %select_n3A_114 : vector<512x1xi32>
    }
    %scan3A_71 = arith.constant 10 : i32
    %get3A_72 = arith.constant 0 : index
    %get3A_73 = arith.constant 0 : index
    %get3A_74 = arith.constant 0 : index
    %get3A_75 = vector.load %arg5[%get3A_72, %get3A_73, %get3A_74] : memref<1x512x1xi32, #tpu.memory_space<vmem>>, vector<1x512x1xi32>
    %get3A_76 = vector.shape_cast %get3A_75 : vector<1x512x1xi32> to vector<512x1xi32>
    %ne3A = arith.constant 0 : i32
    %ne3A_77 = vector.broadcast %ne3A : i32 to vector<512x1xi32>
    %ne3A_78 = arith.cmpi ne, %get3A_76, %ne3A_77 : vector<512x1xi32>
    %select_n3A_79 = arith.select %ne3A_78, %broadcast_in_dim3A_44, %scan3A_70 : vector<512x1xi1>, vector<512x1xi32>
    %mul3A_80 = arith.constant 512 : i32
    %mul3A_81 = arith.muli %arg0, %mul3A_80 : i32
    %add3A_82 = arith.constant 1024 : i32
    %add3A_83 = arith.addi %mul3A_81, %add3A_82 : i32
    %iota3A_84 = tpu.iota {dimensions = array<i32: 0>} : vector<512x1xi32>
    %get3A_85 = arith.constant 0 : index
    %get3A_86 = arith.constant 0 : index
    %get3A_87 = arith.constant 0 : index
    %get3A_88 = vector.load %arg6[%get3A_85, %get3A_86, %get3A_87] : memref<1x512x1xi32, #tpu.memory_space<vmem>>, vector<1x512x1xi32>
    %get3A_89 = vector.shape_cast %get3A_88 : vector<1x512x1xi32> to vector<512x1xi32>
    %ne3A_90 = arith.constant 0 : i32
    %ne3A_91 = vector.broadcast %ne3A_90 : i32 to vector<512x1xi32>
    %ne3A_92 = arith.cmpi ne, %get3A_89, %ne3A_91 : vector<512x1xi32>
    %add3A_93 = vector.broadcast %add3A_83 : i32 to vector<512x1xi32>
    %add3A_94 = arith.addi %add3A_93, %iota3A_84 : vector<512x1xi32>
    %select_n3A_95 = arith.select %ne3A_92, %select_n3A_79, %add3A_94 : vector<512x1xi1>, vector<512x1xi32>
    %swap3A = arith.constant 0 : index
    %swap3A_96 = arith.constant 0 : index
    %swap3A_97 = arith.constant 0 : index
    %swap3A_98 = vector.load %arg7[%swap3A, %swap3A_96, %swap3A_97] : memref<1x512x1xi32, #tpu.memory_space<vmem>>, vector<1x512x1xi32>
    %swap3A_99 = vector.shape_cast %swap3A_98 : vector<1x512x1xi32> to vector<512x1xi32>
    %swap3A_100 = vector.shape_cast %select_n3A_95 : vector<512x1xi32> to vector<1x512x1xi32>
    tpu.vector_store %arg7[%swap3A, %swap3A_96, %swap3A_97], %swap3A_100 {strides = array<i32>} : memref<1x512x1xi32, #tpu.memory_space<vmem>>, vector<1x512x1xi32>,
    return
  }
  func.func @transform_0(%arg0: i32) -> (i32, i32) {
    %c0_i32 = arith.constant 0 : i32
    %c0_i32_0 = arith.constant 0 : i32
    return %arg0, %c0_i32 : i32, i32
  }
  func.func @transform_1(%arg0: i32) -> (i32, i32) {
    %c0_i32 = arith.constant 0 : i32
    %c0_i32_0 = arith.constant 0 : i32
    %c0_i32_1 = arith.constant 0 : i32
    return %c0_i32, %c0_i32_0 : i32, i32
  }
  func.func @transform_2(%arg0: i32) -> (i32, i32) {
    %c0_i32 = arith.constant 0 : i32
    %c0_i32_0 = arith.constant 0 : i32
    %c0_i32_1 = arith.constant 0 : i32
    return %c0_i32, %c0_i32_0 : i32, i32
  }
  func.func @transform_3(%arg0: i32) -> (i32, i32, i32) {
    %c0_i32 = arith.constant 0 : i32
    %c0_i32_0 = arith.constant 0 : i32
    %c0_i32_1 = arith.constant 0 : i32
    return %arg0, %c0_i32, %c0_i32_0 : i32, i32, i32
  }
  func.func @transform_4(%arg0: i32) -> (i32, i32, i32) {
    %c0_i32 = arith.constant 0 : i32
    %c0_i32_0 = arith.constant 0 : i32
    %c0_i32_1 = arith.constant 0 : i32
    return %arg0, %c0_i32, %c0_i32_0 : i32, i32, i32
  }
  func.func @transform_5(%arg0: i32) -> (i32, i32, i32) {
    %c0_i32 = arith.constant 0 : i32
    %c0_i32_0 = arith.constant 0 : i32
    %c0_i32_1 = arith.constant 0 : i32
    return %arg0, %c0_i32, %c0_i32_0 : i32, i32, i32
  }
  func.func @transform_6(%arg0: i32) -> (i32, i32, i32) {
    %c0_i32 = arith.constant 0 : i32
    %c0_i32_0 = arith.constant 0 : i32
    %c0_i32_1 = arith.constant 0 : i32
    return %arg0, %c0_i32, %c0_i32_0 : i32, i32, i32
  }
}

</mosaic_0001>

<sc_bundles>
// kernel: kernel.10.cloned.1.call-start
scs
__scs_entry_jumppad:
0x0: {  	(pc) =	sbr.rel $0x88, $3  }
0x1: {  	(tag) =	ssettag $0x0;
	lr =	simm.s32 $0x1  }
0x2: {  	[smem:$0x3F9C] =	sst lr;
	_ =	strace $0xD0000000  }
0x3: {  	_ = 	snop  }
0x4: {  	_ = 	snop  }
0x5: {  	_ = 	snop  }
0x6: {  	_ = 	snop  }
0x7: {  	_ = 	snop  }
__scs_overlays_trampoline_lowered:
0x8: {  	[smem:$0x3FAB] =	sst s0  }
0x9: {  	[smem:$0x3FAC] =	sst s1  }
0xa: {  	[smem:$0x3FAD] =	sst s2  }
0xb: {  	[smem:$0x3FAE] =	sst s3  }
0xc: {  	[smem:$0x3FAF] =	sst s4  }
0xd: {  	[smem:$0x3FB0] =	sst s5  }
0xe: {  	[smem:$0x3FB1] =	sst s6  }
0xf: {  	[smem:$0x3FB2] =	sst s7  }
0x10: {  	[smem:$0x3FB3] =	sst s8  }
0x11: {  	[smem:$0x3FB4] =	sst s9;
	s0 =	simm.s32 @!p0 $0x0  }
0x12: {  	s1 =	sld [smem:$0x3F9A];
	s0 =	simm.s32 @p0 $0x1  }
0x13: {  	[smem:$0x3FB5] =	sst s0;
	s0 =	simm.s32 @!p1 $0x0  }
0x14: {  	s2 =	sld [smem:$0x3F99];
	s0 =	simm.s32 @p1 $0x1  }
0x15: {  	[smem:$0x3FB6] =	sst s0;
	s0 =	simm.s32 @!p2 $0x0  }
0x16: {  	s3 =	sld [smem:$0x3FDB];
	s0 =	simm.s32 @p2 $0x1  }
0x17: {  	s4 =	simm.s32 $0x1BF5;
	[smem:$0x3FB8] =	sst s0  }
0x18: {  	s0 =	sld [smem:$0x3F9B];
	_ =	swait.ge [sflag:s4], $0x0  }
0x19: {  	s7 =	sld [smem:$0x3F9C]  }
0x1a: {  	s8 =	sadd.s32 $0xFFFFE003, lr  }
0x1b: {  	s9 =	sadd.s32 $0xFFFFFEF7, lr;
	s5 =	simm.s32 $0xFFFFFFFF;
	p2 =	slt.u32 s8, $0xFFFFF086  }
0x1c: {  	p1 =	slt.u32 s9, $0xF7A;
	s5 =	simm.s32 @!p2 $0x0  }
0x1d: {  	s5 =	simm.s32 @p1 $0x1;
	p0 =	seq.s32 s7, s2  }
0x1e: {  	s7 =	smul.u32 @!p0 $0xF7A, s2;
	p2 =	seq.s32 @!p0 s5, $0x0  }
0x1f: {  	s9 =	smul.u32 $0xF7A, s1;
	s8 =	simm.s32 @!p0 $0x1BF5;
	p2 =	por !p2, p0  }
0x20: {  	[sflag:s8] =	ssyncset.s32 @!p0 $0xFFFFF086;
	s6 =	sadd.s32 @!p0 s3, s7;
	s7 =	simm.s32 @!p0 $0x108  }
0x21: {  	s3 =	sadd.s32 s3, s9;
	s6 =	sadd.s32 @!p0 $0x88, s6;
	s7 =	simm.s32 @p2 $0x1082  }
0x22: {  	[simem:s7], [sflag:s8] =	dma.local @!p0 [hbm:s6], $0xF7A  }
0x23: {  	s9 =	sor.u32 $0xD0000000, s2;
	s6 =	simm.s32 $0x108;
	_ =	swait.ge @!p0 [sflag:s8], $0x0  }
0x24: {  	s3 =	sadd.s32 $0x88, s3;
	s6 =	simm.s32 @!p1 $0x1082;
	[sflag:s4] =	ssyncset.s32 $0xFFFFF086  }
0x25: {  	[simem:s6], [sflag:s4] =	dma.local [hbm:s3], $0xF7A  }
0x26: {  	[smem:$0x3F9C] =	sst s1;
	(tag) =	ssettag s2;
	_ =	strace s9  }
0x27: {  	s1 =	sld [smem:$0x3FAC]  }
0x28: {  	s2 =	sld [smem:$0x3FAD]  }
0x29: {  	s4 =	sld [smem:$0x3FAF]  }
0x2a: {  	p0 =	seq.s32 s5, $0x0;
	s5 =	sld [smem:$0x3FB0]  }
0x2b: {  	s6 =	sld [smem:$0x3FB1]  }
0x2c: {  	s7 =	sld [smem:$0x3FB2]  }
0x2d: {  	s3 =	simm.s32 $0x108;
	s8 =	sld [smem:$0x3FB3]  }
0x2e: {  	s3 =	simm.s32 @!p0 $0x1082;
	s9 =	sld [smem:$0x3FB4]  }
0x2f: {  	lr =	sadd.s32 s0, s3;
	s0 =	sld [smem:$0x3FAB]  }
0x30: {  	s3 =	sld [smem:$0x3FAE]  }
0x31: {  	[smem:$0x3FB7] =	sst s10  }
0x32: {  	s10 =	sld [smem:$0x3FB5];
	_ =	sdelay $0x3  }
0x33: {  	p0 =	seq.s32 s10, $0x1;
	s10 =	sld [smem:$0x3FB7];
	_ =	sdelay $0x3  }
0x34: {  	[smem:$0x3FB7] =	sst s10  }
0x35: {  	s10 =	sld [smem:$0x3FB6];
	_ =	sdelay $0x3  }
0x36: {  	p1 =	seq.s32 s10, $0x1;
	s10 =	sld [smem:$0x3FB7];
	_ =	sdelay $0x3  }
0x37: {  	[smem:$0x3FB7] =	sst s10  }
0x38: {  	s10 =	sld [smem:$0x3FB8]  }
0x39: {  	_ = 	snop;
	(pc) =	sbr.ind lr, $3  }
0x3a: {  	_ = 	snop  }
0x3b: {  	_ = 	snop  }
0x3c: {  	p2 =	seq.s32 s10, $0x1;
	s10 =	sld [smem:$0x3FB7]  }
0x3d: {  	_ =	shalt  }
0x3e: {  	_ =	shalt  }
0x3f: {  	_ =	shalt  }
0x40: {  	_ =	shalt  }
0x41: {  	_ =	shalt  }
0x42: {  	_ =	shalt  }
0x43: {  	_ =	shalt  }
0x44: {  	_ =	shalt  }
0x45: {  	_ =	shalt  }
0x46: {  	_ =	shalt  }
0x47: {  	_ =	shalt  }
0x48: {  	_ =	shalt  }
0x49: {  	_ =	shalt  }
0x4a: {  	_ =	shalt  }
0x4b: {  	_ =	shalt  }
0x4c: {  	_ =	shalt  }
0x4d: {  	_ =	shalt  }
0x4e: {  	_ =	shalt  }
0x4f: {  	_ =	shalt  }
0x50: {  	_ =	shalt  }
0x51: {  	_ =	shalt  }
0x52: {  	_ =	shalt  }
0x53: {  	_ =	shalt  }
0x54: {  	_ =	shalt  }
0x55: {  	_ =	shalt  }
0x56: {  	_ =	shalt  }
0x57: {  	_ =	shalt  }
0x58: {  	_ =	shalt  }
0x59: {  	_ =	shalt  }
0x5a: {  	_ =	shalt  }
0x5b: {  	_ =	shalt  }
0x5c: {  	_ =	shalt  }
0x5d: {  	_ =	shalt  }
0x5e: {  	_ =	shalt  }
0x5f: {  	_ =	shalt  }
0x60: {  	_ =	shalt  }
0x61: {  	_ =	shalt  }
0x62: {  	_ =	shalt  }
0x63: {  	_ =	shalt  }
0x64: {  	_ =	shalt  }
0x65: {  	_ =	shalt  }
0x66: {  	_ =	shalt  }
0x67: {  	_ =	shalt  }
0x68: {  	_ =	shalt  }
0x69: {  	_ =	shalt  }
0x6a: {  	_ =	shalt  }
0x6b: {  	_ =	shalt  }
0x6c: {  	_ =	shalt  }
0x6d: {  	_ =	shalt  }
0x6e: {  	_ =	shalt  }
0x6f: {  	_ =	shalt  }
0x70: {  	_ =	shalt  }
0x71: {  	_ =	shalt  }
0x72: {  	_ =	shalt  }
0x73: {  	_ =	shalt  }
0x74: {  	_ =	shalt  }
0x75: {  	_ =	shalt  }
0x76: {  	_ =	shalt  }
0x77: {  	_ =	shalt  }
0x78: {  	_ =	shalt  }
0x79: {  	_ =	shalt  }
0x7a: {  	_ =	shalt  }
0x7b: {  	_ =	shalt  }
0x7c: {  	_ =	shalt  }
0x7d: {  	_ =	shalt  }
0x7e: {  	_ =	shalt  }
0x7f: {  	_ =	shalt  }
0x80: {  	_ =	shalt  }
0x81: {  	_ =	shalt  }
0x82: {  	_ =	shalt  }
0x83: {  	_ =	shalt  }
0x84: {  	_ =	shalt  }
0x85: {  	_ =	shalt  }
0x86: {  	_ =	shalt  }
0x87: {  	_ =	shalt  }
.Lfunc_end0:
.L_simem_size_0:
called_computation.3_lowered:
.L_overlay_start_0:
0x88: {  	s2 =	sld [smem:$0x3FD9]  }
0x89: {  	s3 =	sld [smem:$0x3FFE];
	_ =	sdelay $0x1  }
0x8a: {  	s1 =	srdreg.scid  }
0x8b: {  	s0 =	sand.u32 $0x1, s1  }
0x8c: {  	s15 =	sshll.u32 s0, $0xA;
	s2 =	sadd.s32 s3, s2  }
0x8d: {  	s2 =	sadd.s32 s2, s15  }
0x8e: {  	[smem:$0x3FC3] =	sst s2  }
0x8f: {  	_ = 	snop  }
0x90: {  	s2 =	sld [smem:$0x3FD0];
	_ =	sdelay $0x2  }
0x91: {  	s16 =	simm.s32 $0xB;
	s4 =	simm.s32 $0x10  }
0x92: {  	[smem:s4], [sflag:s16] =	dma.local [hbm:s2], $0x1  }
0x93: {  	_ =	swait.eq [sflag:s16], $0x1  }
0x94: {  	[sflag:s16] =	ssyncset.done $0x0  }
0x95: {  	[sflag:s16] =	ssyncadd.s32 $0xFFFFFFFF  }
0x96: {  	s17 =	sld [smem:$0x11];
	(tm) =	ssettm $0x1  }
0x97: {  	s18 =	sld [smem:$0x3FFB];
	_ =	sdelay $0x3  }
0x98: {  	_ =	strace s18  }
0x99: {  	s2 =	sld [smem:$0x3FFC];
	_ =	sdelay $0x3  }
0x9a: {  	_ =	strace s2  }
0x9b: {  	s2 =	sld [smem:$0x3FFD];
	_ =	sdelay $0x3  }
0x9c: {  	_ =	strace s2  }
0x9d: {  	_ =	strace $0x8FFFFFFF  }
0x9e: {  	s19 =	sld [smem:$0x3FDB];
	_ =	sdelay $0x1  }
0x9f: {  	s20 =	simm.s32 $_scs_section_size  }
0xa0: {  	s5 =	simm.s32 $_size__tile_overlayer_lowered;
	s6 =	simm.s32 $_tile_overlayer_lowered  }
0xa1: {  	s7 =	simm.s32 $0x1BFF;
	s21 =	sshll.u32 s6, $0x1;
	s4 =	sadd.s32 s20, s19  }
0xa2: {  	s22 =	simm.s32 $0x0;
	s5 =	sshll.u32 s5, $0x1;
	s6 =	sadd.s32 s21, s4  }
0xa3: {  	[timem:s22], [sflag:s7] =	dma.local [hbm:s6], s5  }
0xa4: {  	_ =	swait.ge [sflag:s7], s5  }
0xa5: {  	s5 =	ssub.s32 $0x0, s5;
	[sflag:s7] =	ssyncset.done $0x0  }
0xa6: {  	[sflag:s7] =	ssyncadd.s32 s5;
	_ =	sdelay $0x1  }
0xa7: {  	s23 =	simm.s32 $0x1B8B  }
0xa8: {  	_ =	swait.ge [sflag:s23], $0x1  }
0xa9: {  	[sflag:s23] =	ssyncset.done $0x0  }
0xaa: {  	[sflag:s23] =	ssyncadd.s32 $0xFFFFFFFF  }
0xab: {  	s5 =	sld [smem:$0x0]  }
0xac: {  	s6 =	sand.u32 $0xFFFFFFFE, s1  }
0xad: {  	p0 =	sne.s32 s1, s6  }
0xae: {  	s6 =	sshll.u32 @p0 s6, $0xE  }
0xaf: {  	s6 =	sadd.s32 @p0 $0x11B8D, s6;
	s7 =	sshll.u32 @p0 s5, $0x11  }
0xb0: {  	s6 =	sor.u32 @p0 s7, s6  }
0xb1: {  	[sflag:s6] =	ssyncadd.remote.s32 @p0 $0x1;
	_ =	sdelay $0x1  }
0xb2: {  	s6 =	simm.s32 @p0 $0x1B8D  }
0xb3: {  	_ =	swait.eq @p0 [sflag:s6], $0x1  }
0xb4: {  	[sflag:s6] =	ssyncadd.s32 @p0 $0xFFFFFFFF  }
0xb5: {  	s7 =	sshll.u32 @!p0 s1, $0xE  }
0xb6: {  	s7 =	sor.u32 @!p0 $0x4000, s7;
	s6 =	simm.s32 @!p0 $0x1B8D  }
0xb7: {  	s5 =	sshll.u32 @!p0 s5, $0x11;
	s7 =	sadd.s32 @!p0 $0x11B8D, s7;
	_ =	swait.eq @!p0 [sflag:s6], $0x1  }
0xb8: {  	s5 =	sor.u32 @!p0 s5, s7;
	[sflag:s6] =	ssyncadd.s32 @!p0 $0xFFFFFFFF  }
0xb9: {  	s25 =	simm.s32 $0x1B8E;
	s24 =	sld [smem:$0x3FFE];
	[sflag:s5] =	ssyncadd.remote.s32 @!p0 $0x1  }
0xba: {  	s26 =	simm.s32 $execute0_lowered;
	[smem:$0x3FD2] =	sst s25  }
0xbb: {  	s6 =	sshll.u32 s26, $0x1;
	_ =	strace $0x8000004C;
	[dreg:$0x1] =	wrdreg $0xFFFFFFFF  }
0xbc: {  	s28 =	simm.s32 $_size_execute0_lowered;
	s4 =	sadd.s32 s4, s6;
	[dreg:$0x0] =	wrdreg $0x0  }
0xbd: {  	s6 =	sshll.u32 s28, $0x1;
	[dreg:$0x2] =	wrdreg s4  }
0xbe: {  	[dreg:$0x3] =	wrdreg s6  }
0xbf: {  	[dreg:$0x4] =	wrdreg $0xC0  }
0xc0: {  	_ =	task [dreg:s22], $0x5FFFF  }
0xc1: {  	[dreg:$0x1] =	wrdreg $0xFFFFFFFF  }
0xc2: {  	[dreg:$0x0] =	wrdreg $0x60  }
0xc3: {  	[dreg:$0x2] =	wrdreg s24  }
0xc4: {  	[dreg:$0x3] =	wrdreg s17  }
0xc5: {  	[dreg:$0x4] =	wrdreg $0x9  }
0xc6: {  	_ =	task.clear_ibuf [dreg:s22], $0x5FFFF;
	_ =	strace $0x9000004C  }
0xc7: {  	s29 =	simm.s32 $0x9;
	_ =	strace $0x8000004E  }
0xc8: {  	_ =	swait.ge [sflag:s29], $0x1  }
0xc9: {  	[sflag:s29] =	ssyncadd.s32 $0xFFFFFFFF  }
0xca: {  	_ =	strace $0x9000004E  }
0xcb: {  	_ =	sfence  }
0xcc: {  	s30 =	sld [smem:$0x0];
	_ =	sdelay $0x2  }
0xcd: {  	s31 =	sshll.u32 s1, $0xD;
	s1 =	sshrl.u32 s1, $0x2  }
0xce: {  	s4 =	sand.u32 $0x4000, s31;
	s1 =	sadd.s32 s1, s30  }
0xcf: {  	s0 =	sor.u32 s4, s0;
	s1 =	sshll.u32 s1, $0x11  }
0xd0: {  	s0 =	sor.u32 s1, s0  }
0xd1: {  	s0 =	sadd.s32 $0x8F2B, s0  }
0xd2: {  	[sflag:s0] =	ssyncadd.remote.s32 $0x1  }
0xd3: {  	_ =	sfence.sel $0xFFFF  }
0xd4: {  	[dreg:$0x0] =	wrdreg $0xFFFFFFFF;
	(pc) =	sbr.abs _section_cstart, $3  }
0xd5: {  	[dreg:$0x1] =	wrdreg $0xFFFFFFFF  }
0xd6: {  	_ =	task.clear_ibuf [dreg:s22], $0x2FFFF;
	_ =	strace $0x9FFFFFFF  }
0xd7: {  	(tm) =	ssettm $0x7FFFFFFF  }
tec
execute0_lowered:
.L_overlay_start_1:
0x0: {  	(tag) =	ssettag $0x1  }
0x1: {  	s4 =	rddreg [dreg:$0x0]  }
0x2: {  	s7 =	rddreg [dreg:$0x1]  }
0x3: {  	s0 =	rddreg [dreg:$0x2]  }
0x4: {  	s2 =	simm.s32 $0x0;
	s3 =	srdreg.scid;
	s1 =	stileid.u32  }
0x5: {  	s12 =	simm.s32 $0x1080;
	s13 =	simm.s32 $0x1880;
	s14 =	simm.s32 $0x2080  }
0x6: {  	s15 =	simm.s32 $0x2880;
	s16 =	simm.s32 $0x3080;
	s17 =	simm.s32 $0x3880  }
0x7: {  	s18 =	simm.s32 $0x4080;
	s19 =	simm.s32 $0x4880;
	s20 =	simm.s32 $0x5080  }
0x8: {  	s21 =	simm.s32 $0x5880;
	s22 =	simm.s32 $0x6080;
	s23 =	simm.s32 $0x6880  }
0x9: {  	s24 =	simm.s32 $0x7080;
	s25 =	simm.s32 $0x7880;
	s26 =	simm.s32 $0x1  }
0xa: {  	[smem:$0x7FF] =	sst s2;
	s3 =	sand.u32 $0x1, s3;
	s6 =	sshll.u32 s1, $0x9  }
0xb: {  	s29 =	sadd.s32 $0x208A00, s4;
	s5 =	ssub.s32 $0x2, s3;
	s8 =	sshll.u32 s3, $0x8  }
0xc: {  	_ =	strace $0x8000004D;
	s9 =	sshrl.u32 s5, $0x1;
	s6 =	sor.u32 s8, s6  }
0xd: {  	s3 =	sadd.s32 $0x208E00, s4;
	s9 =	ssub.s32 s5, s9;
	s30 =	sshrl.u32 s6, $0x3  }
0xe: {  	s31 =	sshll.u32 s6, $0x5;
	s6 =	sor.u32 $0x80, s6;
	s4 =	sadd.s32 s29, s30  }
0xf: {  	v2 =	vlaneseq.u32;
	s5 =	sadd.s32 s7, s31;
	s10 =	sshrl.u32 s6, $0x3;
	s11 =	sshll.u32 s6, $0x5  }
0x10: {  	vm0 =	vmmov $0xffff;
	v1 =	vshrl.u32 v2, $0x3;
	s8 =	smax.u32 s9, $0x1;
	s9 =	simm.s32 $0x2;
	s6 =	sadd.s32 s29, s10  }
0x11: {  	v0 =	vand.u32 $0x7, v2;
	v2 =	vor.u32 $0x8, v2;
	v1 =	vmul.u32 $0x8, v1;
	s7 =	sadd.s32 s7, s11;
	s10 =	simm.s32 $0x80;
	s11 =	simm.s32 $0x880  }
.LBB2_1:
0x12: {  	[tilespmem:s2], [sflag:$0x2] =	stream.linear.gather [hbm4b:s4+s2], $0x80, $0x38;
	[tilespmem:$0x8080] =	vst v63  }
0x13: {  	_ =	swait.ge [sflag:s9], $0x80  }
0x14: {  	[sflag:s9] =	ssyncset.done $0x0  }
0x15: {  	[sflag:s9] =	ssyncadd.s32 $0xFFFFFF80  }
0x16: {  	v3 =	vld [tilespmem:$0x0];
	_ =	sdelay $0x4  }
0x17: {  	v4 =	vshll.u32 v3, $0x1  }
0x18: {  	v3 =	vand.u32 $0x7, v3;
	v4 =	vand.u32 $0xFFFFFFF0, v4  }
0x19: {  	v3 =	vor.u32 v3, v4  }
0x1a: {  	v4 =	vperm.xlane v3, v0;
	_ =	sdelay $0x1  }
0x1b: {  	v3 =	vperm.xlane v3, v2;
	v4 =	vadd.s32 v1, v4;
	_ =	sdelay $0x1  }
0x1c: {  	v3 =	vadd.s32 v1, v3;
	_ =	sdelay $0x2  }
0x1d: {  	[tilespmem:s10], [sflag:$0x1] =	stream.indirect_vreg.gather [hbm4b:s3+s2], $0x80, v4, vm0, $0xb8;
	[tilespmem:$0x8080] =	vst v63  }
0x1e: {  	_ = 	snop  }
0x1f: {  	[tilespmem:s11], [sflag:$0x1] =	stream.indirect_vreg.gather [hbm4b:s3+s2], $0x80, v3, vm0, $0xb8;
	[tilespmem:$0x8080] =	vst v63  }
0x20: {  	v3 =	vld [tilespmem:$0x10];
	_ =	sdelay $0x4  }
0x21: {  	v49 =	vshll.u32 v3, $0x1  }
0x22: {  	v3 =	vand.u32 $0x7, v3;
	v4 =	vand.u32 $0xFFFFFFF0, v49  }
0x23: {  	v3 =	vor.u32 v3, v4  }
0x24: {  	v4 =	vperm.xlane v3, v0;
	_ =	sdelay $0x1  }
0x25: {  	v3 =	vperm.xlane v3, v2;
	v4 =	vadd.s32 v1, v4;
	_ =	sdelay $0x1  }
0x26: {  	v3 =	vadd.s32 v1, v3;
	_ =	sdelay $0x2  }
0x27: {  	[tilespmem:s12], [sflag:$0x1] =	stream.indirect_vreg.gather [hbm4b:s3+s2], $0x80, v4, vm0, $0xb8;
	[tilespmem:$0x8080] =	vst v63  }
0x28: {  	_ = 	snop  }
0x29: {  	[tilespmem:s13], [sflag:$0x1] =	stream.indirect_vreg.gather [hbm4b:s3+s2], $0x80, v3, vm0, $0xb8;
	[tilespmem:$0x8080] =	vst v63  }
0x2a: {  	v3 =	vld [tilespmem:$0x20];
	_ =	sdelay $0x4  }
0x2b: {  	v50 =	vshll.u32 v3, $0x1  }
0x2c: {  	v3 =	vand.u32 $0x7, v3;
	v4 =	vand.u32 $0xFFFFFFF0, v50  }
0x2d: {  	v3 =	vor.u32 v3, v4  }
0x2e: {  	v4 =	vperm.xlane v3, v0;
	_ =	sdelay $0x1  }
0x2f: {  	v3 =	vperm.xlane v3, v2;
	v4 =	vadd.s32 v1, v4;
	_ =	sdelay $0x1  }
0x30: {  	v3 =	vadd.s32 v1, v3;
	_ =	sdelay $0x2  }
0x31: {  	[tilespmem:s14], [sflag:$0x1] =	stream.indirect_vreg.gather [hbm4b:s3+s2], $0x80, v4, vm0, $0xb8;
	[tilespmem:$0x8080] =	vst v63  }
0x32: {  	_ = 	snop  }
0x33: {  	[tilespmem:s15], [sflag:$0x1] =	stream.indirect_vreg.gather [hbm4b:s3+s2], $0x80, v3, vm0, $0xb8;
	[tilespmem:$0x8080] =	vst v63  }
0x34: {  	v3 =	vld [tilespmem:$0x30];
	_ =	sdelay $0x4  }
0x35: {  	v51 =	vshll.u32 v3, $0x1  }
0x36: {  	v3 =	vand.u32 $0x7, v3;
	v4 =	vand.u32 $0xFFFFFFF0, v51  }
0x37: {  	v3 =	vor.u32 v3, v4  }
0x38: {  	v4 =	vperm.xlane v3, v0;
	_ =	sdelay $0x1  }
0x39: {  	v3 =	vperm.xlane v3, v2;
	v4 =	vadd.s32 v1, v4;
	_ =	sdelay $0x1  }
0x3a: {  	v3 =	vadd.s32 v1, v3;
	_ =	sdelay $0x2  }
0x3b: {  	[tilespmem:s16], [sflag:$0x1] =	stream.indirect_vreg.gather [hbm4b:s3+s2], $0x80, v4, vm0, $0xb8;
	[tilespmem:$0x8080] =	vst v63  }
0x3c: {  	_ = 	snop  }
0x3d: {  	[tilespmem:s17], [sflag:$0x1] =	stream.indirect_vreg.gather [hbm4b:s3+s2], $0x80, v3, vm0, $0xb8;
	[tilespmem:$0x8080] =	vst v63  }
0x3e: {  	v3 =	vld [tilespmem:$0x40];
	_ =	sdelay $0x4  }
0x3f: {  	v52 =	vshll.u32 v3, $0x1  }
0x40: {  	v3 =	vand.u32 $0x7, v3;
	v4 =	vand.u32 $0xFFFFFFF0, v52  }
0x41: {  	v3 =	vor.u32 v3, v4  }
0x42: {  	v4 =	vperm.xlane v3, v0;
	_ =	sdelay $0x1  }
0x43: {  	v3 =	vperm.xlane v3, v2;
	v4 =	vadd.s32 v1, v4;
	_ =	sdelay $0x1  }
0x44: {  	v3 =	vadd.s32 v1, v3;
	_ =	sdelay $0x2  }
0x45: {  	[tilespmem:s18], [sflag:$0x1] =	stream.indirect_vreg.gather [hbm4b:s3+s2], $0x80, v4, vm0, $0xb8;
	[tilespmem:$0x8080] =	vst v63  }
0x46: {  	_ = 	snop  }
0x47: {  	[tilespmem:s19], [sflag:$0x1] =	stream.indirect_vreg.gather [hbm4b:s3+s2], $0x80, v3, vm0, $0xb8;
	[tilespmem:$0x8080] =	vst v63  }
0x48: {  	v3 =	vld [tilespmem:$0x50];
	_ =	sdelay $0x4  }
0x49: {  	v53 =	vshll.u32 v3, $0x1  }
0x4a: {  	v3 =	vand.u32 $0x7, v3;
	v4 =	vand.u32 $0xFFFFFFF0, v53  }
0x4b: {  	v3 =	vor.u32 v3, v4  }
0x4c: {  	v4 =	vperm.xlane v3, v0;
	_ =	sdelay $0x1  }
0x4d: {  	v3 =	vperm.xlane v3, v2;
	v4 =	vadd.s32 v1, v4;
	_ =	sdelay $0x1  }
0x4e: {  	v3 =	vadd.s32 v1, v3;
	_ =	sdelay $0x2  }
0x4f: {  	[tilespmem:s20], [sflag:$0x1] =	stream.indirect_vreg.gather [hbm4b:s3+s2], $0x80, v4, vm0, $0xb8;
	[tilespmem:$0x8080] =	vst v63  }
0x50: {  	_ = 	snop  }
0x51: {  	[tilespmem:s21], [sflag:$0x1] =	stream.indirect_vreg.gather [hbm4b:s3+s2], $0x80, v3, vm0, $0xb8;
	[tilespmem:$0x8080] =	vst v63  }
0x52: {  	v3 =	vld [tilespmem:$0x60];
	_ =	sdelay $0x4  }
0x53: {  	v54 =	vshll.u32 v3, $0x1  }
0x54: {  	v3 =	vand.u32 $0x7, v3;
	v4 =	vand.u32 $0xFFFFFFF0, v54  }
0x55: {  	v3 =	vor.u32 v3, v4  }
0x56: {  	v4 =	vperm.xlane v3, v0;
	_ =	sdelay $0x1  }
0x57: {  	v3 =	vperm.xlane v3, v2;
	v4 =	vadd.s32 v1, v4;
	_ =	sdelay $0x1  }
0x58: {  	v3 =	vadd.s32 v1, v3;
	_ =	sdelay $0x2  }
0x59: {  	[tilespmem:s22], [sflag:$0x1] =	stream.indirect_vreg.gather [hbm4b:s3+s2], $0x80, v4, vm0, $0xb8;
	[tilespmem:$0x8080] =	vst v63  }
0x5a: {  	_ = 	snop  }
0x5b: {  	[tilespmem:s23], [sflag:$0x1] =	stream.indirect_vreg.gather [hbm4b:s3+s2], $0x80, v3, vm0, $0xb8;
	[tilespmem:$0x8080] =	vst v63  }
0x5c: {  	v3 =	vld [tilespmem:$0x70];
	_ =	sdelay $0x4  }
0x5d: {  	v55 =	vshll.u32 v3, $0x1  }
0x5e: {  	v3 =	vand.u32 $0x7, v3;
	v4 =	vand.u32 $0xFFFFFFF0, v55  }
0x5f: {  	v3 =	vor.u32 v3, v4  }
0x60: {  	v4 =	vperm.xlane v3, v0;
	_ =	sdelay $0x1  }
0x61: {  	v3 =	vperm.xlane v3, v2;
	v4 =	vadd.s32 v1, v4;
	_ =	sdelay $0x1  }
0x62: {  	v3 =	vadd.s32 v1, v3;
	_ =	sdelay $0x2  }
0x63: {  	[tilespmem:s24], [sflag:$0x1] =	stream.indirect_vreg.gather [hbm4b:s3+s2], $0x80, v4, vm0, $0xb8;
	[tilespmem:$0x8080] =	vst v63  }
0x64: {  	_ = 	snop  }
0x65: {  	[tilespmem:s25], [sflag:$0x1] =	stream.indirect_vreg.gather [hbm4b:s3+s2], $0x80, v3, vm0, $0xb8;
	[tilespmem:$0x8080] =	vst v63  }
0x66: {  	_ =	swait.ge [sflag:s26], $0x8000  }
0x67: {  	[sflag:s26] =	ssyncset.done $0x0  }
0x68: {  	[sflag:s26] =	ssyncadd.s32 $0xFFFF8000  }
0x69: {  	[hbm4b:s5+s2] =	stream.linear.scatter [tilespmem:s10], [sflag:$0x2], $0x8000, $0x38;
	[tilespmem:$0x8080] =	vst v63  }
0x6a: {  	_ =	swait.ge [sflag:s9], $0x8000  }
0x6b: {  	[sflag:s9] =	ssyncset.done $0x0  }
0x6c: {  	[sflag:s9] =	ssyncadd.s32 $0xFFFF8000  }
0x6d: {  	[tilespmem:s2], [sflag:$0x2] =	stream.linear.gather [hbm4b:s6+s2], $0x80, $0x38;
	[tilespmem:$0x8080] =	vst v63  }
0x6e: {  	_ =	swait.ge [sflag:s9], $0x80  }
0x6f: {  	[sflag:s9] =	ssyncset.done $0x0  }
0x70: {  	[sflag:s9] =	ssyncadd.s32 $0xFFFFFF80  }
0x71: {  	v3 =	vld [tilespmem:$0x0];
	_ =	sdelay $0x4  }
0x72: {  	v56 =	vshll.u32 v3, $0x1  }
0x73: {  	v3 =	vand.u32 $0x7, v3;
	v4 =	vand.u32 $0xFFFFFFF0, v56  }
0x74: {  	v3 =	vor.u32 v3, v4  }
0x75: {  	v4 =	vperm.xlane v3, v0;
	_ =	sdelay $0x1  }
0x76: {  	v3 =	vperm.xlane v3, v2;
	v4 =	vadd.s32 v1, v4;
	_ =	sdelay $0x1  }
0x77: {  	v3 =	vadd.s32 v1, v3;
	_ =	sdelay $0x2  }
0x78: {  	[tilespmem:s10], [sflag:$0x1] =	stream.indirect_vreg.gather [hbm4b:s3+s2], $0x80, v4, vm0, $0xb8;
	[tilespmem:$0x8080] =	vst v63  }
0x79: {  	_ = 	snop  }
0x7a: {  	[tilespmem:s11], [sflag:$0x1] =	stream.indirect_vreg.gather [hbm4b:s3+s2], $0x80, v3, vm0, $0xb8;
	[tilespmem:$0x8080] =	vst v63  }
0x7b: {  	v3 =	vld [tilespmem:$0x10];
	_ =	sdelay $0x4  }
0x7c: {  	v57 =	vshll.u32 v3, $0x1  }
0x7d: {  	v3 =	vand.u32 $0x7, v3;
	v4 =	vand.u32 $0xFFFFFFF0, v57  }
0x7e: {  	v3 =	vor.u32 v3, v4  }
0x7f: {  	v4 =	vperm.xlane v3, v0;
	_ =	sdelay $0x1  }
0x80: {  	v3 =	vperm.xlane v3, v2;
	v4 =	vadd.s32 v1, v4;
	_ =	sdelay $0x1  }
0x81: {  	v3 =	vadd.s32 v1, v3;
	_ =	sdelay $0x2  }
0x82: {  	[tilespmem:s12], [sflag:$0x1] =	stream.indirect_vreg.gather [hbm4b:s3+s2], $0x80, v4, vm0, $0xb8;
	[tilespmem:$0x8080] =	vst v63  }
0x83: {  	_ = 	snop  }
0x84: {  	[tilespmem:s13], [sflag:$0x1] =	stream.indirect_vreg.gather [hbm4b:s3+s2], $0x80, v3, vm0, $0xb8;
	[tilespmem:$0x8080] =	vst v63  }
0x85: {  	v3 =	vld [tilespmem:$0x20];
	_ =	sdelay $0x4  }
0x86: {  	v58 =	vshll.u32 v3, $0x1  }
0x87: {  	v3 =	vand.u32 $0x7, v3;
	v4 =	vand.u32 $0xFFFFFFF0, v58  }
0x88: {  	v3 =	vor.u32 v3, v4  }
0x89: {  	v4 =	vperm.xlane v3, v0;
	_ =	sdelay $0x1  }
0x8a: {  	v3 =	vperm.xlane v3, v2;
	v4 =	vadd.s32 v1, v4;
	_ =	sdelay $0x1  }
0x8b: {  	v3 =	vadd.s32 v1, v3;
	_ =	sdelay $0x2  }
0x8c: {  	[tilespmem:s14], [sflag:$0x1] =	stream.indirect_vreg.gather [hbm4b:s3+s2], $0x80, v4, vm0, $0xb8;
	[tilespmem:$0x8080] =	vst v63  }
0x8d: {  	_ = 	snop  }
0x8e: {  	[tilespmem:s15], [sflag:$0x1] =	stream.indirect_vreg.gather [hbm4b:s3+s2], $0x80, v3, vm0, $0xb8;
	[tilespmem:$0x8080] =	vst v63  }
0x8f: {  	v3 =	vld [tilespmem:$0x30];
	_ =	sdelay $0x4  }
0x90: {  	v59 =	vshll.u32 v3, $0x1  }
0x91: {  	v3 =	vand.u32 $0x7, v3;
	v4 =	vand.u32 $0xFFFFFFF0, v59  }
0x92: {  	v3 =	vor.u32 v3, v4  }
0x93: {  	v4 =	vperm.xlane v3, v0;
	_ =	sdelay $0x1  }
0x94: {  	v3 =	vperm.xlane v3, v2;
	v4 =	vadd.s32 v1, v4;
	_ =	sdelay $0x1  }
0x95: {  	v3 =	vadd.s32 v1, v3;
	_ =	sdelay $0x2  }
0x96: {  	[tilespmem:s16], [sflag:$0x1] =	stream.indirect_vreg.gather [hbm4b:s3+s2], $0x80, v4, vm0, $0xb8;
	[tilespmem:$0x8080] =	vst v63  }
0x97: {  	_ = 	snop  }
0x98: {  	[tilespmem:s17], [sflag:$0x1] =	stream.indirect_vreg.gather [hbm4b:s3+s2], $0x80, v3, vm0, $0xb8;
	[tilespmem:$0x8080] =	vst v63  }
0x99: {  	v3 =	vld [tilespmem:$0x40];
	_ =	sdelay $0x4  }
0x9a: {  	v60 =	vshll.u32 v3, $0x1  }
0x9b: {  	v3 =	vand.u32 $0x7, v3;
	v4 =	vand.u32 $0xFFFFFFF0, v60  }
0x9c: {  	v3 =	vor.u32 v3, v4  }
0x9d: {  	v4 =	vperm.xlane v3, v0;
	_ =	sdelay $0x1  }
0x9e: {  	v3 =	vperm.xlane v3, v2;
	v4 =	vadd.s32 v1, v4;
	_ =	sdelay $0x1  }
0x9f: {  	v3 =	vadd.s32 v1, v3;
	_ =	sdelay $0x2  }
0xa0: {  	[tilespmem:s18], [sflag:$0x1] =	stream.indirect_vreg.gather [hbm4b:s3+s2], $0x80, v4, vm0, $0xb8;
	[tilespmem:$0x8080] =	vst v63  }
0xa1: {  	_ = 	snop  }
0xa2: {  	[tilespmem:s19], [sflag:$0x1] =	stream.indirect_vreg.gather [hbm4b:s3+s2], $0x80, v3, vm0, $0xb8;
	[tilespmem:$0x8080] =	vst v63  }
0xa3: {  	v3 =	vld [tilespmem:$0x50];
	_ =	sdelay $0x4  }
0xa4: {  	v61 =	vshll.u32 v3, $0x1  }
0xa5: {  	v3 =	vand.u32 $0x7, v3;
	v4 =	vand.u32 $0xFFFFFFF0, v61  }
0xa6: {  	v3 =	vor.u32 v3, v4  }
0xa7: {  	v4 =	vperm.xlane v3, v0;
	_ =	sdelay $0x1  }
0xa8: {  	v3 =	vperm.xlane v3, v2;
	v4 =	vadd.s32 v1, v4;
	_ =	sdelay $0x1  }
0xa9: {  	v3 =	vadd.s32 v1, v3;
	_ =	sdelay $0x2  }
0xaa: {  	[tilespmem:s20], [sflag:$0x1] =	stream.indirect_vreg.gather [hbm4b:s3+s2], $0x80, v4, vm0, $0xb8;
	[tilespmem:$0x8080] =	vst v63  }
0xab: {  	_ = 	snop  }
0xac: {  	[tilespmem:s21], [sflag:$0x1] =	stream.indirect_vreg.gather [hbm4b:s3+s2], $0x80, v3, vm0, $0xb8;
	[tilespmem:$0x8080] =	vst v63  }
0xad: {  	v3 =	vld [tilespmem:$0x60];
	_ =	sdelay $0x4  }
0xae: {  	v62 =	vshll.u32 v3, $0x1  }
0xaf: {  	v3 =	vand.u32 $0x7, v3;
	v4 =	vand.u32 $0xFFFFFFF0, v62  }
0xb0: {  	v3 =	vor.u32 v3, v4  }
0xb1: {  	v4 =	vperm.xlane v3, v0;
	_ =	sdelay $0x1  }
0xb2: {  	v3 =	vperm.xlane v3, v2;
	v4 =	vadd.s32 v1, v4;
	_ =	sdelay $0x1  }
0xb3: {  	v3 =	vadd.s32 v1, v3;
	_ =	sdelay $0x2  }
0xb4: {  	[tilespmem:s22], [sflag:$0x1] =	stream.indirect_vreg.gather [hbm4b:s3+s2], $0x80, v4, vm0, $0xb8;
	[tilespmem:$0x8080] =	vst v63  }
0xb5: {  	_ = 	snop  }
0xb6: {  	[tilespmem:s23], [sflag:$0x1] =	stream.indirect_vreg.gather [hbm4b:s3+s2], $0x80, v3, vm0, $0xb8;
	[tilespmem:$0x8080] =	vst v63  }
0xb7: {  	v3 =	vld [tilespmem:$0x70];
	_ =	sdelay $0x4  }
0xb8: {  	v63 =	vshll.u32 v3, $0x1  }
0xb9: {  	v3 =	vand.u32 $0x7, v3;
	v4 =	vand.u32 $0xFFFFFFF0, v63  }
0xba: {  	v3 =	vor.u32 v3, v4  }
0xbb: {  	v4 =	vperm.xlane v3, v0;
	_ =	sdelay $0x1  }
0xbc: {  	v3 =	vperm.xlane v3, v2;
	v4 =	vadd.s32 v1, v4;
	_ =	sdelay $0x1  }
0xbd: {  	v3 =	vadd.s32 v1, v3;
	_ =	sdelay $0x2  }
0xbe: {  	[tilespmem:s24], [sflag:$0x1] =	stream.indirect_vreg.gather [hbm4b:s3+s2], $0x80, v4, vm0, $0xb8;
	[tilespmem:$0x8080] =	vst v63  }
0xbf: {  	_ = 	snop  }
0xc0: {  	[tilespmem:s25], [sflag:$0x1] =	stream.indirect_vreg.gather [hbm4b:s3+s2], $0x80, v3, vm0, $0xb8;
	[tilespmem:$0x8080] =	vst v63  }
0xc1: {  	_ =	swait.ge [sflag:s26], $0x8000  }
0xc2: {  	p0 =	sne.s32 s8, $0x1;
	[sflag:s26] =	ssyncset.done $0x0  }
.Ltmp0:
0xc3: {  	[sflag:s26] =	ssyncadd.s32 $0xFFFF8000;
	(pc) =	sbr.rel @p0 .LBB2_1-.Ltmp0, $4  }
0xc4: {  	[hbm4b:s7+s2] =	stream.linear.scatter [tilespmem:s10], [sflag:$0x2], $0x8000, $0x38;
	[tilespmem:$0x8080] =	vst v63  }
0xc5: {  	_ =	swait.ge [sflag:s9], $0x8000  }
0xc6: {  	[sflag:s9] =	ssyncset.done $0x0  }
0xc7: {  	s8 =	sadd.s32 $0xFFFFFFFF, s8;
	[sflag:s9] =	ssyncadd.s32 $0xFFFF8000  }
0xc8: {  	_ =	sfence.sel $0x180000  }
0xc9: {  	[bflag:$0x0] =	sbarrier.arrive $0xFFFF  }
0xca: {  	p0 =	sne.s32 s1, $0x0;
	_ =	strace $0x9000004D  }
0xcb: {  	s0 =	sadd.s32 @!p0 $0x100000, s0;
	[bflag:$0x2] =	sbarrier.arrive $0xFFFF  }
0xcc: {  	[sflag:s0] =	ssyncadd.tile.s32 @!p0 $0x1;
	_ =	shalt  }
.Lfunc_end2:
_tile_overlayer_lowered:
.L_overlay_start_2:
0xcd: {  	(tag) =	ssettag $0x2  }
0xce: {  	s0 =	rddreg [dreg:$0x0];
	s2 =	stileid.u32  }
0xcf: {  	s1 =	rddreg [dreg:$0x1];
	p0 =	sne.s32 s2, $0x0  }
0xd0: {  	s3 =	rddreg [dreg:$0x2];
	[bflag:$0x3] =	sbarrier.arrive $0xFFFF;
	s2 =	simm.s32 @!p0 $0x1C02  }
0xd1: {  	[timem:s3], [sflag:s2] =	dma.local @!p0 [hbm:s0], s1  }
0xd2: {  	s0 =	simm.s32 @!p0 $0x2  }
0xd3: {  	_ =	swait.ge @!p0 [sflag:s0], s1  }
0xd4: {  	s1 =	ssub.s32 @!p0 $0x0, s1;
	[sflag:s0] =	ssyncset.done @!p0 $0x0  }
0xd5: {  	[sflag:s0] =	ssyncadd.s32 @!p0 s1  }
0xd6: {  	[bflag:$0x3] =	sbarrier.arrive $0xFFFF  }
0xd7: {  	_ =	shalt  }

// kernel: kernel.7.cloned.1.call-start
scs
__scs_entry_jumppad:
0x0: {  	(pc) =	sbr.rel $0x88, $3  }
0x1: {  	(tag) =	ssettag $0x0;
	lr =	simm.s32 $0x1  }
0x2: {  	[smem:$0x3F9C] =	sst lr;
	_ =	strace $0xD0000000  }
0x3: {  	_ = 	snop  }
0x4: {  	_ = 	snop  }
0x5: {  	_ = 	snop  }
0x6: {  	_ = 	snop  }
0x7: {  	_ = 	snop  }
__scs_overlays_trampoline_lowered:
0x8: {  	[smem:$0x3FAB] =	sst s0  }
0x9: {  	[smem:$0x3FAC] =	sst s1  }
0xa: {  	[smem:$0x3FAD] =	sst s2  }
0xb: {  	[smem:$0x3FAE] =	sst s3  }
0xc: {  	[smem:$0x3FAF] =	sst s4  }
0xd: {  	[smem:$0x3FB0] =	sst s5  }
0xe: {  	[smem:$0x3FB1] =	sst s6  }
0xf: {  	[smem:$0x3FB2] =	sst s7  }
0x10: {  	[smem:$0x3FB3] =	sst s8  }
0x11: {  	[smem:$0x3FB4] =	sst s9;
	s0 =	simm.s32 @!p0 $0x0  }
0x12: {  	s1 =	sld [smem:$0x3F9A];
	s0 =	simm.s32 @p0 $0x1  }
0x13: {  	[smem:$0x3FB5] =	sst s0;
	s0 =	simm.s32 @!p1 $0x0  }
0x14: {  	s2 =	sld [smem:$0x3F99];
	s0 =	simm.s32 @p1 $0x1  }
0x15: {  	[smem:$0x3FB6] =	sst s0;
	s0 =	simm.s32 @!p2 $0x0  }
0x16: {  	s3 =	sld [smem:$0x3FDB];
	s0 =	simm.s32 @p2 $0x1  }
0x17: {  	s4 =	simm.s32 $0x1BF5;
	[smem:$0x3FB8] =	sst s0  }
0x18: {  	s0 =	sld [smem:$0x3F9B];
	_ =	swait.ge [sflag:s4], $0x0  }
0x19: {  	s7 =	sld [smem:$0x3F9C]  }
0x1a: {  	s8 =	sadd.s32 $0xFFFFE003, lr  }
0x1b: {  	s9 =	sadd.s32 $0xFFFFFEF7, lr;
	s5 =	simm.s32 $0xFFFFFFFF;
	p2 =	slt.u32 s8, $0xFFFFF086  }
0x1c: {  	p1 =	slt.u32 s9, $0xF7A;
	s5 =	simm.s32 @!p2 $0x0  }
0x1d: {  	s5 =	simm.s32 @p1 $0x1;
	p0 =	seq.s32 s7, s2  }
0x1e: {  	s7 =	smul.u32 @!p0 $0xF7A, s2;
	p2 =	seq.s32 @!p0 s5, $0x0  }
0x1f: {  	s9 =	smul.u32 $0xF7A, s1;
	s8 =	simm.s32 @!p0 $0x1BF5;
	p2 =	por !p2, p0  }
0x20: {  	[sflag:s8] =	ssyncset.s32 @!p0 $0xFFFFF086;
	s6 =	sadd.s32 @!p0 s3, s7;
	s7 =	simm.s32 @!p0 $0x108  }
0x21: {  	s3 =	sadd.s32 s3, s9;
	s6 =	sadd.s32 @!p0 $0x88, s6;
	s7 =	simm.s32 @p2 $0x1082  }
0x22: {  	[simem:s7], [sflag:s8] =	dma.local @!p0 [hbm:s6], $0xF7A  }
0x23: {  	s9 =	sor.u32 $0xD0000000, s2;
	s6 =	simm.s32 $0x108;
	_ =	swait.ge @!p0 [sflag:s8], $0x0  }
0x24: {  	s3 =	sadd.s32 $0x88, s3;
	s6 =	simm.s32 @!p1 $0x1082;
	[sflag:s4] =	ssyncset.s32 $0xFFFFF086  }
0x25: {  	[simem:s6], [sflag:s4] =	dma.local [hbm:s3], $0xF7A  }
0x26: {  	[smem:$0x3F9C] =	sst s1;
	(tag) =	ssettag s2;
	_ =	strace s9  }
0x27: {  	s1 =	sld [smem:$0x3FAC]  }
0x28: {  	s2 =	sld [smem:$0x3FAD]  }
0x29: {  	s4 =	sld [smem:$0x3FAF]  }
0x2a: {  	p0 =	seq.s32 s5, $0x0;
	s5 =	sld [smem:$0x3FB0]  }
0x2b: {  	s6 =	sld [smem:$0x3FB1]  }
0x2c: {  	s7 =	sld [smem:$0x3FB2]  }
0x2d: {  	s3 =	simm.s32 $0x108;
	s8 =	sld [smem:$0x3FB3]  }
0x2e: {  	s3 =	simm.s32 @!p0 $0x1082;
	s9 =	sld [smem:$0x3FB4]  }
0x2f: {  	lr =	sadd.s32 s0, s3;
	s0 =	sld [smem:$0x3FAB]  }
0x30: {  	s3 =	sld [smem:$0x3FAE]  }
0x31: {  	[smem:$0x3FB7] =	sst s10  }
0x32: {  	s10 =	sld [smem:$0x3FB5];
	_ =	sdelay $0x3  }
0x33: {  	p0 =	seq.s32 s10, $0x1;
	s10 =	sld [smem:$0x3FB7];
	_ =	sdelay $0x3  }
0x34: {  	[smem:$0x3FB7] =	sst s10  }
0x35: {  	s10 =	sld [smem:$0x3FB6];
	_ =	sdelay $0x3  }
0x36: {  	p1 =	seq.s32 s10, $0x1;
	s10 =	sld [smem:$0x3FB7];
	_ =	sdelay $0x3  }
0x37: {  	[smem:$0x3FB7] =	sst s10  }
0x38: {  	s10 =	sld [smem:$0x3FB8]  }
0x39: {  	_ = 	snop;
	(pc) =	sbr.ind lr, $3  }
0x3a: {  	_ = 	snop  }
0x3b: {  	_ = 	snop  }
0x3c: {  	p2 =	seq.s32 s10, $0x1;
	s10 =	sld [smem:$0x3FB7]  }
0x3d: {  	_ =	shalt  }
0x3e: {  	_ =	shalt  }
0x3f: {  	_ =	shalt  }
0x40: {  	_ =	shalt  }
0x41: {  	_ =	shalt  }
0x42: {  	_ =	shalt  }
0x43: {  	_ =	shalt  }
0x44: {  	_ =	shalt  }
0x45: {  	_ =	shalt  }
0x46: {  	_ =	shalt  }
0x47: {  	_ =	shalt  }
0x48: {  	_ =	shalt  }
0x49: {  	_ =	shalt  }
0x4a: {  	_ =	shalt  }
0x4b: {  	_ =	shalt  }
0x4c: {  	_ =	shalt  }
0x4d: {  	_ =	shalt  }
0x4e: {  	_ =	shalt  }
0x4f: {  	_ =	shalt  }
0x50: {  	_ =	shalt  }
0x51: {  	_ =	shalt  }
0x52: {  	_ =	shalt  }
0x53: {  	_ =	shalt  }
0x54: {  	_ =	shalt  }
0x55: {  	_ =	shalt  }
0x56: {  	_ =	shalt  }
0x57: {  	_ =	shalt  }
0x58: {  	_ =	shalt  }
0x59: {  	_ =	shalt  }
0x5a: {  	_ =	shalt  }
0x5b: {  	_ =	shalt  }
0x5c: {  	_ =	shalt  }
0x5d: {  	_ =	shalt  }
0x5e: {  	_ =	shalt  }
0x5f: {  	_ =	shalt  }
0x60: {  	_ =	shalt  }
0x61: {  	_ =	shalt  }
0x62: {  	_ =	shalt  }
0x63: {  	_ =	shalt  }
0x64: {  	_ =	shalt  }
0x65: {  	_ =	shalt  }
0x66: {  	_ =	shalt  }
0x67: {  	_ =	shalt  }
0x68: {  	_ =	shalt  }
0x69: {  	_ =	shalt  }
0x6a: {  	_ =	shalt  }
0x6b: {  	_ =	shalt  }
0x6c: {  	_ =	shalt  }
0x6d: {  	_ =	shalt  }
0x6e: {  	_ =	shalt  }
0x6f: {  	_ =	shalt  }
0x70: {  	_ =	shalt  }
0x71: {  	_ =	shalt  }
0x72: {  	_ =	shalt  }
0x73: {  	_ =	shalt  }
0x74: {  	_ =	shalt  }
0x75: {  	_ =	shalt  }
0x76: {  	_ =	shalt  }
0x77: {  	_ =	shalt  }
0x78: {  	_ =	shalt  }
0x79: {  	_ =	shalt  }
0x7a: {  	_ =	shalt  }
0x7b: {  	_ =	shalt  }
0x7c: {  	_ =	shalt  }
0x7d: {  	_ =	shalt  }
0x7e: {  	_ =	shalt  }
0x7f: {  	_ =	shalt  }
0x80: {  	_ =	shalt  }
0x81: {  	_ =	shalt  }
0x82: {  	_ =	shalt  }
0x83: {  	_ =	shalt  }
0x84: {  	_ =	shalt  }
0x85: {  	_ =	shalt  }
0x86: {  	_ =	shalt  }
0x87: {  	_ =	shalt  }
.Lfunc_end0:
.L_simem_size_0:
called_computation.2_lowered:
.L_overlay_start_0:
0x88: {  	s2 =	sld [smem:$0x3FD9]  }
0x89: {  	s3 =	sld [smem:$0x3FFE];
	_ =	sdelay $0x1  }
0x8a: {  	s1 =	srdreg.scid  }
0x8b: {  	s0 =	sand.u32 $0x1, s1  }
0x8c: {  	s14 =	sshll.u32 s0, $0xA;
	s2 =	sadd.s32 s3, s2  }
0x8d: {  	s2 =	sadd.s32 s2, s14  }
0x8e: {  	[smem:$0x3FC3] =	sst s2  }
0x8f: {  	_ = 	snop  }
0x90: {  	s2 =	sld [smem:$0x3FD0];
	_ =	sdelay $0x2  }
0x91: {  	s15 =	simm.s32 $0xB;
	s4 =	simm.s32 $0x10  }
0x92: {  	[smem:s4], [sflag:s15] =	dma.local [hbm:s2], $0x1  }
0x93: {  	_ =	swait.eq [sflag:s15], $0x1  }
0x94: {  	[sflag:s15] =	ssyncset.done $0x0  }
0x95: {  	[sflag:s15] =	ssyncadd.s32 $0xFFFFFFFF  }
0x96: {  	s16 =	sld [smem:$0x10];
	(tm) =	ssettm $0x1  }
0x97: {  	s17 =	sld [smem:$0x3FFB];
	_ =	sdelay $0x3  }
0x98: {  	_ =	strace s17  }
0x99: {  	s3 =	sld [smem:$0x3FFC];
	_ =	sdelay $0x3  }
0x9a: {  	_ =	strace s3  }
0x9b: {  	s3 =	sld [smem:$0x3FFD];
	_ =	sdelay $0x3  }
0x9c: {  	_ =	strace s3  }
0x9d: {  	_ =	strace $0x8FFFFFFF  }
0x9e: {  	s18 =	sld [smem:$0x3FDB];
	_ =	sdelay $0x1  }
0x9f: {  	s19 =	simm.s32 $_scs_section_size  }
0xa0: {  	s5 =	simm.s32 $_size__tile_overlayer_lowered;
	s6 =	simm.s32 $_tile_overlayer_lowered  }
0xa1: {  	s22 =	simm.s32 $0x1BFF;
	s21 =	sshll.u32 s6, $0x1;
	s3 =	sadd.s32 s19, s18  }
0xa2: {  	s7 =	simm.s32 $0x0;
	s20 =	sshll.u32 s5, $0x1;
	s5 =	sadd.s32 s21, s3  }
0xa3: {  	[timem:s7], [sflag:s22] =	dma.local [hbm:s5], s20  }
0xa4: {  	_ =	swait.ge [sflag:s22], s20  }
0xa5: {  	s4 =	ssub.s32 $0x0, s20;
	[sflag:s22] =	ssyncset.done $0x0  }
0xa6: {  	[sflag:s22] =	ssyncadd.s32 s4;
	_ =	sdelay $0x1  }
0xa7: {  	s23 =	simm.s32 $0x1B8B  }
0xa8: {  	_ =	swait.ge [sflag:s23], $0x1  }
0xa9: {  	[sflag:s23] =	ssyncset.done $0x0  }
0xaa: {  	s25 =	simm.s32 $0x1B8E;
	s24 =	sld [smem:$0x3FFE];
	[sflag:s23] =	ssyncadd.s32 $0xFFFFFFFF  }
0xab: {  	s26 =	simm.s32 $execute0_lowered;
	[smem:$0x3FD2] =	sst s25  }
0xac: {  	s5 =	sshll.u32 s26, $0x1;
	_ =	strace $0x80000049;
	[dreg:$0x1] =	wrdreg $0xFFFFFFFF  }
0xad: {  	s28 =	simm.s32 $_size_execute0_lowered;
	s3 =	sadd.s32 s3, s5;
	[dreg:$0x0] =	wrdreg $0x0  }
0xae: {  	s5 =	sshll.u32 s28, $0x1;
	[dreg:$0x2] =	wrdreg s3  }
0xaf: {  	[dreg:$0x3] =	wrdreg s5  }
0xb0: {  	[dreg:$0x4] =	wrdreg $0xC0  }
0xb1: {  	_ =	task [dreg:s7], $0x5FFFF  }
0xb2: {  	[dreg:$0x1] =	wrdreg $0xFFFFFFFF  }
0xb3: {  	[dreg:$0x0] =	wrdreg $0x60  }
0xb4: {  	[dreg:$0x2] =	wrdreg s24  }
0xb5: {  	[dreg:$0x3] =	wrdreg s16  }
0xb6: {  	[dreg:$0x4] =	wrdreg $0xA  }
0xb7: {  	_ =	task.clear_ibuf [dreg:s7], $0x5FFFF;
	_ =	strace $0x90000049  }
0xb8: {  	s29 =	simm.s32 $0xA;
	_ =	strace $0x8000004B  }
0xb9: {  	_ =	swait.ge [sflag:s29], $0x1  }
0xba: {  	[sflag:s29] =	ssyncadd.s32 $0xFFFFFFFF  }
0xbb: {  	_ =	strace $0x9000004B  }
0xbc: {  	_ =	sfence  }
0xbd: {  	s30 =	sld [smem:$0x0];
	_ =	sdelay $0x2  }
0xbe: {  	s31 =	sshll.u32 s1, $0xD;
	s1 =	sshrl.u32 s1, $0x2  }
0xbf: {  	s3 =	sand.u32 $0x4000, s31;
	s1 =	sadd.s32 s1, s30  }
0xc0: {  	s0 =	sor.u32 s3, s0;
	s1 =	sshll.u32 s1, $0x11  }
0xc1: {  	s0 =	sor.u32 s1, s0  }
0xc2: {  	s0 =	sadd.s32 $0x8F2B, s0  }
0xc3: {  	[sflag:s0] =	ssyncadd.remote.s32 $0x1  }
0xc4: {  	_ =	sfence.sel $0xFFFF  }
0xc5: {  	[dreg:$0x0] =	wrdreg $0xFFFFFFFF;
	(pc) =	sbr.abs _section_cstart, $3  }
0xc6: {  	[dreg:$0x1] =	wrdreg $0xFFFFFFFF  }
0xc7: {  	_ =	task.clear_ibuf [dreg:s7], $0x2FFFF;
	_ =	strace $0x9FFFFFFF  }
0xc8: {  	(tm) =	ssettm $0x7FFFFFFF  }
0xc9: {  	_ =	shalt  }
tec
execute0_lowered:
.L_overlay_start_1:
0x0: {  	(tag) =	ssettag $0x1  }
0x1: {  	s0 =	rddreg [dreg:$0x0]  }
0x2: {  	s11 =	rddreg [dreg:$0x1];
	s3 =	srdreg.scid  }
0x3: {  	s2 =	simm.s32 $0x0;
	s1 =	stileid.u32;
	s28 =	simm.s32 $0x6080  }
0x4: {  	s29 =	simm.s32 $0x6880;
	s30 =	simm.s32 $0x7080;
	s31 =	simm.s32 $0x7880  }
0x5: {  	s4 =	sand.u32 $0x1, s3;
	[smem:$0x7FF] =	sst s2;
	s5 =	sshll.u32 s1, $0xB  }
0x6: {  	s3 =	sadd.s32 $0x100A00, s0;
	s0 =	sadd.s32 $0x800, s0;
	s6 =	sshll.u32 s4, $0xA  }
0x7: {  	_ =	strace $0x8000004A;
	s4 =	ssub.s32 $0x2, s4;
	s10 =	sor.u32 s6, s5  }
0x8: {  	s14 =	sshrl.u32 s4, $0x1;
	s5 =	sshrl.u32 s10, $0x3;
	s6 =	sshll.u32 s10, $0x5  }
0x9: {  	s7 =	sor.u32 $0x80, s10;
	s13 =	sor.u32 $0x100, s10;
	s20 =	sor.u32 $0x200, s10  }
0xa: {  	s23 =	sor.u32 $0x280, s10;
	s5 =	sadd.s32 s11, s5;
	s26 =	sadd.s32 s0, s6  }
0xb: {  	s1 =	sshrl.u32 s7, $0x3;
	s9 =	sshll.u32 s7, $0x5;
	s15 =	sshrl.u32 s13, $0x3  }
0xc: {  	s6 =	sshll.u32 s13, $0x5;
	s13 =	ssub.s32 s4, s14;
	s21 =	sshrl.u32 s20, $0x3  }
0xd: {  	s22 =	sshll.u32 s20, $0x5;
	s24 =	sshrl.u32 s23, $0x3;
	[dreg:$0x3] =	wrdreg s5  }
0xe: {  	s14 =	sor.u32 $0x380, s10;
	s20 =	simm.s32 $0x2880;
	[dreg:$0x4] =	wrdreg s26  }
0xf: {  	s8 =	sadd.s32 s11, s1;
	s12 =	sadd.s32 s0, s9;
	s5 =	sadd.s32 s11, s15  }
0x10: {  	s16 =	sadd.s32 s0, s6;
	s6 =	sadd.s32 s0, s22;
	s9 =	sshll.u32 s23, $0x5  }
0x11: {  	s7 =	sadd.s32 s11, s24;
	s26 =	sshrl.u32 s14, $0x3;
	s14 =	sshll.u32 s14, $0x5  }
0x12: {  	s13 =	smax.u32 s13, $0x1;
	s15 =	simm.s32 $0x80;
	[dreg:$0x5] =	wrdreg s8  }
0x13: {  	s22 =	simm.s32 $0x3880;
	s23 =	simm.s32 $0x4080;
	[dreg:$0x6] =	wrdreg s12  }
0x14: {  	s24 =	simm.s32 $0x4880;
	s8 =	sor.u32 $0x180, s10;
	[dreg:$0x7] =	wrdreg s5  }
0x15: {  	[dreg:$0x8] =	wrdreg s16;
	s5 =	sadd.s32 s11, s21;
	s12 =	sor.u32 $0x300, s10  }
0x16: {  	s16 =	simm.s32 $0x880;
	s21 =	simm.s32 $0x3080;
	s17 =	sshrl.u32 s8, $0x3  }
0x17: {  	s19 =	sshll.u32 s8, $0x5;
	s8 =	sadd.s32 s0, s9;
	s25 =	sshrl.u32 s12, $0x3  }
0x18: {  	s12 =	sshll.u32 s12, $0x5;
	s18 =	sadd.s32 s11, s17;
	s4 =	sadd.s32 s0, s19  }
0x19: {  	s9 =	sadd.s32 s11, s25;
	s10 =	sadd.s32 s0, s12;
	s11 =	sadd.s32 s11, s26  }
0x1a: {  	v2 =	vlaneseq.u32;
	s12 =	sadd.s32 s0, s14;
	s14 =	simm.s32 $0x2;
	s17 =	simm.s32 $0x1080  }
0x1b: {  	vm0 =	vmmov $0xffff;
	v1 =	vshrl.u32 v2, $0x3;
	s19 =	simm.s32 $0x2080;
	s25 =	simm.s32 $0x5080;
	s26 =	simm.s32 $0x5880  }
0x1c: {  	v0 =	vand.u32 $0x7, v2;
	v2 =	vor.u32 $0x8, v2;
	v1 =	vmul.u32 $0x8, v1;
	s0 =	simm.s32 $0x1;
	[dreg:$0x9] =	wrdreg s18;
	s18 =	simm.s32 $0x1880  }
.LBB2_1:
0x1d: {  	s1 =	rddreg [dreg:$0x3]  }
0x1e: {  	[tilespmem:s2], [sflag:$0x2] =	stream.linear.gather [hbm4b:s1+s2], $0x80, $0x38;
	[tilespmem:$0x8080] =	vst v63  }
0x1f: {  	_ =	swait.ge [sflag:s14], $0x80  }
0x20: {  	[sflag:s14] =	ssyncset.done $0x0  }
0x21: {  	[sflag:s14] =	ssyncadd.s32 $0xFFFFFF80  }
0x22: {  	v3 =	vld [tilespmem:$0x0];
	_ =	sdelay $0x4  }
0x23: {  	v4 =	vshll.u32 v3, $0x1  }
0x24: {  	v3 =	vand.u32 $0x7, v3;
	v4 =	vand.u32 $0xFFFFFFF0, v4  }
0x25: {  	v3 =	vor.u32 v3, v4  }
0x26: {  	v4 =	vperm.xlane v3, v0;
	_ =	sdelay $0x1  }
0x27: {  	v3 =	vperm.xlane v3, v2;
	v4 =	vadd.s32 v1, v4;
	_ =	sdelay $0x1  }
0x28: {  	v3 =	vadd.s32 v1, v3;
	_ =	sdelay $0x2  }
0x29: {  	[tilespmem:s15], [sflag:$0x1] =	stream.indirect_vreg.gather [hbm4b:s3+s2], $0x80, v4, vm0, $0xb8;
	[tilespmem:$0x8080] =	vst v63  }
0x2a: {  	_ = 	snop  }
0x2b: {  	[tilespmem:s16], [sflag:$0x1] =	stream.indirect_vreg.gather [hbm4b:s3+s2], $0x80, v3, vm0, $0xb8;
	[tilespmem:$0x8080] =	vst v63  }
0x2c: {  	v3 =	vld [tilespmem:$0x10];
	_ =	sdelay $0x4  }
0x2d: {  	v57 =	vshll.u32 v3, $0x1  }
0x2e: {  	v3 =	vand.u32 $0x7, v3;
	v4 =	vand.u32 $0xFFFFFFF0, v57  }
0x2f: {  	v3 =	vor.u32 v3, v4  }
0x30: {  	v4 =	vperm.xlane v3, v0;
	_ =	sdelay $0x1  }
0x31: {  	v3 =	vperm.xlane v3, v2;
	v4 =	vadd.s32 v1, v4;
	_ =	sdelay $0x1  }
0x32: {  	v3 =	vadd.s32 v1, v3;
	_ =	sdelay $0x2  }
0x33: {  	[tilespmem:s17], [sflag:$0x1] =	stream.indirect_vreg.gather [hbm4b:s3+s2], $0x80, v4, vm0, $0xb8;
	[tilespmem:$0x8080] =	vst v63  }
0x34: {  	_ = 	snop  }
0x35: {  	[tilespmem:s18], [sflag:$0x1] =	stream.indirect_vreg.gather [hbm4b:s3+s2], $0x80, v3, vm0, $0xb8;
	[tilespmem:$0x8080] =	vst v63  }
0x36: {  	v3 =	vld [tilespmem:$0x20];
	_ =	sdelay $0x4  }
0x37: {  	v58 =	vshll.u32 v3, $0x1  }
0x38: {  	v3 =	vand.u32 $0x7, v3;
	v4 =	vand.u32 $0xFFFFFFF0, v58  }
0x39: {  	v3 =	vor.u32 v3, v4  }
0x3a: {  	v4 =	vperm.xlane v3, v0;
	_ =	sdelay $0x1  }
0x3b: {  	v3 =	vperm.xlane v3, v2;
	v4 =	vadd.s32 v1, v4;
	_ =	sdelay $0x1  }
0x3c: {  	v3 =	vadd.s32 v1, v3;
	_ =	sdelay $0x2  }
0x3d: {  	[tilespmem:s19], [sflag:$0x1] =	stream.indirect_vreg.gather [hbm4b:s3+s2], $0x80, v4, vm0, $0xb8;
	[tilespmem:$0x8080] =	vst v63  }
0x3e: {  	_ = 	snop  }
0x3f: {  	[tilespmem:s20], [sflag:$0x1] =	stream.indirect_vreg.gather [hbm4b:s3+s2], $0x80, v3, vm0, $0xb8;
	[tilespmem:$0x8080] =	vst v63  }
0x40: {  	v3 =	vld [tilespmem:$0x30];
	_ =	sdelay $0x4  }
0x41: {  	v59 =	vshll.u32 v3, $0x1  }
0x42: {  	v3 =	vand.u32 $0x7, v3;
	v4 =	vand.u32 $0xFFFFFFF0, v59  }
0x43: {  	v3 =	vor.u32 v3, v4  }
0x44: {  	v4 =	vperm.xlane v3, v0;
	_ =	sdelay $0x1  }
0x45: {  	v3 =	vperm.xlane v3, v2;
	v4 =	vadd.s32 v1, v4;
	_ =	sdelay $0x1  }
0x46: {  	v3 =	vadd.s32 v1, v3;
	_ =	sdelay $0x2  }
0x47: {  	[tilespmem:s21], [sflag:$0x1] =	stream.indirect_vreg.gather [hbm4b:s3+s2], $0x80, v4, vm0, $0xb8;
	[tilespmem:$0x8080] =	vst v63  }
0x48: {  	_ = 	snop  }
0x49: {  	[tilespmem:s22], [sflag:$0x1] =	stream.indirect_vreg.gather [hbm4b:s3+s2], $0x80, v3, vm0, $0xb8;
	[tilespmem:$0x8080] =	vst v63  }
0x4a: {  	v3 =	vld [tilespmem:$0x40];
	_ =	sdelay $0x4  }
0x4b: {  	v60 =	vshll.u32 v3, $0x1  }
0x4c: {  	v3 =	vand.u32 $0x7, v3;
	v4 =	vand.u32 $0xFFFFFFF0, v60  }
0x4d: {  	v3 =	vor.u32 v3, v4  }
0x4e: {  	v4 =	vperm.xlane v3, v0;
	_ =	sdelay $0x1  }
0x4f: {  	v3 =	vperm.xlane v3, v2;
	v4 =	vadd.s32 v1, v4;
	_ =	sdelay $0x1  }
0x50: {  	v3 =	vadd.s32 v1, v3;
	_ =	sdelay $0x2  }
0x51: {  	[tilespmem:s23], [sflag:$0x1] =	stream.indirect_vreg.gather [hbm4b:s3+s2], $0x80, v4, vm0, $0xb8;
	[tilespmem:$0x8080] =	vst v63  }
0x52: {  	_ = 	snop  }
0x53: {  	[tilespmem:s24], [sflag:$0x1] =	stream.indirect_vreg.gather [hbm4b:s3+s2], $0x80, v3, vm0, $0xb8;
	[tilespmem:$0x8080] =	vst v63  }
0x54: {  	v3 =	vld [tilespmem:$0x50];
	_ =	sdelay $0x4  }
0x55: {  	v61 =	vshll.u32 v3, $0x1  }
0x56: {  	v3 =	vand.u32 $0x7, v3;
	v4 =	vand.u32 $0xFFFFFFF0, v61  }
0x57: {  	v3 =	vor.u32 v3, v4  }
0x58: {  	v4 =	vperm.xlane v3, v0;
	_ =	sdelay $0x1  }
0x59: {  	v3 =	vperm.xlane v3, v2;
	v4 =	vadd.s32 v1, v4;
	_ =	sdelay $0x1  }
0x5a: {  	v3 =	vadd.s32 v1, v3;
	_ =	sdelay $0x2  }
0x5b: {  	[tilespmem:s25], [sflag:$0x1] =	stream.indirect_vreg.gather [hbm4b:s3+s2], $0x80, v4, vm0, $0xb8;
	[tilespmem:$0x8080] =	vst v63  }
0x5c: {  	_ = 	snop  }
0x5d: {  	[tilespmem:s26], [sflag:$0x1] =	stream.indirect_vreg.gather [hbm4b:s3+s2], $0x80, v3, vm0, $0xb8;
	[tilespmem:$0x8080] =	vst v63  }
0x5e: {  	v3 =	vld [tilespmem:$0x60];
	_ =	sdelay $0x4  }
0x5f: {  	v62 =	vshll.u32 v3, $0x1  }
0x60: {  	v3 =	vand.u32 $0x7, v3;
	v4 =	vand.u32 $0xFFFFFFF0, v62  }
0x61: {  	v3 =	vor.u32 v3, v4  }
0x62: {  	v4 =	vperm.xlane v3, v0;
	_ =	sdelay $0x1  }
0x63: {  	v3 =	vperm.xlane v3, v2;
	v4 =	vadd.s32 v1, v4;
	_ =	sdelay $0x1  }
0x64: {  	v3 =	vadd.s32 v1, v3;
	_ =	sdelay $0x2  }
0x65: {  	[tilespmem:s28], [sflag:$0x1] =	stream.indirect_vreg.gather [hbm4b:s3+s2], $0x80, v4, vm0, $0xb8;
	[tilespmem:$0x8080] =	vst v63  }
0x66: {  	_ = 	snop  }
0x67: {  	[tilespmem:s29], [sflag:$0x1] =	stream.indirect_vreg.gather [hbm4b:s3+s2], $0x80, v3, vm0, $0xb8;
	[tilespmem:$0x8080] =	vst v63  }
0x68: {  	v3 =	vld [tilespmem:$0x70];
	_ =	sdelay $0x4  }
0x69: {  	v63 =	vshll.u32 v3, $0x1  }
0x6a: {  	v3 =	vand.u32 $0x7, v3;
	v4 =	vand.u32 $0xFFFFFFF0, v63  }
0x6b: {  	v3 =	vor.u32 v3, v4  }
0x6c: {  	v4 =	vperm.xlane v3, v0;
	_ =	sdelay $0x1  }
0x6d: {  	v3 =	vperm.xlane v3, v2;
	v4 =	vadd.s32 v1, v4;
	_ =	sdelay $0x1  }
0x6e: {  	v3 =	vadd.s32 v1, v3;
	_ =	sdelay $0x2  }
0x6f: {  	[tilespmem:s30], [sflag:$0x1] =	stream.indirect_vreg.gather [hbm4b:s3+s2], $0x80, v4, vm0, $0xb8;
	[tilespmem:$0x8080] =	vst v63  }
0x70: {  	_ = 	snop  }
0x71: {  	[tilespmem:s31], [sflag:$0x1] =	stream.indirect_vreg.gather [hbm4b:s3+s2], $0x80, v3, vm0, $0xb8;
	[tilespmem:$0x8080] =	vst v63  }
0x72: {  	_ =	swait.ge [sflag:s0], $0x8000  }
0x73: {  	[sflag:s0] =	ssyncset.done $0x0  }
0x74: {  	s1 =	rddreg [dreg:$0x4];
	[sflag:s0] =	ssyncadd.s32 $0xFFFF8000  }
0x75: {  	[hbm4b:s1+s2] =	stream.linear.scatter [tilespmem:s15], [sflag:$0x2], $0x8000, $0x38;
	[tilespmem:$0x8080] =	vst v63  }
0x76: {  	_ =	swait.ge [sflag:s14], $0x8000  }
0x77: {  	[sflag:s14] =	ssyncset.done $0x0  }
0x78: {  	s1 =	rddreg [dreg:$0x5];
	[sflag:s14] =	ssyncadd.s32 $0xFFFF8000  }
0x79: {  	[tilespmem:s2], [sflag:$0x2] =	stream.linear.gather [hbm4b:s1+s2], $0x80, $0x38;
	[tilespmem:$0x8080] =	vst v63  }
0x7a: {  	_ =	swait.ge [sflag:s14], $0x80  }
0x7b: {  	[sflag:s14] =	ssyncset.done $0x0  }
0x7c: {  	[sflag:s14] =	ssyncadd.s32 $0xFFFFFF80  }
0x7d: {  	v3 =	vld [tilespmem:$0x0];
	_ =	sdelay $0x4  }
0x7e: {  	v8 =	vshll.u32 v3, $0x1  }
0x7f: {  	v3 =	vand.u32 $0x7, v3;
	v4 =	vand.u32 $0xFFFFFFF0, v8  }
0x80: {  	v3 =	vor.u32 v3, v4  }
0x81: {  	v4 =	vperm.xlane v3, v0;
	_ =	sdelay $0x1  }
0x82: {  	v3 =	vperm.xlane v3, v2;
	v4 =	vadd.s32 v1, v4;
	_ =	sdelay $0x1  }
0x83: {  	v3 =	vadd.s32 v1, v3;
	_ =	sdelay $0x2  }
0x84: {  	[tilespmem:s15], [sflag:$0x1] =	stream.indirect_vreg.gather [hbm4b:s3+s2], $0x80, v4, vm0, $0xb8;
	[tilespmem:$0x8080] =	vst v63  }
0x85: {  	_ = 	snop  }
0x86: {  	[tilespmem:s16], [sflag:$0x1] =	stream.indirect_vreg.gather [hbm4b:s3+s2], $0x80, v3, vm0, $0xb8;
	[tilespmem:$0x8080] =	vst v63  }
0x87: {  	v3 =	vld [tilespmem:$0x10];
	_ =	sdelay $0x4  }
0x88: {  	v9 =	vshll.u32 v3, $0x1  }
0x89: {  	v3 =	vand.u32 $0x7, v3;
	v4 =	vand.u32 $0xFFFFFFF0, v9  }
0x8a: {  	v3 =	vor.u32 v3, v4  }
0x8b: {  	v4 =	vperm.xlane v3, v0;
	_ =	sdelay $0x1  }
0x8c: {  	v3 =	vperm.xlane v3, v2;
	v4 =	vadd.s32 v1, v4;
	_ =	sdelay $0x1  }
0x8d: {  	v3 =	vadd.s32 v1, v3;
	_ =	sdelay $0x2  }
0x8e: {  	[tilespmem:s17], [sflag:$0x1] =	stream.indirect_vreg.gather [hbm4b:s3+s2], $0x80, v4, vm0, $0xb8;
	[tilespmem:$0x8080] =	vst v63  }
0x8f: {  	_ = 	snop  }
0x90: {  	[tilespmem:s18], [sflag:$0x1] =	stream.indirect_vreg.gather [hbm4b:s3+s2], $0x80, v3, vm0, $0xb8;
	[tilespmem:$0x8080] =	vst v63  }
0x91: {  	v3 =	vld [tilespmem:$0x20];
	_ =	sdelay $0x4  }
0x92: {  	v10 =	vshll.u32 v3, $0x1  }
0x93: {  	v3 =	vand.u32 $0x7, v3;
	v4 =	vand.u32 $0xFFFFFFF0, v10  }
0x94: {  	v3 =	vor.u32 v3, v4  }
0x95: {  	v4 =	vperm.xlane v3, v0;
	_ =	sdelay $0x1  }
0x96: {  	v3 =	vperm.xlane v3, v2;
	v4 =	vadd.s32 v1, v4;
	_ =	sdelay $0x1  }
0x97: {  	v3 =	vadd.s32 v1, v3;
	_ =	sdelay $0x2  }
0x98: {  	[tilespmem:s19], [sflag:$0x1] =	stream.indirect_vreg.gather [hbm4b:s3+s2], $0x80, v4, vm0, $0xb8;
	[tilespmem:$0x8080] =	vst v63  }
0x99: {  	_ = 	snop  }
0x9a: {  	[tilespmem:s20], [sflag:$0x1] =	stream.indirect_vreg.gather [hbm4b:s3+s2], $0x80, v3, vm0, $0xb8;
	[tilespmem:$0x8080] =	vst v63  }
0x9b: {  	v3 =	vld [tilespmem:$0x30];
	_ =	sdelay $0x4  }
0x9c: {  	v11 =	vshll.u32 v3, $0x1  }
0x9d: {  	v3 =	vand.u32 $0x7, v3;
	v4 =	vand.u32 $0xFFFFFFF0, v11  }
0x9e: {  	v3 =	vor.u32 v3, v4  }
0x9f: {  	v4 =	vperm.xlane v3, v0;
	_ =	sdelay $0x1  }
0xa0: {  	v3 =	vperm.xlane v3, v2;
	v4 =	vadd.s32 v1, v4;
	_ =	sdelay $0x1  }
0xa1: {  	v3 =	vadd.s32 v1, v3;
	_ =	sdelay $0x2  }
0xa2: {  	[tilespmem:s21], [sflag:$0x1] =	stream.indirect_vreg.gather [hbm4b:s3+s2], $0x80, v4, vm0, $0xb8;
	[tilespmem:$0x8080] =	vst v63  }
0xa3: {  	_ = 	snop  }
0xa4: {  	[tilespmem:s22], [sflag:$0x1] =	stream.indirect_vreg.gather [hbm4b:s3+s2], $0x80, v3, vm0, $0xb8;
	[tilespmem:$0x8080] =	vst v63  }
0xa5: {  	v3 =	vld [tilespmem:$0x40];
	_ =	sdelay $0x4  }
0xa6: {  	v12 =	vshll.u32 v3, $0x1  }
0xa7: {  	v3 =	vand.u32 $0x7, v3;
	v4 =	vand.u32 $0xFFFFFFF0, v12  }
0xa8: {  	v3 =	vor.u32 v3, v4  }
0xa9: {  	v4 =	vperm.xlane v3, v0;
	_ =	sdelay $0x1  }
0xaa: {  	v3 =	vperm.xlane v3, v2;
	v4 =	vadd.s32 v1, v4;
	_ =	sdelay $0x1  }
0xab: {  	v3 =	vadd.s32 v1, v3;
	_ =	sdelay $0x2  }
0xac: {  	[tilespmem:s23], [sflag:$0x1] =	stream.indirect_vreg.gather [hbm4b:s3+s2], $0x80, v4, vm0, $0xb8;
	[tilespmem:$0x8080] =	vst v63  }
0xad: {  	_ = 	snop  }
0xae: {  	[tilespmem:s24], [sflag:$0x1] =	stream.indirect_vreg.gather [hbm4b:s3+s2], $0x80, v3, vm0, $0xb8;
	[tilespmem:$0x8080] =	vst v63  }
0xaf: {  	v3 =	vld [tilespmem:$0x50];
	_ =	sdelay $0x4  }
0xb0: {  	v13 =	vshll.u32 v3, $0x1  }
0xb1: {  	v3 =	vand.u32 $0x7, v3;
	v4 =	vand.u32 $0xFFFFFFF0, v13  }
0xb2: {  	v3 =	vor.u32 v3, v4  }
0xb3: {  	v4 =	vperm.xlane v3, v0;
	_ =	sdelay $0x1  }
0xb4: {  	v3 =	vperm.xlane v3, v2;
	v4 =	vadd.s32 v1, v4;
	_ =	sdelay $0x1  }
0xb5: {  	v3 =	vadd.s32 v1, v3;
	_ =	sdelay $0x2  }
0xb6: {  	[tilespmem:s25], [sflag:$0x1] =	stream.indirect_vreg.gather [hbm4b:s3+s2], $0x80, v4, vm0, $0xb8;
	[tilespmem:$0x8080] =	vst v63  }
0xb7: {  	_ = 	snop  }
0xb8: {  	[tilespmem:s26], [sflag:$0x1] =	stream.indirect_vreg.gather [hbm4b:s3+s2], $0x80, v3, vm0, $0xb8;
	[tilespmem:$0x8080] =	vst v63  }
0xb9: {  	v3 =	vld [tilespmem:$0x60];
	_ =	sdelay $0x4  }
0xba: {  	v14 =	vshll.u32 v3, $0x1  }
0xbb: {  	v3 =	vand.u32 $0x7, v3;
	v4 =	vand.u32 $0xFFFFFFF0, v14  }
0xbc: {  	v3 =	vor.u32 v3, v4  }
0xbd: {  	v4 =	vperm.xlane v3, v0;
	_ =	sdelay $0x1  }
0xbe: {  	v3 =	vperm.xlane v3, v2;
	v4 =	vadd.s32 v1, v4;
	_ =	sdelay $0x1  }
0xbf: {  	v3 =	vadd.s32 v1, v3;
	_ =	sdelay $0x2  }
0xc0: {  	[tilespmem:s28], [sflag:$0x1] =	stream.indirect_vreg.gather [hbm4b:s3+s2], $0x80, v4, vm0, $0xb8;
	[tilespmem:$0x8080] =	vst v63  }
0xc1: {  	_ = 	snop  }
0xc2: {  	[tilespmem:s29], [sflag:$0x1] =	stream.indirect_vreg.gather [hbm4b:s3+s2], $0x80, v3, vm0, $0xb8;
	[tilespmem:$0x8080] =	vst v63  }
0xc3: {  	v3 =	vld [tilespmem:$0x70];
	_ =	sdelay $0x4  }
0xc4: {  	v15 =	vshll.u32 v3, $0x1  }
0xc5: {  	v3 =	vand.u32 $0x7, v3;
	v4 =	vand.u32 $0xFFFFFFF0, v15  }
0xc6: {  	v3 =	vor.u32 v3, v4  }
0xc7: {  	v4 =	vperm.xlane v3, v0;
	_ =	sdelay $0x1  }
0xc8: {  	v3 =	vperm.xlane v3, v2;
	v4 =	vadd.s32 v1, v4;
	_ =	sdelay $0x1  }
0xc9: {  	v3 =	vadd.s32 v1, v3;
	_ =	sdelay $0x2  }
0xca: {  	[tilespmem:s30], [sflag:$0x1] =	stream.indirect_vreg.gather [hbm4b:s3+s2], $0x80, v4, vm0, $0xb8;
	[tilespmem:$0x8080] =	vst v63  }
0xcb: {  	_ = 	snop  }
0xcc: {  	[tilespmem:s31], [sflag:$0x1] =	stream.indirect_vreg.gather [hbm4b:s3+s2], $0x80, v3, vm0, $0xb8;
	[tilespmem:$0x8080] =	vst v63  }
0xcd: {  	_ =	swait.ge [sflag:s0], $0x8000  }
0xce: {  	[sflag:s0] =	ssyncset.done $0x0  }
0xcf: {  	s1 =	rddreg [dreg:$0x6];
	[sflag:s0] =	ssyncadd.s32 $0xFFFF8000  }
0xd0: {  	[hbm4b:s1+s2] =	stream.linear.scatter [tilespmem:s15], [sflag:$0x2], $0x8000, $0x38;
	[tilespmem:$0x8080] =	vst v63  }
0xd1: {  	_ =	swait.ge [sflag:s14], $0x8000  }
0xd2: {  	[sflag:s14] =	ssyncset.done $0x0  }
0xd3: {  	s1 =	rddreg [dreg:$0x7];
	[sflag:s14] =	ssyncadd.s32 $0xFFFF8000  }
0xd4: {  	[tilespmem:s2], [sflag:$0x2] =	stream.linear.gather [hbm4b:s1+s2], $0x80, $0x38;
	[tilespmem:$0x8080] =	vst v63  }
0xd5: {  	_ =	swait.ge [sflag:s14], $0x80  }
0xd6: {  	[sflag:s14] =	ssyncset.done $0x0  }
0xd7: {  	[sflag:s14] =	ssyncadd.s32 $0xFFFFFF80  }
0xd8: {  	v3 =	vld [tilespmem:$0x0];
	_ =	sdelay $0x4  }
0xd9: {  	v16 =	vshll.u32 v3, $0x1  }
0xda: {  	v3 =	vand.u32 $0x7, v3;
	v4 =	vand.u32 $0xFFFFFFF0, v16  }
0xdb: {  	v3 =	vor.u32 v3, v4  }
0xdc: {  	v4 =	vperm.xlane v3, v0;
	_ =	sdelay $0x1  }
0xdd: {  	v3 =	vperm.xlane v3, v2;
	v4 =	vadd.s32 v1, v4;
	_ =	sdelay $0x1  }
0xde: {  	v3 =	vadd.s32 v1, v3;
	_ =	sdelay $0x2  }
0xdf: {  	[tilespmem:s15], [sflag:$0x1] =	stream.indirect_vreg.gather [hbm4b:s3+s2], $0x80, v4, vm0, $0xb8;
	[tilespmem:$0x8080] =	vst v63  }
0xe0: {  	_ = 	snop  }
0xe1: {  	[tilespmem:s16], [sflag:$0x1] =	stream.indirect_vreg.gather [hbm4b:s3+s2], $0x80, v3, vm0, $0xb8;
	[tilespmem:$0x8080] =	vst v63  }
0xe2: {  	v3 =	vld [tilespmem:$0x10];
	_ =	sdelay $0x4  }
0xe3: {  	v17 =	vshll.u32 v3, $0x1  }
0xe4: {  	v3 =	vand.u32 $0x7, v3;
	v4 =	vand.u32 $0xFFFFFFF0, v17  }
0xe5: {  	v3 =	vor.u32 v3, v4  }
0xe6: {  	v4 =	vperm.xlane v3, v0;
	_ =	sdelay $0x1  }
0xe7: {  	v3 =	vperm.xlane v3, v2;
	v4 =	vadd.s32 v1, v4;
	_ =	sdelay $0x1  }
0xe8: {  	v3 =	vadd.s32 v1, v3;
	_ =	sdelay $0x2  }
0xe9: {  	[tilespmem:s17], [sflag:$0x1] =	stream.indirect_vreg.gather [hbm4b:s3+s2], $0x80, v4, vm0, $0xb8;
	[tilespmem:$0x8080] =	vst v63  }
0xea: {  	_ = 	snop  }
0xeb: {  	[tilespmem:s18], [sflag:$0x1] =	stream.indirect_vreg.gather [hbm4b:s3+s2], $0x80, v3, vm0, $0xb8;
	[tilespmem:$0x8080] =	vst v63  }
0xec: {  	v3 =	vld [tilespmem:$0x20];
	_ =	sdelay $0x4  }
0xed: {  	v18 =	vshll.u32 v3, $0x1  }
0xee: {  	v3 =	vand.u32 $0x7, v3;
	v4 =	vand.u32 $0xFFFFFFF0, v18  }
0xef: {  	v3 =	vor.u32 v3, v4  }
0xf0: {  	v4 =	vperm.xlane v3, v0;
	_ =	sdelay $0x1  }
0xf1: {  	v3 =	vperm.xlane v3, v2;
	v4 =	vadd.s32 v1, v4;
	_ =	sdelay $0x1  }
0xf2: {  	v3 =	vadd.s32 v1, v3;
	_ =	sdelay $0x2  }
0xf3: {  	[tilespmem:s19], [sflag:$0x1] =	stream.indirect_vreg.gather [hbm4b:s3+s2], $0x80, v4, vm0, $0xb8;
	[tilespmem:$0x8080] =	vst v63  }
0xf4: {  	_ = 	snop  }
0xf5: {  	[tilespmem:s20], [sflag:$0x1] =	stream.indirect_vreg.gather [hbm4b:s3+s2], $0x80, v3, vm0, $0xb8;
	[tilespmem:$0x8080] =	vst v63  }
0xf6: {  	v3 =	vld [tilespmem:$0x30];
	_ =	sdelay $0x4  }
0xf7: {  	v19 =	vshll.u32 v3, $0x1  }
0xf8: {  	v3 =	vand.u32 $0x7, v3;
	v4 =	vand.u32 $0xFFFFFFF0, v19  }
0xf9: {  	v3 =	vor.u32 v3, v4  }
0xfa: {  	v4 =	vperm.xlane v3, v0;
	_ =	sdelay $0x1  }
0xfb: {  	v3 =	vperm.xlane v3, v2;
	v4 =	vadd.s32 v1, v4;
	_ =	sdelay $0x1  }
0xfc: {  	v3 =	vadd.s32 v1, v3;
	_ =	sdelay $0x2  }
0xfd: {  	[tilespmem:s21], [sflag:$0x1] =	stream.indirect_vreg.gather [hbm4b:s3+s2], $0x80, v4, vm0, $0xb8;
	[tilespmem:$0x8080] =	vst v63  }
0xfe: {  	_ = 	snop  }
0xff: {  	[tilespmem:s22], [sflag:$0x1] =	stream.indirect_vreg.gather [hbm4b:s3+s2], $0x80, v3, vm0, $0xb8;
	[tilespmem:$0x8080] =	vst v63  }
0x100: {  	v3 =	vld [tilespmem:$0x40];
	_ =	sdelay $0x4  }
0x101: {  	v20 =	vshll.u32 v3, $0x1  }
0x102: {  	v3 =	vand.u32 $0x7, v3;
	v4 =	vand.u32 $0xFFFFFFF0, v20  }
0x103: {  	v3 =	vor.u32 v3, v4  }
0x104: {  	v4 =	vperm.xlane v3, v0;
	_ =	sdelay $0x1  }
0x105: {  	v3 =	vperm.xlane v3, v2;
	v4 =	vadd.s32 v1, v4;
	_ =	sdelay $0x1  }
0x106: {  	v3 =	vadd.s32 v1, v3;
	_ =	sdelay $0x2  }
0x107: {  	[tilespmem:s23], [sflag:$0x1] =	stream.indirect_vreg.gather [hbm4b:s3+s2], $0x80, v4, vm0, $0xb8;
	[tilespmem:$0x8080] =	vst v63  }
0x108: {  	_ = 	snop  }
0x109: {  	[tilespmem:s24], [sflag:$0x1] =	stream.indirect_vreg.gather [hbm4b:s3+s2], $0x80, v3, vm0, $0xb8;
	[tilespmem:$0x8080] =	vst v63  }
0x10a: {  	v3 =	vld [tilespmem:$0x50];
	_ =	sdelay $0x4  }
0x10b: {  	v21 =	vshll.u32 v3, $0x1  }
0x10c: {  	v3 =	vand.u32 $0x7, v3;
	v4 =	vand.u32 $0xFFFFFFF0, v21  }
0x10d: {  	v3 =	vor.u32 v3, v4  }
0x10e: {  	v4 =	vperm.xlane v3, v0;
	_ =	sdelay $0x1  }
0x10f: {  	v3 =	vperm.xlane v3, v2;
	v4 =	vadd.s32 v1, v4;
	_ =	sdelay $0x1  }
0x110: {  	v3 =	vadd.s32 v1, v3;
	_ =	sdelay $0x2  }
0x111: {  	[tilespmem:s25], [sflag:$0x1] =	stream.indirect_vreg.gather [hbm4b:s3+s2], $0x80, v4, vm0, $0xb8;
	[tilespmem:$0x8080] =	vst v63  }
0x112: {  	_ = 	snop  }
0x113: {  	[tilespmem:s26], [sflag:$0x1] =	stream.indirect_vreg.gather [hbm4b:s3+s2], $0x80, v3, vm0, $0xb8;
	[tilespmem:$0x8080] =	vst v63  }
0x114: {  	v3 =	vld [tilespmem:$0x60];
	_ =	sdelay $0x4  }
0x115: {  	v22 =	vshll.u32 v3, $0x1  }
0x116: {  	v3 =	vand.u32 $0x7, v3;
	v4 =	vand.u32 $0xFFFFFFF0, v22  }
0x117: {  	v3 =	vor.u32 v3, v4  }
0x118: {  	v4 =	vperm.xlane v3, v0;
	_ =	sdelay $0x1  }
0x119: {  	v3 =	vperm.xlane v3, v2;
	v4 =	vadd.s32 v1, v4;
	_ =	sdelay $0x1  }
0x11a: {  	v3 =	vadd.s32 v1, v3;
	_ =	sdelay $0x2  }
0x11b: {  	[tilespmem:s28], [sflag:$0x1] =	stream.indirect_vreg.gather [hbm4b:s3+s2], $0x80, v4, vm0, $0xb8;
	[tilespmem:$0x8080] =	vst v63  }
0x11c: {  	_ = 	snop  }
0x11d: {  	[tilespmem:s29], [sflag:$0x1] =	stream.indirect_vreg.gather [hbm4b:s3+s2], $0x80, v3, vm0, $0xb8;
	[tilespmem:$0x8080] =	vst v63  }
0x11e: {  	v3 =	vld [tilespmem:$0x70];
	_ =	sdelay $0x4  }
0x11f: {  	v23 =	vshll.u32 v3, $0x1  }
0x120: {  	v3 =	vand.u32 $0x7, v3;
	v4 =	vand.u32 $0xFFFFFFF0, v23  }
0x121: {  	v3 =	vor.u32 v3, v4  }
0x122: {  	v4 =	vperm.xlane v3, v0;
	_ =	sdelay $0x1  }
0x123: {  	v3 =	vperm.xlane v3, v2;
	v4 =	vadd.s32 v1, v4;
	_ =	sdelay $0x1  }
0x124: {  	v3 =	vadd.s32 v1, v3;
	_ =	sdelay $0x2  }
0x125: {  	[tilespmem:s30], [sflag:$0x1] =	stream.indirect_vreg.gather [hbm4b:s3+s2], $0x80, v4, vm0, $0xb8;
	[tilespmem:$0x8080] =	vst v63  }
0x126: {  	_ = 	snop  }
0x127: {  	[tilespmem:s31], [sflag:$0x1] =	stream.indirect_vreg.gather [hbm4b:s3+s2], $0x80, v3, vm0, $0xb8;
	[tilespmem:$0x8080] =	vst v63  }
0x128: {  	_ =	swait.ge [sflag:s0], $0x8000  }
0x129: {  	[sflag:s0] =	ssyncset.done $0x0  }
0x12a: {  	s1 =	rddreg [dreg:$0x8];
	[sflag:s0] =	ssyncadd.s32 $0xFFFF8000  }
0x12b: {  	[hbm4b:s1+s2] =	stream.linear.scatter [tilespmem:s15], [sflag:$0x2], $0x8000, $0x38;
	[tilespmem:$0x8080] =	vst v63  }
0x12c: {  	_ =	swait.ge [sflag:s14], $0x8000  }
0x12d: {  	[sflag:s14] =	ssyncset.done $0x0  }
0x12e: {  	s1 =	rddreg [dreg:$0x9];
	[sflag:s14] =	ssyncadd.s32 $0xFFFF8000  }
0x12f: {  	[tilespmem:s2], [sflag:$0x2] =	stream.linear.gather [hbm4b:s1+s2], $0x80, $0x38;
	[tilespmem:$0x8080] =	vst v63  }
0x130: {  	_ =	swait.ge [sflag:s14], $0x80  }
0x131: {  	[sflag:s14] =	ssyncset.done $0x0  }
0x132: {  	[sflag:s14] =	ssyncadd.s32 $0xFFFFFF80  }
0x133: {  	v3 =	vld [tilespmem:$0x0];
	_ =	sdelay $0x4  }
0x134: {  	v24 =	vshll.u32 v3, $0x1  }
0x135: {  	v3 =	vand.u32 $0x7, v3;
	v4 =	vand.u32 $0xFFFFFFF0, v24  }
0x136: {  	v3 =	vor.u32 v3, v4  }
0x137: {  	v4 =	vperm.xlane v3, v0;
	_ =	sdelay $0x1  }
0x138: {  	v3 =	vperm.xlane v3, v2;
	v4 =	vadd.s32 v1, v4;
	_ =	sdelay $0x1  }
0x139: {  	v3 =	vadd.s32 v1, v3;
	_ =	sdelay $0x2  }
0x13a: {  	[tilespmem:s15], [sflag:$0x1] =	stream.indirect_vreg.gather [hbm4b:s3+s2], $0x80, v4, vm0, $0xb8;
	[tilespmem:$0x8080] =	vst v63  }
0x13b: {  	_ = 	snop  }
0x13c: {  	[tilespmem:s16], [sflag:$0x1] =	stream.indirect_vreg.gather [hbm4b:s3+s2], $0x80, v3, vm0, $0xb8;
	[tilespmem:$0x8080] =	vst v63  }
0x13d: {  	v3 =	vld [tilespmem:$0x10];
	_ =	sdelay $0x4  }
0x13e: {  	v25 =	vshll.u32 v3, $0x1  }
0x13f: {  	v3 =	vand.u32 $0x7, v3;
	v4 =	vand.u32 $0xFFFFFFF0, v25  }
0x140: {  	v3 =	vor.u32 v3, v4  }
0x141: {  	v4 =	vperm.xlane v3, v0;
	_ =	sdelay $0x1  }
0x142: {  	v3 =	vperm.xlane v3, v2;
	v4 =	vadd.s32 v1, v4;
	_ =	sdelay $0x1  }
0x143: {  	v3 =	vadd.s32 v1, v3;
	_ =	sdelay $0x2  }
0x144: {  	[tilespmem:s17], [sflag:$0x1] =	stream.indirect_vreg.gather [hbm4b:s3+s2], $0x80, v4, vm0, $0xb8;
	[tilespmem:$0x8080] =	vst v63  }
0x145: {  	_ = 	snop  }
0x146: {  	[tilespmem:s18], [sflag:$0x1] =	stream.indirect_vreg.gather [hbm4b:s3+s2], $0x80, v3, vm0, $0xb8;
	[tilespmem:$0x8080] =	vst v63  }
0x147: {  	v3 =	vld [tilespmem:$0x20];
	_ =	sdelay $0x4  }
0x148: {  	v26 =	vshll.u32 v3, $0x1  }
0x149: {  	v3 =	vand.u32 $0x7, v3;
	v4 =	vand.u32 $0xFFFFFFF0, v26  }
0x14a: {  	v3 =	vor.u32 v3, v4  }
0x14b: {  	v4 =	vperm.xlane v3, v0;
	_ =	sdelay $0x1  }
0x14c: {  	v3 =	vperm.xlane v3, v2;
	v4 =	vadd.s32 v1, v4;
	_ =	sdelay $0x1  }
0x14d: {  	v3 =	vadd.s32 v1, v3;
	_ =	sdelay $0x2  }
0x14e: {  	[tilespmem:s19], [sflag:$0x1] =	stream.indirect_vreg.gather [hbm4b:s3+s2], $0x80, v4, vm0, $0xb8;
	[tilespmem:$0x8080] =	vst v63  }
0x14f: {  	_ = 	snop  }
0x150: {  	[tilespmem:s20], [sflag:$0x1] =	stream.indirect_vreg.gather [hbm4b:s3+s2], $0x80, v3, vm0, $0xb8;
	[tilespmem:$0x8080] =	vst v63  }
0x151: {  	v3 =	vld [tilespmem:$0x30];
	_ =	sdelay $0x4  }
0x152: {  	v27 =	vshll.u32 v3, $0x1  }
0x153: {  	v3 =	vand.u32 $0x7, v3;
	v4 =	vand.u32 $0xFFFFFFF0, v27  }
0x154: {  	v3 =	vor.u32 v3, v4  }
0x155: {  	v4 =	vperm.xlane v3, v0;
	_ =	sdelay $0x1  }
0x156: {  	v3 =	vperm.xlane v3, v2;
	v4 =	vadd.s32 v1, v4;
	_ =	sdelay $0x1  }
0x157: {  	v3 =	vadd.s32 v1, v3;
	_ =	sdelay $0x2  }
0x158: {  	[tilespmem:s21], [sflag:$0x1] =	stream.indirect_vreg.gather [hbm4b:s3+s2], $0x80, v4, vm0, $0xb8;
	[tilespmem:$0x8080] =	vst v63  }
0x159: {  	_ = 	snop  }
0x15a: {  	[tilespmem:s22], [sflag:$0x1] =	stream.indirect_vreg.gather [hbm4b:s3+s2], $0x80, v3, vm0, $0xb8;
	[tilespmem:$0x8080] =	vst v63  }
0x15b: {  	v3 =	vld [tilespmem:$0x40];
	_ =	sdelay $0x4  }
0x15c: {  	v28 =	vshll.u32 v3, $0x1  }
0x15d: {  	v3 =	vand.u32 $0x7, v3;
	v4 =	vand.u32 $0xFFFFFFF0, v28  }
0x15e: {  	v3 =	vor.u32 v3, v4  }
0x15f: {  	v4 =	vperm.xlane v3, v0;
	_ =	sdelay $0x1  }
0x160: {  	v3 =	vperm.xlane v3, v2;
	v4 =	vadd.s32 v1, v4;
	_ =	sdelay $0x1  }
0x161: {  	v3 =	vadd.s32 v1, v3;
	_ =	sdelay $0x2  }
0x162: {  	[tilespmem:s23], [sflag:$0x1] =	stream.indirect_vreg.gather [hbm4b:s3+s2], $0x80, v4, vm0, $0xb8;
	[tilespmem:$0x8080] =	vst v63  }
0x163: {  	_ = 	snop  }
0x164: {  	[tilespmem:s24], [sflag:$0x1] =	stream.indirect_vreg.gather [hbm4b:s3+s2], $0x80, v3, vm0, $0xb8;
	[tilespmem:$0x8080] =	vst v63  }
0x165: {  	v3 =	vld [tilespmem:$0x50];
	_ =	sdelay $0x4  }
0x166: {  	v29 =	vshll.u32 v3, $0x1  }
0x167: {  	v3 =	vand.u32 $0x7, v3;
	v4 =	vand.u32 $0xFFFFFFF0, v29  }
0x168: {  	v3 =	vor.u32 v3, v4  }
0x169: {  	v4 =	vperm.xlane v3, v0;
	_ =	sdelay $0x1  }
0x16a: {  	v3 =	vperm.xlane v3, v2;
	v4 =	vadd.s32 v1, v4;
	_ =	sdelay $0x1  }
0x16b: {  	v3 =	vadd.s32 v1, v3;
	_ =	sdelay $0x2  }
0x16c: {  	[tilespmem:s25], [sflag:$0x1] =	stream.indirect_vreg.gather [hbm4b:s3+s2], $0x80, v4, vm0, $0xb8;
	[tilespmem:$0x8080] =	vst v63  }
0x16d: {  	_ = 	snop  }
0x16e: {  	[tilespmem:s26], [sflag:$0x1] =	stream.indirect_vreg.gather [hbm4b:s3+s2], $0x80, v3, vm0, $0xb8;
	[tilespmem:$0x8080] =	vst v63  }
0x16f: {  	v3 =	vld [tilespmem:$0x60];
	_ =	sdelay $0x4  }
0x170: {  	v30 =	vshll.u32 v3, $0x1  }
0x171: {  	v3 =	vand.u32 $0x7, v3;
	v4 =	vand.u32 $0xFFFFFFF0, v30  }
0x172: {  	v3 =	vor.u32 v3, v4  }
0x173: {  	v4 =	vperm.xlane v3, v0;
	_ =	sdelay $0x1  }
0x174: {  	v3 =	vperm.xlane v3, v2;
	v4 =	vadd.s32 v1, v4;
	_ =	sdelay $0x1  }
0x175: {  	v3 =	vadd.s32 v1, v3;
	_ =	sdelay $0x2  }
0x176: {  	[tilespmem:s28], [sflag:$0x1] =	stream.indirect_vreg.gather [hbm4b:s3+s2], $0x80, v4, vm0, $0xb8;
	[tilespmem:$0x8080] =	vst v63  }
0x177: {  	_ = 	snop  }
0x178: {  	[tilespmem:s29], [sflag:$0x1] =	stream.indirect_vreg.gather [hbm4b:s3+s2], $0x80, v3, vm0, $0xb8;
	[tilespmem:$0x8080] =	vst v63  }
0x179: {  	v3 =	vld [tilespmem:$0x70];
	_ =	sdelay $0x4  }
0x17a: {  	v31 =	vshll.u32 v3, $0x1  }
0x17b: {  	v3 =	vand.u32 $0x7, v3;
	v4 =	vand.u32 $0xFFFFFFF0, v31  }
0x17c: {  	v3 =	vor.u32 v3, v4  }
0x17d: {  	v4 =	vperm.xlane v3, v0;
	_ =	sdelay $0x1  }
0x17e: {  	v3 =	vperm.xlane v3, v2;
	v4 =	vadd.s32 v1, v4;
	_ =	sdelay $0x1  }
0x17f: {  	v3 =	vadd.s32 v1, v3;
	_ =	sdelay $0x2  }
0x180: {  	[tilespmem:s30], [sflag:$0x1] =	stream.indirect_vreg.gather [hbm4b:s3+s2], $0x80, v4, vm0, $0xb8;
	[tilespmem:$0x8080] =	vst v63  }
0x181: {  	_ = 	snop  }
0x182: {  	[tilespmem:s31], [sflag:$0x1] =	stream.indirect_vreg.gather [hbm4b:s3+s2], $0x80, v3, vm0, $0xb8;
	[tilespmem:$0x8080] =	vst v63  }
0x183: {  	_ =	swait.ge [sflag:s0], $0x8000  }
0x184: {  	[sflag:s0] =	ssyncset.done $0x0  }
0x185: {  	[sflag:s0] =	ssyncadd.s32 $0xFFFF8000  }
0x186: {  	[hbm4b:s4+s2] =	stream.linear.scatter [tilespmem:s15], [sflag:$0x2], $0x8000, $0x38;
	[tilespmem:$0x8080] =	vst v63  }
0x187: {  	_ =	swait.ge [sflag:s14], $0x8000  }
0x188: {  	[sflag:s14] =	ssyncset.done $0x0  }
0x189: {  	[sflag:s14] =	ssyncadd.s32 $0xFFFF8000  }
0x18a: {  	[tilespmem:s2], [sflag:$0x2] =	stream.linear.gather [hbm4b:s5+s2], $0x80, $0x38;
	[tilespmem:$0x8080] =	vst v63  }
0x18b: {  	_ =	swait.ge [sflag:s14], $0x80  }
0x18c: {  	[sflag:s14] =	ssyncset.done $0x0  }
0x18d: {  	[sflag:s14] =	ssyncadd.s32 $0xFFFFFF80  }
0x18e: {  	v3 =	vld [tilespmem:$0x0];
	_ =	sdelay $0x4  }
0x18f: {  	v32 =	vshll.u32 v3, $0x1  }
0x190: {  	v3 =	vand.u32 $0x7, v3;
	v4 =	vand.u32 $0xFFFFFFF0, v32  }
0x191: {  	v3 =	vor.u32 v3, v4  }
0x192: {  	v4 =	vperm.xlane v3, v0;
	_ =	sdelay $0x1  }
0x193: {  	v3 =	vperm.xlane v3, v2;
	v4 =	vadd.s32 v1, v4;
	_ =	sdelay $0x1  }
0x194: {  	v3 =	vadd.s32 v1, v3;
	_ =	sdelay $0x2  }
0x195: {  	[tilespmem:s15], [sflag:$0x1] =	stream.indirect_vreg.gather [hbm4b:s3+s2], $0x80, v4, vm0, $0xb8;
	[tilespmem:$0x8080] =	vst v63  }
0x196: {  	_ = 	snop  }
0x197: {  	[tilespmem:s16], [sflag:$0x1] =	stream.indirect_vreg.gather [hbm4b:s3+s2], $0x80, v3, vm0, $0xb8;
	[tilespmem:$0x8080] =	vst v63  }
0x198: {  	v3 =	vld [tilespmem:$0x10];
	_ =	sdelay $0x4  }
0x199: {  	v33 =	vshll.u32 v3, $0x1  }
0x19a: {  	v3 =	vand.u32 $0x7, v3;
	v4 =	vand.u32 $0xFFFFFFF0, v33  }
0x19b: {  	v3 =	vor.u32 v3, v4  }
0x19c: {  	v4 =	vperm.xlane v3, v0;
	_ =	sdelay $0x1  }
0x19d: {  	v3 =	vperm.xlane v3, v2;
	v4 =	vadd.s32 v1, v4;
	_ =	sdelay $0x1  }
0x19e: {  	v3 =	vadd.s32 v1, v3;
	_ =	sdelay $0x2  }
0x19f: {  	[tilespmem:s17], [sflag:$0x1] =	stream.indirect_vreg.gather [hbm4b:s3+s2], $0x80, v4, vm0, $0xb8;
	[tilespmem:$0x8080] =	vst v63  }
0x1a0: {  	_ = 	snop  }
0x1a1: {  	[tilespmem:s18], [sflag:$0x1] =	stream.indirect_vreg.gather [hbm4b:s3+s2], $0x80, v3, vm0, $0xb8;
	[tilespmem:$0x8080] =	vst v63  }
0x1a2: {  	v3 =	vld [tilespmem:$0x20];
	_ =	sdelay $0x4  }
0x1a3: {  	v34 =	vshll.u32 v3, $0x1  }
0x1a4: {  	v3 =	vand.u32 $0x7, v3;
	v4 =	vand.u32 $0xFFFFFFF0, v34  }
0x1a5: {  	v3 =	vor.u32 v3, v4  }
0x1a6: {  	v4 =	vperm.xlane v3, v0;
	_ =	sdelay $0x1  }
0x1a7: {  	v3 =	vperm.xlane v3, v2;
	v4 =	vadd.s32 v1, v4;
	_ =	sdelay $0x1  }
0x1a8: {  	v3 =	vadd.s32 v1, v3;
	_ =	sdelay $0x2  }
0x1a9: {  	[tilespmem:s19], [sflag:$0x1] =	stream.indirect_vreg.gather [hbm4b:s3+s2], $0x80, v4, vm0, $0xb8;
	[tilespmem:$0x8080] =	vst v63  }
0x1aa: {  	_ = 	snop  }
0x1ab: {  	[tilespmem:s20], [sflag:$0x1] =	stream.indirect_vreg.gather [hbm4b:s3+s2], $0x80, v3, vm0, $0xb8;
	[tilespmem:$0x8080] =	vst v63  }
0x1ac: {  	v3 =	vld [tilespmem:$0x30];
	_ =	sdelay $0x4  }
0x1ad: {  	v35 =	vshll.u32 v3, $0x1  }
0x1ae: {  	v3 =	vand.u32 $0x7, v3;
	v4 =	vand.u32 $0xFFFFFFF0, v35  }
0x1af: {  	v3 =	vor.u32 v3, v4  }
0x1b0: {  	v4 =	vperm.xlane v3, v0;
	_ =	sdelay $0x1  }
0x1b1: {  	v3 =	vperm.xlane v3, v2;
	v4 =	vadd.s32 v1, v4;
	_ =	sdelay $0x1  }
0x1b2: {  	v3 =	vadd.s32 v1, v3;
	_ =	sdelay $0x2  }
0x1b3: {  	[tilespmem:s21], [sflag:$0x1] =	stream.indirect_vreg.gather [hbm4b:s3+s2], $0x80, v4, vm0, $0xb8;
	[tilespmem:$0x8080] =	vst v63  }
0x1b4: {  	_ = 	snop  }
0x1b5: {  	[tilespmem:s22], [sflag:$0x1] =	stream.indirect_vreg.gather [hbm4b:s3+s2], $0x80, v3, vm0, $0xb8;
	[tilespmem:$0x8080] =	vst v63  }
0x1b6: {  	v3 =	vld [tilespmem:$0x40];
	_ =	sdelay $0x4  }
0x1b7: {  	v36 =	vshll.u32 v3, $0x1  }
0x1b8: {  	v3 =	vand.u32 $0x7, v3;
	v4 =	vand.u32 $0xFFFFFFF0, v36  }
0x1b9: {  	v3 =	vor.u32 v3, v4  }
0x1ba: {  	v4 =	vperm.xlane v3, v0;
	_ =	sdelay $0x1  }
0x1bb: {  	v3 =	vperm.xlane v3, v2;
	v4 =	vadd.s32 v1, v4;
	_ =	sdelay $0x1  }
0x1bc: {  	v3 =	vadd.s32 v1, v3;
	_ =	sdelay $0x2  }
0x1bd: {  	[tilespmem:s23], [sflag:$0x1] =	stream.indirect_vreg.gather [hbm4b:s3+s2], $0x80, v4, vm0, $0xb8;
	[tilespmem:$0x8080] =	vst v63  }
0x1be: {  	_ = 	snop  }
0x1bf: {  	[tilespmem:s24], [sflag:$0x1] =	stream.indirect_vreg.gather [hbm4b:s3+s2], $0x80, v3, vm0, $0xb8;
	[tilespmem:$0x8080] =	vst v63  }
0x1c0: {  	v3 =	vld [tilespmem:$0x50];
	_ =	sdelay $0x4  }
0x1c1: {  	v37 =	vshll.u32 v3, $0x1  }
0x1c2: {  	v3 =	vand.u32 $0x7, v3;
	v4 =	vand.u32 $0xFFFFFFF0, v37  }
0x1c3: {  	v3 =	vor.u32 v3, v4  }
0x1c4: {  	v4 =	vperm.xlane v3, v0;
	_ =	sdelay $0x1  }
0x1c5: {  	v3 =	vperm.xlane v3, v2;
	v4 =	vadd.s32 v1, v4;
	_ =	sdelay $0x1  }
0x1c6: {  	v3 =	vadd.s32 v1, v3;
	_ =	sdelay $0x2  }
0x1c7: {  	[tilespmem:s25], [sflag:$0x1] =	stream.indirect_vreg.gather [hbm4b:s3+s2], $0x80, v4, vm0, $0xb8;
	[tilespmem:$0x8080] =	vst v63  }
0x1c8: {  	_ = 	snop  }
0x1c9: {  	[tilespmem:s26], [sflag:$0x1] =	stream.indirect_vreg.gather [hbm4b:s3+s2], $0x80, v3, vm0, $0xb8;
	[tilespmem:$0x8080] =	vst v63  }
0x1ca: {  	v3 =	vld [tilespmem:$0x60];
	_ =	sdelay $0x4  }
0x1cb: {  	v38 =	vshll.u32 v3, $0x1  }
0x1cc: {  	v3 =	vand.u32 $0x7, v3;
	v4 =	vand.u32 $0xFFFFFFF0, v38  }
0x1cd: {  	v3 =	vor.u32 v3, v4  }
0x1ce: {  	v4 =	vperm.xlane v3, v0;
	_ =	sdelay $0x1  }
0x1cf: {  	v3 =	vperm.xlane v3, v2;
	v4 =	vadd.s32 v1, v4;
	_ =	sdelay $0x1  }
0x1d0: {  	v3 =	vadd.s32 v1, v3;
	_ =	sdelay $0x2  }
0x1d1: {  	[tilespmem:s28], [sflag:$0x1] =	stream.indirect_vreg.gather [hbm4b:s3+s2], $0x80, v4, vm0, $0xb8;
	[tilespmem:$0x8080] =	vst v63  }
0x1d2: {  	_ = 	snop  }
0x1d3: {  	[tilespmem:s29], [sflag:$0x1] =	stream.indirect_vreg.gather [hbm4b:s3+s2], $0x80, v3, vm0, $0xb8;
	[tilespmem:$0x8080] =	vst v63  }
0x1d4: {  	v3 =	vld [tilespmem:$0x70];
	_ =	sdelay $0x4  }
0x1d5: {  	v39 =	vshll.u32 v3, $0x1  }
0x1d6: {  	v3 =	vand.u32 $0x7, v3;
	v4 =	vand.u32 $0xFFFFFFF0, v39  }
0x1d7: {  	v3 =	vor.u32 v3, v4  }
0x1d8: {  	v4 =	vperm.xlane v3, v0;
	_ =	sdelay $0x1  }
0x1d9: {  	v3 =	vperm.xlane v3, v2;
	v4 =	vadd.s32 v1, v4;
	_ =	sdelay $0x1  }
0x1da: {  	v3 =	vadd.s32 v1, v3;
	_ =	sdelay $0x2  }
0x1db: {  	[tilespmem:s30], [sflag:$0x1] =	stream.indirect_vreg.gather [hbm4b:s3+s2], $0x80, v4, vm0, $0xb8;
	[tilespmem:$0x8080] =	vst v63  }
0x1dc: {  	_ = 	snop  }
0x1dd: {  	[tilespmem:s31], [sflag:$0x1] =	stream.indirect_vreg.gather [hbm4b:s3+s2], $0x80, v3, vm0, $0xb8;
	[tilespmem:$0x8080] =	vst v63  }
0x1de: {  	_ =	swait.ge [sflag:s0], $0x8000  }
0x1df: {  	[sflag:s0] =	ssyncset.done $0x0  }
0x1e0: {  	[sflag:s0] =	ssyncadd.s32 $0xFFFF8000  }
0x1e1: {  	[hbm4b:s6+s2] =	stream.linear.scatter [tilespmem:s15], [sflag:$0x2], $0x8000, $0x38;
	[tilespmem:$0x8080] =	vst v63  }
0x1e2: {  	_ =	swait.ge [sflag:s14], $0x8000  }
0x1e3: {  	[sflag:s14] =	ssyncset.done $0x0  }
0x1e4: {  	[sflag:s14] =	ssyncadd.s32 $0xFFFF8000  }
0x1e5: {  	[tilespmem:s2], [sflag:$0x2] =	stream.linear.gather [hbm4b:s7+s2], $0x80, $0x38;
	[tilespmem:$0x8080] =	vst v63  }
0x1e6: {  	_ =	swait.ge [sflag:s14], $0x80  }
0x1e7: {  	[sflag:s14] =	ssyncset.done $0x0  }
0x1e8: {  	[sflag:s14] =	ssyncadd.s32 $0xFFFFFF80  }
0x1e9: {  	v3 =	vld [tilespmem:$0x0];
	_ =	sdelay $0x4  }
0x1ea: {  	v40 =	vshll.u32 v3, $0x1  }
0x1eb: {  	v3 =	vand.u32 $0x7, v3;
	v4 =	vand.u32 $0xFFFFFFF0, v40  }
0x1ec: {  	v3 =	vor.u32 v3, v4  }
0x1ed: {  	v4 =	vperm.xlane v3, v0;
	_ =	sdelay $0x1  }
0x1ee: {  	v3 =	vperm.xlane v3, v2;
	v4 =	vadd.s32 v1, v4;
	_ =	sdelay $0x1  }
0x1ef: {  	v3 =	vadd.s32 v1, v3;
	_ =	sdelay $0x2  }
0x1f0: {  	[tilespmem:s15], [sflag:$0x1] =	stream.indirect_vreg.gather [hbm4b:s3+s2], $0x80, v4, vm0, $0xb8;
	[tilespmem:$0x8080] =	vst v63  }
0x1f1: {  	_ = 	snop  }
0x1f2: {  	[tilespmem:s16], [sflag:$0x1] =	stream.indirect_vreg.gather [hbm4b:s3+s2], $0x80, v3, vm0, $0xb8;
	[tilespmem:$0x8080] =	vst v63  }
0x1f3: {  	v3 =	vld [tilespmem:$0x10];
	_ =	sdelay $0x4  }
0x1f4: {  	v41 =	vshll.u32 v3, $0x1  }
0x1f5: {  	v3 =	vand.u32 $0x7, v3;
	v4 =	vand.u32 $0xFFFFFFF0, v41  }
0x1f6: {  	v3 =	vor.u32 v3, v4  }
0x1f7: {  	v4 =	vperm.xlane v3, v0;
	_ =	sdelay $0x1  }
0x1f8: {  	v3 =	vperm.xlane v3, v2;
	v4 =	vadd.s32 v1, v4;
	_ =	sdelay $0x1  }
0x1f9: {  	v3 =	vadd.s32 v1, v3;
	_ =	sdelay $0x2  }
0x1fa: {  	[tilespmem:s17], [sflag:$0x1] =	stream.indirect_vreg.gather [hbm4b:s3+s2], $0x80, v4, vm0, $0xb8;
	[tilespmem:$0x8080] =	vst v63  }
0x1fb: {  	_ = 	snop  }
0x1fc: {  	[tilespmem:s18], [sflag:$0x1] =	stream.indirect_vreg.gather [hbm4b:s3+s2], $0x80, v3, vm0, $0xb8;
	[tilespmem:$0x8080] =	vst v63  }
0x1fd: {  	v3 =	vld [tilespmem:$0x20];
	_ =	sdelay $0x4  }
0x1fe: {  	v42 =	vshll.u32 v3, $0x1  }
0x1ff: {  	v3 =	vand.u32 $0x7, v3;
	v4 =	vand.u32 $0xFFFFFFF0, v42  }
0x200: {  	v3 =	vor.u32 v3, v4  }
0x201: {  	v4 =	vperm.xlane v3, v0;
	_ =	sdelay $0x1  }
0x202: {  	v3 =	vperm.xlane v3, v2;
	v4 =	vadd.s32 v1, v4;
	_ =	sdelay $0x1  }
0x203: {  	v3 =	vadd.s32 v1, v3;
	_ =	sdelay $0x2  }
0x204: {  	[tilespmem:s19], [sflag:$0x1] =	stream.indirect_vreg.gather [hbm4b:s3+s2], $0x80, v4, vm0, $0xb8;
	[tilespmem:$0x8080] =	vst v63  }
0x205: {  	_ = 	snop  }
0x206: {  	[tilespmem:s20], [sflag:$0x1] =	stream.indirect_vreg.gather [hbm4b:s3+s2], $0x80, v3, vm0, $0xb8;
	[tilespmem:$0x8080] =	vst v63  }
0x207: {  	v3 =	vld [tilespmem:$0x30];
	_ =	sdelay $0x4  }
0x208: {  	v43 =	vshll.u32 v3, $0x1  }
0x209: {  	v3 =	vand.u32 $0x7, v3;
	v4 =	vand.u32 $0xFFFFFFF0, v43  }
0x20a: {  	v3 =	vor.u32 v3, v4  }
0x20b: {  	v4 =	vperm.xlane v3, v0;
	_ =	sdelay $0x1  }
0x20c: {  	v3 =	vperm.xlane v3, v2;
	v4 =	vadd.s32 v1, v4;
	_ =	sdelay $0x1  }
0x20d: {  	v3 =	vadd.s32 v1, v3;
	_ =	sdelay $0x2  }
0x20e: {  	[tilespmem:s21], [sflag:$0x1] =	stream.indirect_vreg.gather [hbm4b:s3+s2], $0x80, v4, vm0, $0xb8;
	[tilespmem:$0x8080] =	vst v63  }
0x20f: {  	_ = 	snop  }
0x210: {  	[tilespmem:s22], [sflag:$0x1] =	stream.indirect_vreg.gather [hbm4b:s3+s2], $0x80, v3, vm0, $0xb8;
	[tilespmem:$0x8080] =	vst v63  }
0x211: {  	v3 =	vld [tilespmem:$0x40];
	_ =	sdelay $0x4  }
0x212: {  	v44 =	vshll.u32 v3, $0x1  }
0x213: {  	v3 =	vand.u32 $0x7, v3;
	v4 =	vand.u32 $0xFFFFFFF0, v44  }
0x214: {  	v3 =	vor.u32 v3, v4  }
0x215: {  	v4 =	vperm.xlane v3, v0;
	_ =	sdelay $0x1  }
0x216: {  	v3 =	vperm.xlane v3, v2;
	v4 =	vadd.s32 v1, v4;
	_ =	sdelay $0x1  }
0x217: {  	v3 =	vadd.s32 v1, v3;
	_ =	sdelay $0x2  }
0x218: {  	[tilespmem:s23], [sflag:$0x1] =	stream.indirect_vreg.gather [hbm4b:s3+s2], $0x80, v4, vm0, $0xb8;
	[tilespmem:$0x8080] =	vst v63  }
0x219: {  	_ = 	snop  }
0x21a: {  	[tilespmem:s24], [sflag:$0x1] =	stream.indirect_vreg.gather [hbm4b:s3+s2], $0x80, v3, vm0, $0xb8;
	[tilespmem:$0x8080] =	vst v63  }
0x21b: {  	v3 =	vld [tilespmem:$0x50];
	_ =	sdelay $0x4  }
0x21c: {  	v45 =	vshll.u32 v3, $0x1  }
0x21d: {  	v3 =	vand.u32 $0x7, v3;
	v4 =	vand.u32 $0xFFFFFFF0, v45  }
0x21e: {  	v3 =	vor.u32 v3, v4  }
0x21f: {  	v4 =	vperm.xlane v3, v0;
	_ =	sdelay $0x1  }
0x220: {  	v3 =	vperm.xlane v3, v2;
	v4 =	vadd.s32 v1, v4;
	_ =	sdelay $0x1  }
0x221: {  	v3 =	vadd.s32 v1, v3;
	_ =	sdelay $0x2  }
0x222: {  	[tilespmem:s25], [sflag:$0x1] =	stream.indirect_vreg.gather [hbm4b:s3+s2], $0x80, v4, vm0, $0xb8;
	[tilespmem:$0x8080] =	vst v63  }
0x223: {  	_ = 	snop  }
0x224: {  	[tilespmem:s26], [sflag:$0x1] =	stream.indirect_vreg.gather [hbm4b:s3+s2], $0x80, v3, vm0, $0xb8;
	[tilespmem:$0x8080] =	vst v63  }
0x225: {  	v3 =	vld [tilespmem:$0x60];
	_ =	sdelay $0x4  }
0x226: {  	v46 =	vshll.u32 v3, $0x1  }
0x227: {  	v3 =	vand.u32 $0x7, v3;
	v4 =	vand.u32 $0xFFFFFFF0, v46  }
0x228: {  	v3 =	vor.u32 v3, v4  }
0x229: {  	v4 =	vperm.xlane v3, v0;
	_ =	sdelay $0x1  }
0x22a: {  	v3 =	vperm.xlane v3, v2;
	v4 =	vadd.s32 v1, v4;
	_ =	sdelay $0x1  }
0x22b: {  	v3 =	vadd.s32 v1, v3;
	_ =	sdelay $0x2  }
0x22c: {  	[tilespmem:s28], [sflag:$0x1] =	stream.indirect_vreg.gather [hbm4b:s3+s2], $0x80, v4, vm0, $0xb8;
	[tilespmem:$0x8080] =	vst v63  }
0x22d: {  	_ = 	snop  }
0x22e: {  	[tilespmem:s29], [sflag:$0x1] =	stream.indirect_vreg.gather [hbm4b:s3+s2], $0x80, v3, vm0, $0xb8;
	[tilespmem:$0x8080] =	vst v63  }
0x22f: {  	v3 =	vld [tilespmem:$0x70];
	_ =	sdelay $0x4  }
0x230: {  	v47 =	vshll.u32 v3, $0x1  }
0x231: {  	v3 =	vand.u32 $0x7, v3;
	v4 =	vand.u32 $0xFFFFFFF0, v47  }
0x232: {  	v3 =	vor.u32 v3, v4  }
0x233: {  	v4 =	vperm.xlane v3, v0;
	_ =	sdelay $0x1  }
0x234: {  	v3 =	vperm.xlane v3, v2;
	v4 =	vadd.s32 v1, v4;
	_ =	sdelay $0x1  }
0x235: {  	v3 =	vadd.s32 v1, v3;
	_ =	sdelay $0x2  }
0x236: {  	[tilespmem:s30], [sflag:$0x1] =	stream.indirect_vreg.gather [hbm4b:s3+s2], $0x80, v4, vm0, $0xb8;
	[tilespmem:$0x8080] =	vst v63  }
0x237: {  	_ = 	snop  }
0x238: {  	[tilespmem:s31], [sflag:$0x1] =	stream.indirect_vreg.gather [hbm4b:s3+s2], $0x80, v3, vm0, $0xb8;
	[tilespmem:$0x8080] =	vst v63  }
0x239: {  	_ =	swait.ge [sflag:s0], $0x8000  }
0x23a: {  	[sflag:s0] =	ssyncset.done $0x0  }
0x23b: {  	[sflag:s0] =	ssyncadd.s32 $0xFFFF8000  }
0x23c: {  	[hbm4b:s8+s2] =	stream.linear.scatter [tilespmem:s15], [sflag:$0x2], $0x8000, $0x38;
	[tilespmem:$0x8080] =	vst v63  }
0x23d: {  	_ =	swait.ge [sflag:s14], $0x8000  }
0x23e: {  	[sflag:s14] =	ssyncset.done $0x0  }
0x23f: {  	[sflag:s14] =	ssyncadd.s32 $0xFFFF8000  }
0x240: {  	[tilespmem:s2], [sflag:$0x2] =	stream.linear.gather [hbm4b:s9+s2], $0x80, $0x38;
	[tilespmem:$0x8080] =	vst v63  }
0x241: {  	_ =	swait.ge [sflag:s14], $0x80  }
0x242: {  	[sflag:s14] =	ssyncset.done $0x0  }
0x243: {  	[sflag:s14] =	ssyncadd.s32 $0xFFFFFF80  }
0x244: {  	v3 =	vld [tilespmem:$0x0];
	_ =	sdelay $0x4  }
0x245: {  	v48 =	vshll.u32 v3, $0x1  }
0x246: {  	v3 =	vand.u32 $0x7, v3;
	v4 =	vand.u32 $0xFFFFFFF0, v48  }
0x247: {  	v3 =	vor.u32 v3, v4  }
0x248: {  	v4 =	vperm.xlane v3, v0;
	_ =	sdelay $0x1  }
0x249: {  	v3 =	vperm.xlane v3, v2;
	v4 =	vadd.s32 v1, v4;
	_ =	sdelay $0x1  }
0x24a: {  	v3 =	vadd.s32 v1, v3;
	_ =	sdelay $0x2  }
0x24b: {  	[tilespmem:s15], [sflag:$0x1] =	stream.indirect_vreg.gather [hbm4b:s3+s2], $0x80, v4, vm0, $0xb8;
	[tilespmem:$0x8080] =	vst v63  }
0x24c: {  	_ = 	snop  }
0x24d: {  	[tilespmem:s16], [sflag:$0x1] =	stream.indirect_vreg.gather [hbm4b:s3+s2], $0x80, v3, vm0, $0xb8;
	[tilespmem:$0x8080] =	vst v63  }
0x24e: {  	v3 =	vld [tilespmem:$0x10];
	_ =	sdelay $0x4  }
0x24f: {  	v49 =	vshll.u32 v3, $0x1  }
0x250: {  	v3 =	vand.u32 $0x7, v3;
	v4 =	vand.u32 $0xFFFFFFF0, v49  }
0x251: {  	v3 =	vor.u32 v3, v4  }
0x252: {  	v4 =	vperm.xlane v3, v0;
	_ =	sdelay $0x1  }
0x253: {  	v3 =	vperm.xlane v3, v2;
	v4 =	vadd.s32 v1, v4;
	_ =	sdelay $0x1  }
0x254: {  	v3 =	vadd.s32 v1, v3;
	_ =	sdelay $0x2  }
0x255: {  	[tilespmem:s17], [sflag:$0x1] =	stream.indirect_vreg.gather [hbm4b:s3+s2], $0x80, v4, vm0, $0xb8;
	[tilespmem:$0x8080] =	vst v63  }
0x256: {  	_ = 	snop  }
0x257: {  	[tilespmem:s18], [sflag:$0x1] =	stream.indirect_vreg.gather [hbm4b:s3+s2], $0x80, v3, vm0, $0xb8;
	[tilespmem:$0x8080] =	vst v63  }
0x258: {  	v3 =	vld [tilespmem:$0x20];
	_ =	sdelay $0x4  }
0x259: {  	v50 =	vshll.u32 v3, $0x1  }
0x25a: {  	v3 =	vand.u32 $0x7, v3;
	v4 =	vand.u32 $0xFFFFFFF0, v50  }
0x25b: {  	v3 =	vor.u32 v3, v4  }
0x25c: {  	v4 =	vperm.xlane v3, v0;
	_ =	sdelay $0x1  }
0x25d: {  	v3 =	vperm.xlane v3, v2;
	v4 =	vadd.s32 v1, v4;
	_ =	sdelay $0x1  }
0x25e: {  	v3 =	vadd.s32 v1, v3;
	_ =	sdelay $0x2  }
0x25f: {  	[tilespmem:s19], [sflag:$0x1] =	stream.indirect_vreg.gather [hbm4b:s3+s2], $0x80, v4, vm0, $0xb8;
	[tilespmem:$0x8080] =	vst v63  }
0x260: {  	_ = 	snop  }
0x261: {  	[tilespmem:s20], [sflag:$0x1] =	stream.indirect_vreg.gather [hbm4b:s3+s2], $0x80, v3, vm0, $0xb8;
	[tilespmem:$0x8080] =	vst v63  }
0x262: {  	v3 =	vld [tilespmem:$0x30];
	_ =	sdelay $0x4  }
0x263: {  	v51 =	vshll.u32 v3, $0x1  }
0x264: {  	v3 =	vand.u32 $0x7, v3;
	v4 =	vand.u32 $0xFFFFFFF0, v51  }
0x265: {  	v3 =	vor.u32 v3, v4  }
0x266: {  	v4 =	vperm.xlane v3, v0;
	_ =	sdelay $0x1  }
0x267: {  	v3 =	vperm.xlane v3, v2;
	v4 =	vadd.s32 v1, v4;
	_ =	sdelay $0x1  }
0x268: {  	v3 =	vadd.s32 v1, v3;
	_ =	sdelay $0x2  }
0x269: {  	[tilespmem:s21], [sflag:$0x1] =	stream.indirect_vreg.gather [hbm4b:s3+s2], $0x80, v4, vm0, $0xb8;
	[tilespmem:$0x8080] =	vst v63  }
0x26a: {  	_ = 	snop  }
0x26b: {  	[tilespmem:s22], [sflag:$0x1] =	stream.indirect_vreg.gather [hbm4b:s3+s2], $0x80, v3, vm0, $0xb8;
	[tilespmem:$0x8080] =	vst v63  }
0x26c: {  	v3 =	vld [tilespmem:$0x40];
	_ =	sdelay $0x4  }
0x26d: {  	v52 =	vshll.u32 v3, $0x1  }
0x26e: {  	v3 =	vand.u32 $0x7, v3;
	v4 =	vand.u32 $0xFFFFFFF0, v52  }
0x26f: {  	v3 =	vor.u32 v3, v4  }
0x270: {  	v4 =	vperm.xlane v3, v0;
	_ =	sdelay $0x1  }
0x271: {  	v3 =	vperm.xlane v3, v2;
	v4 =	vadd.s32 v1, v4;
	_ =	sdelay $0x1  }
0x272: {  	v3 =	vadd.s32 v1, v3;
	_ =	sdelay $0x2  }
0x273: {  	[tilespmem:s23], [sflag:$0x1] =	stream.indirect_vreg.gather [hbm4b:s3+s2], $0x80, v4, vm0, $0xb8;
	[tilespmem:$0x8080] =	vst v63  }
0x274: {  	_ = 	snop  }
0x275: {  	[tilespmem:s24], [sflag:$0x1] =	stream.indirect_vreg.gather [hbm4b:s3+s2], $0x80, v3, vm0, $0xb8;
	[tilespmem:$0x8080] =	vst v63  }
0x276: {  	v3 =	vld [tilespmem:$0x50];
	_ =	sdelay $0x4  }
0x277: {  	v53 =	vshll.u32 v3, $0x1  }
0x278: {  	v3 =	vand.u32 $0x7, v3;
	v4 =	vand.u32 $0xFFFFFFF0, v53  }
0x279: {  	v3 =	vor.u32 v3, v4  }
0x27a: {  	v4 =	vperm.xlane v3, v0;
	_ =	sdelay $0x1  }
0x27b: {  	v3 =	vperm.xlane v3, v2;
	v4 =	vadd.s32 v1, v4;
	_ =	sdelay $0x1  }
0x27c: {  	v3 =	vadd.s32 v1, v3;
	_ =	sdelay $0x2  }
0x27d: {  	[tilespmem:s25], [sflag:$0x1] =	stream.indirect_vreg.gather [hbm4b:s3+s2], $0x80, v4, vm0, $0xb8;
	[tilespmem:$0x8080] =	vst v63  }
0x27e: {  	_ = 	snop  }
0x27f: {  	[tilespmem:s26], [sflag:$0x1] =	stream.indirect_vreg.gather [hbm4b:s3+s2], $0x80, v3, vm0, $0xb8;
	[tilespmem:$0x8080] =	vst v63  }
0x280: {  	v3 =	vld [tilespmem:$0x60];
	_ =	sdelay $0x4  }
0x281: {  	v54 =	vshll.u32 v3, $0x1  }
0x282: {  	v3 =	vand.u32 $0x7, v3;
	v4 =	vand.u32 $0xFFFFFFF0, v54  }
0x283: {  	v3 =	vor.u32 v3, v4  }
0x284: {  	v4 =	vperm.xlane v3, v0;
	_ =	sdelay $0x1  }
0x285: {  	v3 =	vperm.xlane v3, v2;
	v4 =	vadd.s32 v1, v4;
	_ =	sdelay $0x1  }
0x286: {  	v3 =	vadd.s32 v1, v3;
	_ =	sdelay $0x2  }
0x287: {  	[tilespmem:s28], [sflag:$0x1] =	stream.indirect_vreg.gather [hbm4b:s3+s2], $0x80, v4, vm0, $0xb8;
	[tilespmem:$0x8080] =	vst v63  }
0x288: {  	_ = 	snop  }
0x289: {  	[tilespmem:s29], [sflag:$0x1] =	stream.indirect_vreg.gather [hbm4b:s3+s2], $0x80, v3, vm0, $0xb8;
	[tilespmem:$0x8080] =	vst v63  }
0x28a: {  	v3 =	vld [tilespmem:$0x70];
	_ =	sdelay $0x4  }
0x28b: {  	v55 =	vshll.u32 v3, $0x1  }
0x28c: {  	v3 =	vand.u32 $0x7, v3;
	v4 =	vand.u32 $0xFFFFFFF0, v55  }
0x28d: {  	v3 =	vor.u32 v3, v4  }
0x28e: {  	v4 =	vperm.xlane v3, v0;
	_ =	sdelay $0x1  }
0x28f: {  	v3 =	vperm.xlane v3, v2;
	v4 =	vadd.s32 v1, v4;
	_ =	sdelay $0x1  }
0x290: {  	v3 =	vadd.s32 v1, v3;
	_ =	sdelay $0x2  }
0x291: {  	[tilespmem:s30], [sflag:$0x1] =	stream.indirect_vreg.gather [hbm4b:s3+s2], $0x80, v4, vm0, $0xb8;
	[tilespmem:$0x8080] =	vst v63  }
0x292: {  	_ = 	snop  }
0x293: {  	[tilespmem:s31], [sflag:$0x1] =	stream.indirect_vreg.gather [hbm4b:s3+s2], $0x80, v3, vm0, $0xb8;
	[tilespmem:$0x8080] =	vst v63  }
0x294: {  	_ =	swait.ge [sflag:s0], $0x8000  }
0x295: {  	[sflag:s0] =	ssyncset.done $0x0  }
0x296: {  	[sflag:s0] =	ssyncadd.s32 $0xFFFF8000  }
0x297: {  	[hbm4b:s10+s2] =	stream.linear.scatter [tilespmem:s15], [sflag:$0x2], $0x8000, $0x38;
	[tilespmem:$0x8080] =	vst v63  }
0x298: {  	_ =	swait.ge [sflag:s14], $0x8000  }
0x299: {  	[sflag:s14] =	ssyncset.done $0x0  }
0x29a: {  	[sflag:s14] =	ssyncadd.s32 $0xFFFF8000  }
0x29b: {  	[tilespmem:s2], [sflag:$0x2] =	stream.linear.gather [hbm4b:s11+s2], $0x80, $0x38;
	[tilespmem:$0x8080] =	vst v63  }
0x29c: {  	_ =	swait.ge [sflag:s14], $0x80  }
0x29d: {  	[sflag:s14] =	ssyncset.done $0x0  }
0x29e: {  	[sflag:s14] =	ssyncadd.s32 $0xFFFFFF80  }
0x29f: {  	v3 =	vld [tilespmem:$0x0];
	_ =	sdelay $0x4  }
0x2a0: {  	v56 =	vshll.u32 v3, $0x1  }
0x2a1: {  	v3 =	vand.u32 $0x7, v3;
	v4 =	vand.u32 $0xFFFFFFF0, v56  }
0x2a2: {  	v3 =	vor.u32 v3, v4  }
0x2a3: {  	v4 =	vperm.xlane v3, v0;
	_ =	sdelay $0x1  }
0x2a4: {  	v3 =	vperm.xlane v3, v2;
	v4 =	vadd.s32 v1, v4;
	_ =	sdelay $0x1  }
0x2a5: {  	v3 =	vadd.s32 v1, v3;
	_ =	sdelay $0x2  }
0x2a6: {  	[tilespmem:s15], [sflag:$0x1] =	stream.indirect_vreg.gather [hbm4b:s3+s2], $0x80, v4, vm0, $0xb8;
	[tilespmem:$0x8080] =	vst v63  }
0x2a7: {  	_ = 	snop  }
0x2a8: {  	[tilespmem:s16], [sflag:$0x1] =	stream.indirect_vreg.gather [hbm4b:s3+s2], $0x80, v3, vm0, $0xb8;
	[tilespmem:$0x8080] =	vst v63  }
0x2a9: {  	v3 =	vld [tilespmem:$0x10];
	_ =	sdelay $0x4  }
0x2aa: {  	v57 =	vshll.u32 v3, $0x1  }
0x2ab: {  	v3 =	vand.u32 $0x7, v3;
	v4 =	vand.u32 $0xFFFFFFF0, v57  }
0x2ac: {  	v3 =	vor.u32 v3, v4  }
0x2ad: {  	v4 =	vperm.xlane v3, v0;
	_ =	sdelay $0x1  }
0x2ae: {  	v3 =	vperm.xlane v3, v2;
	v4 =	vadd.s32 v1, v4;
	_ =	sdelay $0x1  }
0x2af: {  	v3 =	vadd.s32 v1, v3;
	_ =	sdelay $0x2  }
0x2b0: {  	[tilespmem:s17], [sflag:$0x1] =	stream.indirect_vreg.gather [hbm4b:s3+s2], $0x80, v4, vm0, $0xb8;
	[tilespmem:$0x8080] =	vst v63  }
0x2b1: {  	_ = 	snop  }
0x2b2: {  	[tilespmem:s18], [sflag:$0x1] =	stream.indirect_vreg.gather [hbm4b:s3+s2], $0x80, v3, vm0, $0xb8;
	[tilespmem:$0x8080] =	vst v63  }
0x2b3: {  	v3 =	vld [tilespmem:$0x20];
	_ =	sdelay $0x4  }
0x2b4: {  	v58 =	vshll.u32 v3, $0x1  }
0x2b5: {  	v3 =	vand.u32 $0x7, v3;
	v4 =	vand.u32 $0xFFFFFFF0, v58  }
0x2b6: {  	v3 =	vor.u32 v3, v4  }
0x2b7: {  	v4 =	vperm.xlane v3, v0;
	_ =	sdelay $0x1  }
0x2b8: {  	v3 =	vperm.xlane v3, v2;
	v4 =	vadd.s32 v1, v4;
	_ =	sdelay $0x1  }
0x2b9: {  	v3 =	vadd.s32 v1, v3;
	_ =	sdelay $0x2  }
0x2ba: {  	[tilespmem:s19], [sflag:$0x1] =	stream.indirect_vreg.gather [hbm4b:s3+s2], $0x80, v4, vm0, $0xb8;
	[tilespmem:$0x8080] =	vst v63  }
0x2bb: {  	_ = 	snop  }
0x2bc: {  	[tilespmem:s20], [sflag:$0x1] =	stream.indirect_vreg.gather [hbm4b:s3+s2], $0x80, v3, vm0, $0xb8;
	[tilespmem:$0x8080] =	vst v63  }
0x2bd: {  	v3 =	vld [tilespmem:$0x30];
	_ =	sdelay $0x4  }
0x2be: {  	v59 =	vshll.u32 v3, $0x1  }
0x2bf: {  	v3 =	vand.u32 $0x7, v3;
	v4 =	vand.u32 $0xFFFFFFF0, v59  }
0x2c0: {  	v3 =	vor.u32 v3, v4  }
0x2c1: {  	v4 =	vperm.xlane v3, v0;
	_ =	sdelay $0x1  }
0x2c2: {  	v3 =	vperm.xlane v3, v2;
	v4 =	vadd.s32 v1, v4;
	_ =	sdelay $0x1  }
0x2c3: {  	v3 =	vadd.s32 v1, v3;
	_ =	sdelay $0x2  }
0x2c4: {  	[tilespmem:s21], [sflag:$0x1] =	stream.indirect_vreg.gather [hbm4b:s3+s2], $0x80, v4, vm0, $0xb8;
	[tilespmem:$0x8080] =	vst v63  }
0x2c5: {  	_ = 	snop  }
0x2c6: {  	[tilespmem:s22], [sflag:$0x1] =	stream.indirect_vreg.gather [hbm4b:s3+s2], $0x80, v3, vm0, $0xb8;
	[tilespmem:$0x8080] =	vst v63  }
0x2c7: {  	v3 =	vld [tilespmem:$0x40];
	_ =	sdelay $0x4  }
0x2c8: {  	v60 =	vshll.u32 v3, $0x1  }
0x2c9: {  	v3 =	vand.u32 $0x7, v3;
	v4 =	vand.u32 $0xFFFFFFF0, v60  }
0x2ca: {  	v3 =	vor.u32 v3, v4  }
0x2cb: {  	v4 =	vperm.xlane v3, v0;
	_ =	sdelay $0x1  }
0x2cc: {  	v3 =	vperm.xlane v3, v2;
	v4 =	vadd.s32 v1, v4;
	_ =	sdelay $0x1  }
0x2cd: {  	v3 =	vadd.s32 v1, v3;
	_ =	sdelay $0x2  }
0x2ce: {  	[tilespmem:s23], [sflag:$0x1] =	stream.indirect_vreg.gather [hbm4b:s3+s2], $0x80, v4, vm0, $0xb8;
	[tilespmem:$0x8080] =	vst v63  }
0x2cf: {  	_ = 	snop  }
0x2d0: {  	[tilespmem:s24], [sflag:$0x1] =	stream.indirect_vreg.gather [hbm4b:s3+s2], $0x80, v3, vm0, $0xb8;
	[tilespmem:$0x8080] =	vst v63  }
0x2d1: {  	v3 =	vld [tilespmem:$0x50];
	_ =	sdelay $0x4  }
0x2d2: {  	v61 =	vshll.u32 v3, $0x1  }
0x2d3: {  	v3 =	vand.u32 $0x7, v3;
	v4 =	vand.u32 $0xFFFFFFF0, v61  }
0x2d4: {  	v3 =	vor.u32 v3, v4  }
0x2d5: {  	v4 =	vperm.xlane v3, v0;
	_ =	sdelay $0x1  }
0x2d6: {  	v3 =	vperm.xlane v3, v2;
	v4 =	vadd.s32 v1, v4;
	_ =	sdelay $0x1  }
0x2d7: {  	v3 =	vadd.s32 v1, v3;
	_ =	sdelay $0x2  }
0x2d8: {  	[tilespmem:s25], [sflag:$0x1] =	stream.indirect_vreg.gather [hbm4b:s3+s2], $0x80, v4, vm0, $0xb8;
	[tilespmem:$0x8080] =	vst v63  }
0x2d9: {  	_ = 	snop  }
0x2da: {  	[tilespmem:s26], [sflag:$0x1] =	stream.indirect_vreg.gather [hbm4b:s3+s2], $0x80, v3, vm0, $0xb8;
	[tilespmem:$0x8080] =	vst v63  }
0x2db: {  	v3 =	vld [tilespmem:$0x60];
	_ =	sdelay $0x4  }
0x2dc: {  	v62 =	vshll.u32 v3, $0x1  }
0x2dd: {  	v3 =	vand.u32 $0x7, v3;
	v4 =	vand.u32 $0xFFFFFFF0, v62  }
0x2de: {  	v3 =	vor.u32 v3, v4  }
0x2df: {  	v4 =	vperm.xlane v3, v0;
	_ =	sdelay $0x1  }
0x2e0: {  	v3 =	vperm.xlane v3, v2;
	v4 =	vadd.s32 v1, v4;
	_ =	sdelay $0x1  }
0x2e1: {  	v3 =	vadd.s32 v1, v3;
	_ =	sdelay $0x2  }
0x2e2: {  	[tilespmem:s28], [sflag:$0x1] =	stream.indirect_vreg.gather [hbm4b:s3+s2], $0x80, v4, vm0, $0xb8;
	[tilespmem:$0x8080] =	vst v63  }
0x2e3: {  	_ = 	snop  }
0x2e4: {  	[tilespmem:s29], [sflag:$0x1] =	stream.indirect_vreg.gather [hbm4b:s3+s2], $0x80, v3, vm0, $0xb8;
	[tilespmem:$0x8080] =	vst v63  }
0x2e5: {  	v3 =	vld [tilespmem:$0x70];
	_ =	sdelay $0x4  }
0x2e6: {  	v63 =	vshll.u32 v3, $0x1  }
0x2e7: {  	v3 =	vand.u32 $0x7, v3;
	v4 =	vand.u32 $0xFFFFFFF0, v63  }
0x2e8: {  	v3 =	vor.u32 v3, v4  }
0x2e9: {  	v4 =	vperm.xlane v3, v0;
	_ =	sdelay $0x1  }
0x2ea: {  	v3 =	vperm.xlane v3, v2;
	v4 =	vadd.s32 v1, v4;
	_ =	sdelay $0x1  }
0x2eb: {  	v3 =	vadd.s32 v1, v3;
	_ =	sdelay $0x2  }
0x2ec: {  	[tilespmem:s30], [sflag:$0x1] =	stream.indirect_vreg.gather [hbm4b:s3+s2], $0x80, v4, vm0, $0xb8;
	[tilespmem:$0x8080] =	vst v63  }
0x2ed: {  	_ = 	snop  }
0x2ee: {  	[tilespmem:s31], [sflag:$0x1] =	stream.indirect_vreg.gather [hbm4b:s3+s2], $0x80, v3, vm0, $0xb8;
	[tilespmem:$0x8080] =	vst v63  }
0x2ef: {  	_ =	swait.ge [sflag:s0], $0x8000  }
0x2f0: {  	p0 =	sne.s32 s13, $0x1;
	[sflag:s0] =	ssyncset.done $0x0  }
.Ltmp0:
0x2f1: {  	[sflag:s0] =	ssyncadd.s32 $0xFFFF8000;
	(pc) =	sbr.rel @p0 .LBB2_1-.Ltmp0, $4  }
0x2f2: {  	[hbm4b:s12+s2] =	stream.linear.scatter [tilespmem:s15], [sflag:$0x2], $0x8000, $0x38;
	[tilespmem:$0x8080] =	vst v63  }
0x2f3: {  	_ =	swait.ge [sflag:s14], $0x8000  }
0x2f4: {  	[sflag:s14] =	ssyncset.done $0x0  }
0x2f5: {  	s13 =	sadd.s32 $0xFFFFFFFF, s13;
	[sflag:s14] =	ssyncadd.s32 $0xFFFF8000  }
0x2f6: {  	_ =	sfence.sel $0x180000  }
0x2f7: {  	[bflag:$0x0] =	sbarrier.arrive $0xFFFF  }
0x2f8: {  	_ =	strace $0x9000004A  }
0x2f9: {  	s0 =	stileid.u32;
	[bflag:$0x2] =	sbarrier.arrive $0xFFFF  }
0x2fa: {  	p0 =	sne.s32 s0, $0x0;
	s0 =	rddreg [dreg:$0x2]  }
0x2fb: {  	s0 =	sadd.s32 @!p0 $0x100000, s0  }
0x2fc: {  	[sflag:s0] =	ssyncadd.tile.s32 @!p0 $0x1;
	_ =	shalt  }
.Lfunc_end2:
_tile_overlayer_lowered:
.L_overlay_start_2:
0x2fd: {  	(tag) =	ssettag $0x2  }
0x2fe: {  	s0 =	rddreg [dreg:$0x0];
	s2 =	stileid.u32  }
0x2ff: {  	s1 =	rddreg [dreg:$0x1];
	p0 =	sne.s32 s2, $0x0  }
0x300: {  	s3 =	rddreg [dreg:$0x2];
	[bflag:$0x3] =	sbarrier.arrive $0xFFFF;
	s2 =	simm.s32 @!p0 $0x1C02  }
0x301: {  	[timem:s3], [sflag:s2] =	dma.local @!p0 [hbm:s0], s1  }
0x302: {  	s0 =	simm.s32 @!p0 $0x2  }
0x303: {  	_ =	swait.ge @!p0 [sflag:s0], s1  }
0x304: {  	s1 =	ssub.s32 @!p0 $0x0, s1;
	[sflag:s0] =	ssyncset.done @!p0 $0x0  }
0x305: {  	[sflag:s0] =	ssyncadd.s32 @!p0 s1  }
0x306: {  	[bflag:$0x3] =	sbarrier.arrive $0xFFFF  }
0x307: {  	_ =	shalt  }

// kernel: sparse-core-data-format-call.1.cloned.1.call-start
scs
called_computation.1_lowered:
.L_overlay_start_0:
0x0: {  	s2 =	sld [smem:$0x3FD9]  }
0x1: {  	s3 =	sld [smem:$0x3FFE];
	_ =	sdelay $0x1  }
0x2: {  	s1 =	srdreg.scid  }
0x3: {  	s0 =	sand.u32 $0x1, s1  }
0x4: {  	s16 =	sshll.u32 s0, $0xA;
	s2 =	sadd.s32 s3, s2  }
0x5: {  	s2 =	sadd.s32 s2, s16  }
0x6: {  	[smem:$0x3FC3] =	sst s2  }
0x7: {  	_ = 	snop  }
0x8: {  	s2 =	sld [smem:$0x3FD0];
	_ =	sdelay $0x2  }
0x9: {  	s4 =	simm.s32 $0xB;
	s5 =	simm.s32 $0x10;
	s17 =	sld [smem:$0x3FC9]  }
0xa: {  	[smem:s5], [sflag:s4] =	dma.local [hbm:s2], $0x1  }
0xb: {  	_ =	swait.eq [sflag:s4], $0x1  }
0xc: {  	[sflag:s4] =	ssyncset.done $0x0  }
0xd: {  	[sflag:s4] =	ssyncadd.s32 $0xFFFFFFFF  }
0xe: {  	s18 =	sld [smem:$0x10];
	(tm) =	ssettm $0x1  }
0xf: {  	s19 =	sld [smem:$0x3FFB];
	_ =	sdelay $0x3  }
0x10: {  	_ =	strace s19  }
0x11: {  	s4 =	sld [smem:$0x3FFC];
	_ =	sdelay $0x3  }
0x12: {  	_ =	strace s4  }
0x13: {  	s4 =	sld [smem:$0x3FFD];
	_ =	sdelay $0x3  }
0x14: {  	_ =	strace s4  }
0x15: {  	_ =	strace $0x8FFFFFFF  }
0x16: {  	s20 =	sld [smem:$0x3FDB];
	_ =	sdelay $0x1  }
0x17: {  	s21 =	simm.s32 $_scs_section_size  }
0x18: {  	s6 =	simm.s32 $_size__tile_overlayer_lowered;
	s7 =	simm.s32 $_tile_overlayer_lowered  }
0x19: {  	s24 =	simm.s32 $0x1BFF;
	s23 =	sshll.u32 s7, $0x1;
	s4 =	sadd.s32 s21, s20  }
0x1a: {  	s8 =	simm.s32 $0x0;
	s22 =	sshll.u32 s6, $0x1;
	s6 =	sadd.s32 s23, s4  }
0x1b: {  	[timem:s8], [sflag:s24] =	dma.local [hbm:s6], s22  }
0x1c: {  	_ =	swait.ge [sflag:s24], s22  }
0x1d: {  	s5 =	ssub.s32 $0x0, s22;
	[sflag:s24] =	ssyncset.done $0x0  }
0x1e: {  	[sflag:s24] =	ssyncadd.s32 s5;
	_ =	sdelay $0x1  }
0x1f: {  	s25 =	simm.s32 $0x1B8B  }
0x20: {  	_ =	swait.ge [sflag:s25], $0x1  }
0x21: {  	[sflag:s25] =	ssyncset.done $0x0  }
0x22: {  	s26 =	simm.s32 $0x1B8E;
	[sflag:s25] =	ssyncadd.s32 $0xFFFFFFFF  }
0x23: {  	s27 =	simm.s32 $execute0_lowered;
	[smem:$0x3FD2] =	sst s26  }
0x24: {  	s5 =	sshll.u32 s27, $0x1;
	_ =	strace $0x80000046;
	[dreg:$0x1] =	wrdreg $0xFFFFFFFF  }
0x25: {  	s28 =	simm.s32 $_size_execute0_lowered;
	s4 =	sadd.s32 s4, s5;
	[dreg:$0x0] =	wrdreg $0x0  }
0x26: {  	s5 =	sshll.u32 s28, $0x1;
	[dreg:$0x2] =	wrdreg s4  }
0x27: {  	[dreg:$0x3] =	wrdreg s5  }
0x28: {  	[dreg:$0x4] =	wrdreg $0xC0  }
0x29: {  	_ =	task [dreg:s8], $0x5FFFF  }
0x2a: {  	[dreg:$0x1] =	wrdreg $0xFFFFFFFF  }
0x2b: {  	[dreg:$0x0] =	wrdreg $0x60  }
0x2c: {  	[dreg:$0x2] =	wrdreg s17  }
0x2d: {  	[dreg:$0x3] =	wrdreg s18  }
0x2e: {  	[dreg:$0x4] =	wrdreg $0x9  }
0x2f: {  	_ =	task.clear_ibuf [dreg:s8], $0x5FFFF;
	_ =	strace $0x90000046  }
0x30: {  	s29 =	simm.s32 $0x9;
	_ =	strace $0x80000048  }
0x31: {  	_ =	swait.ge [sflag:s29], $0x1  }
0x32: {  	[sflag:s29] =	ssyncadd.s32 $0xFFFFFFFF  }
0x33: {  	_ =	strace $0x90000048  }
0x34: {  	_ =	sfence  }
0x35: {  	s30 =	sld [smem:$0x0];
	_ =	sdelay $0x2  }
0x36: {  	s31 =	sshll.u32 s1, $0xD;
	s1 =	sshrl.u32 s1, $0x2  }
0x37: {  	s3 =	sand.u32 $0x4000, s31;
	s1 =	sadd.s32 s1, s30  }
0x38: {  	s0 =	sor.u32 s3, s0;
	s1 =	sshll.u32 s1, $0x11  }
0x39: {  	s0 =	sor.u32 s1, s0  }
0x3a: {  	s0 =	sadd.s32 $0x8F2B, s0  }
0x3b: {  	[sflag:s0] =	ssyncadd.remote.s32 $0x1  }
0x3c: {  	_ =	sfence.sel $0xFFFF  }
0x3d: {  	[dreg:$0x0] =	wrdreg $0xFFFFFFFF;
	(pc) =	sbr.abs _section_cstart, $3  }
0x3e: {  	[dreg:$0x1] =	wrdreg $0xFFFFFFFF  }
0x3f: {  	_ =	task.clear_ibuf [dreg:s8], $0x2FFFF;
	_ =	strace $0x9FFFFFFF  }
0x40: {  	(tm) =	ssettm $0x7FFFFFFF  }
0x41: {  	_ =	shalt  }
tec
execute0_lowered:
.L_overlay_start_1:
0x0: {  	(tag) =	ssettag $0x1  }
0x1: {  	s0 =	stileid.u32;
	s2 =	rddreg [dreg:$0x0]  }
0x2: {  	s3 =	rddreg [dreg:$0x1];
	s5 =	srdreg.scid  }
0x3: {  	s31 =	simm.s32 $0x2;
	s16 =	simm.s32 $0x0;
	p0 =	por $0x0, $0x0  }
0x4: {  	s10 =	simm.s32 $0x800;
	s15 =	simm.s32 $0x0;
	s17 =	simm.s32 $0x0  }
0x5: {  	s14 =	simm.s32 $0x0;
	s1 =	sshll.u32 s0, $0x5;
	s5 =	sshll.u32 s5, $0x4  }
0x6: {  	s4 =	sand.u32 $0x80, s1;
	s1 =	rddreg [dreg:$0x2];
	s5 =	sand.u32 $0x10, s5  }
0x7: {  	_ =	strace $0x80000047;
	s6 =	ssub.s32 $0x100, s4;
	s8 =	sor.u32 s0, s5  }
.Ltmp0:
0x8: {  	s5 =	sand.u32 $0x3, s0;
	s7 =	sshrl.u32 s6, $0x7;
	(pc) =	sbr.rel .LBB1_1-.Ltmp0, $4  }
0x9: {  	s12 =	smov.u32 s4;
	s9 =	sshrl.u32 s6, $0x8;
	s7 =	sand.u32 $0x1, s7  }
0xa: {  	s6 =	simm.s32 $0x1;
	s8 =	sshrl.u32 s8, $0x3;
	s7 =	sadd.s32 s9, s7  }
0xb: {  	s13 =	smov.u32 s5;
	[sflag:s6] =	ssyncpa.u1 $0x0;
	s7 =	sshll.u32 s7, $0x4  }
0xc: {  	s11 =	smov.u32 s8;
	[sflag:s31] =	ssyncpa.u1 $0x0;
	s9 =	sor.u32 $0x1, s7  }
.LBB1_4:
0xd: {  	v5 =	vld [tilespmem:s21+$0xFFFFFFD0];
	[tilespmem:s20+$0x2040 ss:$0x81] =	vst.msk $0xffff, v1  }
0xe: {  	v58 =	vld [tilespmem:s21+$0xFFFFFFE0];
	[tilespmem:s20+$0x2850 ss:$0x81] =	vst.msk $0xffff, v2  }
0xf: {  	s22 =	sshra.s32 s22, $0x2;
	v59 =	vld [tilespmem:s21+$0xFFFFFFF0];
	[tilespmem:s20+$0x3060 ss:$0x81] =	vst.msk $0xffff, v3  }
0x10: {  	v60 =	vld [tilespmem:s21+$0x0];
	[tilespmem:s20+$0x0 ss:$0x81] =	vst.msk $0xffff, v0;
	s19 =	sadd.s32 s22, s19  }
0x11: {  	v61 =	vld [tilespmem:s21+$0x10];
	[tilespmem:s19+$0x3870 ss:$0x81] =	vst.msk $0xffff, v4  }
0x12: {  	v62 =	vld [tilespmem:s21+$0x20];
	[tilespmem:s19+$0x810 ss:$0x81] =	vst.msk $0xffff, v5  }
0x13: {  	v63 =	vld [tilespmem:s21+$0xFFFFFFC0];
	[tilespmem:s19+$0x1020 ss:$0x81] =	vst.msk $0xffff, v58  }
0x14: {  	s17 =	sshll.u32 s17, $0x12;
	[tilespmem:s19+$0x1830 ss:$0x81] =	vst.msk $0xffff, v59  }
0x15: {  	s28 =	sand.u32 $0xF80, s15;
	s16 =	sshll.u32 s16, $0xC;
	s17 =	sadd.s32 s3, s17;
	[tilespmem:s19+$0x2040 ss:$0x81] =	vst.msk $0xffff, v60  }
0x16: {  	s29 =	sshrl.u32 s15, $0x3;
	s30 =	sand.u32 $0x7, s15;
	s17 =	sadd.s32 s28, s17;
	[tilespmem:s19+$0x2850 ss:$0x81] =	vst.msk $0xffff, v61  }
0x17: {  	s31 =	sand.u32 $0xF, s29;
	s15 =	sshll.u32 s30, $0x12;
	s16 =	sadd.s32 s16, s17;
	[tilespmem:s19+$0x3060 ss:$0x81] =	vst.msk $0xffff, v62  }
0x18: {  	s15 =	sor.u32 $0x400, s15;
	s16 =	sadd.s32 s31, s16;
	[tilespmem:s19+$0x0 ss:$0x81] =	vst.msk $0xffff, v63  }
0x19: {  	[hbm4b:s16+s15] =	stream.strided.scatter [tilespmem:s18], [sflag:$0x2], $0x4000, s10, s15, $0x20;
	[tilespmem:$0x10100] =	vst v63  }
.LBB1_5:
0x1a: {  	s18 =	sadd.s32 $0x4, s11  }
0x1b: {  	s15 =	sadd.s32 $0x100, s12;
	s19 =	smov.u32 s12;
	p2 =	sgt.s32 s18, $0x3F  }
0x1c: {  	s19 =	smov.u32 @p2 s15  }
0x1d: {  	s21 =	smov.u32 s13;
	s15 =	sadd.s32 $0x4, s13;
	p3 =	sgt.s32 s19, $0xFF  }
0x1e: {  	s21 =	smov.u32 @p3 s15  }
0x1f: {  	s18 =	smov.u32 @p2 s8;
	p2 =	sgt.s32 s21, $0x3  }
0x20: {  	p1 =	slt.u32 s14, $0x2;
	s21 =	smov.u32 @p2 s5;
	p2 =	sne.s32 s14, s9  }
.Ltmp1:
0x21: {  	s20 =	simm.s32 @!p1 $0x2;
	(pc) =	sbr.rel @!p2 .LBB1_6-.Ltmp1, $4  }
0x22: {  	s16 =	smov.u32 s11;
	s17 =	smov.u32 s13;
	_ =	swait.ge @!p1 [sflag:s20], $0x4000  }
0x23: {  	p0 =	por !p0, !p0;
	[sflag:s20] =	ssyncset.done @!p1 $0x0;
	s11 =	smov.u32 s18  }
0x24: {  	s19 =	smov.u32 @p3 s4;
	s15 =	smov.u32 s12;
	[sflag:s20] =	ssyncadd.s32 @!p1 $0xFFFFC000  }
0x25: {  	s12 =	smov.u32 s19;
	s14 =	sadd.s32 $0x1, s14;
	s13 =	smov.u32 s21  }
.LBB1_1:
0x26: {  	p1 =	sge.u32 s14, s7;
	s31 =	sadd.s32 $0xFFFFFFFF, s14  }
0x27: {  	s18 =	sxor.u32 @!p1 $0xFFFFFFFF, s14;
	s19 =	sshll.u32 @!p1 s13, $0x12;
	s20 =	sshll.u32 @!p1 s12, $0xA  }
0x28: {  	s21 =	sshll.u32 @!p1 s11, $0x4;
	s18 =	sshll.u32 @!p1 s18, $0xE;
	s19 =	sadd.s32 @!p1 s2, s19  }
0x29: {  	s21 =	sand.u32 @!p1 $0x3F0, s21;
	s18 =	sand.u32 @!p1 $0x4000, s18;
	s19 =	sadd.s32 @!p1 s20, s19  }
0x2a: {  	s20 =	simm.s32 @!p1 $0x80;
	s19 =	sadd.s32 @!p1 s21, s19;
	s21 =	simm.s32 @!p1 $0x2000  }
0x2b: {  	[tilespmem:s18], [sflag:$0x1] =	stream.strided.gather @!p1 [hbm4b:s19+s20], $0x4000, s21, s20, $0x38;
	[tilespmem:$0x10100] =	vst v63  }
0x2c: {  	p1 =	sge.u32 s31, s7  }
.Ltmp2:
0x2d: {  	_ = 	snop;
	(pc) =	sbr.rel @p1 .LBB1_5-.Ltmp2, $1  }
0x2e: {  	_ =	sdelay $0x3  }
0x2f: {  	s18 =	simm.s32 $0x1  }
0x30: {  	_ =	swait.ge [sflag:s6], $0x4000;
	s18 =	simm.s32 @!p0 $0x0  }
0x31: {  	[sflag:s6] =	ssyncset.done $0x0;
	s19 =	sshll.u32 s18, $0xE  }
0x32: {  	[sflag:s6] =	ssyncadd.s32 $0xFFFFC000;
	s21 =	sor.u32 $0x40, s19  }
0x33: {  	s18 =	smul.u32 $0x10200, s18;
	v0 =	vld [tilespmem:s21+$0x30]  }
0x34: {  	v3 =	vld [tilespmem:s21+$0xFFFFFFD0]  }
0x35: {  	s18 =	sshrl.u32 s18, $0x2;
	v4 =	vld [tilespmem:s21+$0xFFFFFFE0]  }
0x36: {  	v5 =	vld [tilespmem:s21+$0xFFFFFFF0];
	s19 =	sor.u32 $0x8000, s18  }
0x37: {  	s31 =	sand.u32 $0x1, s14;
	v1 =	vld [tilespmem:s21+$0x0];
	s20 =	sadd.s32 $0x0, s19  }
0x38: {  	v2 =	vld [tilespmem:s21+$0x10];
	s18 =	smul.u32 $0x10200, s31;
	[tilespmem:s20+$0x3870 ss:$0x81] =	vst.msk $0xffff, v0  }
0x39: {  	[tilespmem:s20+$0x810 ss:$0x81] =	vst.msk $0xffff, v3;
	v3 =	vld [tilespmem:s21+$0x20]  }
0x3a: {  	s18 =	sshrl.u32 s18, $0x2;
	v0 =	vld [tilespmem:s21+$0xFFFFFFC0];
	[tilespmem:s20+$0x1020 ss:$0x81] =	vst.msk $0xffff, v4;
	s21 =	sadd.s32 $0x80, s21  }
0x3b: {  	s22 =	simm.s32 $0x4;
	s23 =	simm.s32 $0x8;
	s18 =	sor.u32 $0x8000, s18;
	[tilespmem:s20+$0x1830 ss:$0x81] =	vst.msk $0xffff, v5;
	v4 =	vld [tilespmem:s21+$0x30]  }
.LBB1_3:
0x3c: {  	p1 =	sne.s32 s23, $0x1FC;
	v5 =	vld [tilespmem:s21+$0xFFFFFFD0];
	[tilespmem:s20+$0x2040 ss:$0x81] =	vst.msk $0xffff, v1  }
0x3d: {  	v6 =	vld [tilespmem:s21+$0xFFFFFFE0];
	[tilespmem:s20+$0x2850 ss:$0x81] =	vst.msk $0xffff, v2  }
0x3e: {  	s24 =	sshra.s32 s22, $0x2;
	s22 =	smov.u32 s23;
	v7 =	vld [tilespmem:s21+$0xFFFFFFF0];
	[tilespmem:s20+$0x3060 ss:$0x81] =	vst.msk $0xffff, v3  }
.Ltmp3:
0x3f: {  	v1 =	vld [tilespmem:s21+$0x0];
	[tilespmem:s20+$0x0 ss:$0x81] =	vst.msk $0xffff, v0;
	s20 =	sadd.s32 s24, s19;
	(pc) =	sbr.rel @p1 .LBB1_3-.Ltmp3, $4  }
0x40: {  	v2 =	vld [tilespmem:s21+$0x10];
	[tilespmem:s20+$0x3870 ss:$0x81] =	vst.msk $0xffff, v4  }
0x41: {  	[tilespmem:s20+$0x810 ss:$0x81] =	vst.msk $0xffff, v5;
	v3 =	vld [tilespmem:s21+$0x20]  }
0x42: {  	v0 =	vld [tilespmem:s21+$0xFFFFFFC0];
	[tilespmem:s20+$0x1020 ss:$0x81] =	vst.msk $0xffff, v6;
	s21 =	sadd.s32 $0x80, s21  }
0x43: {  	s23 =	sadd.s32 $0x4, s23;
	v4 =	vld [tilespmem:s21+$0x30];
	[tilespmem:s20+$0x1830 ss:$0x81] =	vst.msk $0xffff, v7  }
.Ltmp4:
0x44: {  	_ = 	snop;
	(pc) =	sbr.rel .LBB1_4-.Ltmp4, $1  }
0x45: {  	_ =	sdelay $0x3  }
.LBB1_6:
0x46: {  	_ =	sfence.sel $0x180000  }
0x47: {  	s2 =	simm.s32 $0x1;
	[bflag:$0x0] =	sbarrier.arrive $0xFFFF  }
0x48: {  	s31 =	simm.s32 $0x2;
	[sflag:s2] =	ssyncpa.u1 $0x1  }
0x49: {  	[sflag:s31] =	ssyncpa.u1 $0x1  }
0x4a: {  	p0 =	sne.s32 s0, $0x0;
	_ =	strace $0x90000047  }
0x4b: {  	s0 =	sadd.s32 @!p0 $0x100000, s1;
	[bflag:$0x2] =	sbarrier.arrive $0xFFFF  }
0x4c: {  	[sflag:s0] =	ssyncadd.tile.s32 @!p0 $0x1;
	_ =	shalt  }
.Lfunc_end1:
_tile_overlayer_lowered:
.L_overlay_start_2:
0x4d: {  	(tag) =	ssettag $0x2  }
0x4e: {  	s0 =	rddreg [dreg:$0x0];
	s2 =	stileid.u32  }
0x4f: {  	s1 =	rddreg [dreg:$0x1];
	p0 =	sne.s32 s2, $0x0  }
0x50: {  	s3 =	rddreg [dreg:$0x2];
	[bflag:$0x3] =	sbarrier.arrive $0xFFFF;
	s2 =	simm.s32 @!p0 $0x1C01  }
0x51: {  	[timem:s3], [sflag:s2] =	dma.local @!p0 [hbm:s0], s1  }
0x52: {  	s0 =	simm.s32 @!p0 $0x1  }
0x53: {  	_ =	swait.ge @!p0 [sflag:s0], s1  }
0x54: {  	s1 =	ssub.s32 @!p0 $0x0, s1;
	[sflag:s0] =	ssyncset.done @!p0 $0x0  }
0x55: {  	[sflag:s0] =	ssyncadd.s32 @!p0 s1  }
0x56: {  	[bflag:$0x3] =	sbarrier.arrive $0xFFFF  }
0x57: {  	_ =	shalt  }

// kernel: sparse-core-data-format-call.cloned.1.call-start
scs
called_computation_lowered:
.L_overlay_start_0:
0x0: {  	s2 =	sld [smem:$0x3FD9]  }
0x1: {  	s3 =	sld [smem:$0x3FFE];
	_ =	sdelay $0x1  }
0x2: {  	s1 =	srdreg.scid  }
0x3: {  	s0 =	sand.u32 $0x1, s1  }
0x4: {  	s16 =	sshll.u32 s0, $0xA;
	s2 =	sadd.s32 s3, s2  }
0x5: {  	s2 =	sadd.s32 s2, s16  }
0x6: {  	[smem:$0x3FC3] =	sst s2  }
0x7: {  	_ = 	snop  }
0x8: {  	s2 =	sld [smem:$0x3FD0];
	_ =	sdelay $0x2  }
0x9: {  	s17 =	simm.s32 $0xB;
	s4 =	simm.s32 $0x10  }
0xa: {  	[smem:s4], [sflag:s17] =	dma.local [hbm:s2], $0x1  }
0xb: {  	_ =	swait.eq [sflag:s17], $0x1  }
0xc: {  	[sflag:s17] =	ssyncset.done $0x0  }
0xd: {  	[sflag:s17] =	ssyncadd.s32 $0xFFFFFFFF  }
0xe: {  	s18 =	sld [smem:$0x10];
	(tm) =	ssettm $0x1  }
0xf: {  	s19 =	sld [smem:$0x3FFB];
	_ =	sdelay $0x3  }
0x10: {  	_ =	strace s19  }
0x11: {  	s2 =	sld [smem:$0x3FFC];
	_ =	sdelay $0x3  }
0x12: {  	_ =	strace s2  }
0x13: {  	s2 =	sld [smem:$0x3FFD];
	_ =	sdelay $0x3  }
0x14: {  	_ =	strace s2  }
0x15: {  	_ =	strace $0x8FFFFFFF  }
0x16: {  	s20 =	sld [smem:$0x3FDB];
	_ =	sdelay $0x1  }
0x17: {  	s21 =	simm.s32 $_scs_section_size  }
0x18: {  	s5 =	simm.s32 $_size__tile_overlayer_lowered;
	s6 =	simm.s32 $_tile_overlayer_lowered  }
0x19: {  	s7 =	simm.s32 $0x1BFF;
	s22 =	sshll.u32 s6, $0x1;
	s4 =	sadd.s32 s21, s20  }
0x1a: {  	s23 =	simm.s32 $0x0;
	s5 =	sshll.u32 s5, $0x1;
	s6 =	sadd.s32 s22, s4  }
0x1b: {  	[timem:s23], [sflag:s7] =	dma.local [hbm:s6], s5  }
0x1c: {  	_ =	swait.ge [sflag:s7], s5  }
0x1d: {  	s5 =	ssub.s32 $0x0, s5;
	[sflag:s7] =	ssyncset.done $0x0  }
0x1e: {  	[sflag:s7] =	ssyncadd.s32 s5;
	_ =	sdelay $0x1  }
0x1f: {  	s24 =	simm.s32 $0x1B8B  }
0x20: {  	_ =	swait.ge [sflag:s24], $0x1  }
0x21: {  	[sflag:s24] =	ssyncset.done $0x0  }
0x22: {  	[sflag:s24] =	ssyncadd.s32 $0xFFFFFFFF  }
0x23: {  	s5 =	sld [smem:$0x0]  }
0x24: {  	s6 =	sand.u32 $0xFFFFFFFE, s1  }
0x25: {  	p0 =	sne.s32 s1, s6  }
0x26: {  	s6 =	sshll.u32 @p0 s6, $0xE  }
0x27: {  	s6 =	sadd.s32 @p0 $0x11B8D, s6;
	s7 =	sshll.u32 @p0 s5, $0x11  }
0x28: {  	s6 =	sor.u32 @p0 s7, s6  }
0x29: {  	[sflag:s6] =	ssyncadd.remote.s32 @p0 $0x1;
	_ =	sdelay $0x1  }
0x2a: {  	s6 =	simm.s32 @p0 $0x1B8D  }
0x2b: {  	_ =	swait.eq @p0 [sflag:s6], $0x1  }
0x2c: {  	[sflag:s6] =	ssyncadd.s32 @p0 $0xFFFFFFFF  }
0x2d: {  	s7 =	sshll.u32 @!p0 s1, $0xE  }
0x2e: {  	s7 =	sor.u32 @!p0 $0x4000, s7;
	s6 =	simm.s32 @!p0 $0x1B8D  }
0x2f: {  	s5 =	sshll.u32 @!p0 s5, $0x11;
	s7 =	sadd.s32 @!p0 $0x11B8D, s7;
	_ =	swait.eq @!p0 [sflag:s6], $0x1  }
0x30: {  	s5 =	sor.u32 @!p0 s5, s7;
	[sflag:s6] =	ssyncadd.s32 @!p0 $0xFFFFFFFF  }
0x31: {  	s26 =	simm.s32 $0x1B8E;
	s25 =	sld [smem:$0x3FFE];
	[sflag:s5] =	ssyncadd.remote.s32 @!p0 $0x1  }
0x32: {  	s27 =	simm.s32 $execute0_lowered;
	[smem:$0x3FD2] =	sst s26  }
0x33: {  	s6 =	sshll.u32 s27, $0x1;
	_ =	strace $0x8000004F;
	[dreg:$0x1] =	wrdreg $0xFFFFFFFF  }
0x34: {  	s28 =	simm.s32 $_size_execute0_lowered;
	s4 =	sadd.s32 s4, s6;
	[dreg:$0x0] =	wrdreg $0x0  }
0x35: {  	s6 =	sshll.u32 s28, $0x1;
	[dreg:$0x2] =	wrdreg s4  }
0x36: {  	[dreg:$0x3] =	wrdreg s6  }
0x37: {  	[dreg:$0x4] =	wrdreg $0xC0  }
0x38: {  	_ =	task [dreg:s23], $0x5FFFF  }
0x39: {  	[dreg:$0x1] =	wrdreg $0xFFFFFFFF  }
0x3a: {  	[dreg:$0x0] =	wrdreg $0x60  }
0x3b: {  	[dreg:$0x2] =	wrdreg s25  }
0x3c: {  	[dreg:$0x3] =	wrdreg s18  }
0x3d: {  	[dreg:$0x4] =	wrdreg $0xA  }
0x3e: {  	_ =	task.clear_ibuf [dreg:s23], $0x5FFFF;
	_ =	strace $0x9000004F  }
0x3f: {  	s29 =	simm.s32 $0xA;
	_ =	strace $0x80000051  }
0x40: {  	_ =	swait.ge [sflag:s29], $0x1  }
0x41: {  	[sflag:s29] =	ssyncadd.s32 $0xFFFFFFFF  }
0x42: {  	_ =	strace $0x90000051  }
0x43: {  	_ =	sfence  }
0x44: {  	s30 =	sld [smem:$0x0];
	_ =	sdelay $0x2  }
0x45: {  	s31 =	sshll.u32 s1, $0xD;
	s1 =	sshrl.u32 s1, $0x2  }
0x46: {  	s4 =	sand.u32 $0x4000, s31;
	s1 =	sadd.s32 s1, s30  }
0x47: {  	s0 =	sor.u32 s4, s0;
	s1 =	sshll.u32 s1, $0x11  }
0x48: {  	s0 =	sor.u32 s1, s0  }
0x49: {  	s0 =	sadd.s32 $0x8F2B, s0  }
0x4a: {  	[sflag:s0] =	ssyncadd.remote.s32 $0x1  }
0x4b: {  	_ =	sfence.sel $0xFFFF  }
0x4c: {  	[dreg:$0x0] =	wrdreg $0xFFFFFFFF;
	(pc) =	sbr.abs _section_cstart, $3  }
0x4d: {  	[dreg:$0x1] =	wrdreg $0xFFFFFFFF  }
0x4e: {  	_ =	task.clear_ibuf [dreg:s23], $0x2FFFF;
	_ =	strace $0x9FFFFFFF  }
0x4f: {  	(tm) =	ssettm $0x7FFFFFFF  }
tec
execute0_lowered:
.L_overlay_start_1:
0x0: {  	(tag) =	ssettag $0x1  }
0x1: {  	s1 =	rddreg [dreg:$0x0]  }
0x2: {  	s2 =	rddreg [dreg:$0x1]  }
0x3: {  	s0 =	rddreg [dreg:$0x2];
	s4 =	srdreg.scid  }
0x4: {  	_ =	strace $0x80000050;
	s7 =	simm.s32 $0x2;
	s14 =	simm.s32 $0x0  }
0x5: {  	p0 =	por $0x0, $0x0;
	s13 =	simm.s32 $0x0;
	s16 =	simm.s32 $0x0  }
0x6: {  	s15 =	simm.s32 $0x0;
	s9 =	simm.s32 $0x0;
	s10 =	simm.s32 $0x0  }
.Ltmp0:
0x7: {  	s3 =	sadd.s32 $0x800, s1;
	s4 =	sshll.u32 s4, $0x4;
	(pc) =	sbr.rel .LBB1_1-.Ltmp0, $4  }
0x8: {  	s1 =	stileid.u32;
	s5 =	sand.u32 $0x10, s4;
	s4 =	simm.s32 $0x1  }
0x9: {  	s8 =	simm.s32 $0x0;
	s6 =	sor.u32 s1, s5;
	[sflag:s4] =	ssyncpa.u1 $0x0  }
0xa: {  	s5 =	sand.u32 $0x3, s1;
	s6 =	sshrl.u32 s6, $0x2;
	[sflag:s7] =	ssyncpa.u1 $0x0  }
0xb: {  	s7 =	simm.s32 $0x2000;
	s12 =	smov.u32 s5;
	s11 =	smov.u32 s6  }
.LBB1_5:
0xc: {  	s17 =	sadd.s32 $0x80, s9  }
0xd: {  	s13 =	sadd.s32 $0x80, s10;
	s18 =	smov.u32 s10;
	p2 =	sgt.s32 s17, $0xFF  }
0xe: {  	s18 =	smov.u32 @p2 s13  }
0xf: {  	s19 =	smov.u32 s11;
	s13 =	sadd.s32 $0x8, s11;
	p3 =	sgt.s32 s18, $0x7F  }
0x10: {  	s19 =	smov.u32 @p3 s13  }
0x11: {  	s20 =	smov.u32 s12;
	s13 =	sadd.s32 $0x4, s12;
	p4 =	sgt.s32 s19, $0x3F  }
0x12: {  	p1 =	slt.u32 s8, $0x2;
	s20 =	smov.u32 @p4 s13  }
0x13: {  	s8 =	sadd.s32 $0x1, s8;
	s17 =	simm.s32 @p2 $0x0;
	p2 =	sgt.s32 s20, $0x3  }
0x14: {  	s14 =	smov.u32 s9;
	s20 =	smov.u32 @p2 s5;
	p2 =	sne.s32 s8, $0x12  }
.Ltmp1:
0x15: {  	s16 =	smov.u32 s11;
	s21 =	simm.s32 @!p1 $0x2;
	(pc) =	sbr.rel @!p2 .LBB1_6-.Ltmp1, $4  }
0x16: {  	s15 =	smov.u32 s12;
	p0 =	por !p0, !p0;
	_ =	swait.ge @!p1 [sflag:s21], $0x4000  }
0x17: {  	[sflag:s21] =	ssyncset.done @!p1 $0x0;
	s9 =	smov.u32 s17;
	s18 =	simm.s32 @p3 $0x0  }
0x18: {  	[sflag:s21] =	ssyncadd.s32 @!p1 $0xFFFFC000;
	s19 =	smov.u32 @p4 s6;
	s13 =	smov.u32 s10  }
0x19: {  	s10 =	smov.u32 s18;
	s11 =	smov.u32 s19;
	s12 =	smov.u32 s20  }
.LBB1_1:
0x1a: {  	p1 =	sgt.u32 s8, $0xF  }
0x1b: {  	s17 =	sxor.u32 @!p1 $0xFFFFFFFF, s8;
	s18 =	sand.u32 @!p1 $0x78, s9;
	s19 =	sshll.u32 @!p1 s10, $0x8  }
0x1c: {  	s20 =	sshll.u32 @!p1 s9, $0x3;
	s21 =	sshll.u32 @!p1 s10, $0x7;
	s17 =	sshll.u32 @!p1 s17, $0xE  }
0x1d: {  	s19 =	sand.u32 @!p1 $0x7800, s19;
	s20 =	sand.u32 @!p1 $0x7C00, s20;
	s17 =	sand.u32 @!p1 $0x4000, s17  }
0x1e: {  	s19 =	sadd.s32 @!p1 s19, s20;
	s20 =	sand.u32 @!p1 $0x300, s21;
	s21 =	sand.u32 @!p1 $0x80, s21  }
0x1f: {  	s19 =	sor.u32 @!p1 s20, s19;
	s18 =	sor.u32 @!p1 s18, s21;
	s20 =	sshll.u32 @!p1 s12, $0x12  }
0x20: {  	s21 =	sshll.u32 @!p1 s11, $0xC;
	s19 =	sshrl.u32 @!p1 s19, $0x3;
	s20 =	sadd.s32 @!p1 s3, s20  }
0x21: {  	s18 =	sshrl.u32 @!p1 s18, $0x3;
	s20 =	sadd.s32 @!p1 s21, s20;
	s21 =	sand.u32 @!p1 $0x7, s9  }
0x22: {  	s19 =	sand.u32 @!p1 $0xFE0, s19;
	s18 =	sadd.s32 @!p1 s18, s20;
	s20 =	sshll.u32 @!p1 s21, $0x12  }
0x23: {  	s18 =	sadd.s32 @!p1 s19, s18;
	s19 =	sor.u32 @!p1 $0x400, s20;
	s20 =	simm.s32 @!p1 $0x800  }
0x24: {  	[tilespmem:s17], [sflag:$0x1] =	stream.strided.gather @!p1 [hbm4b:s18+s19], $0x4000, s20, s19, $0x38;
	[tilespmem:$0x10100] =	vst v63  }
0x25: {  	p1 =	seq.s32 s8, $0x0  }
0x26: {  	p2 =	seq.s32 @!p1 s8, $0x11  }
0x27: {  	p1 =	por p1, p2  }
.Ltmp2:
0x28: {  	_ = 	snop;
	(pc) =	sbr.rel @p1 .LBB1_5-.Ltmp2, $1  }
0x29: {  	_ =	sdelay $0x3  }
0x2a: {  	s17 =	simm.s32 $0x1  }
0x2b: {  	_ =	swait.ge [sflag:s4], $0x4000;
	s17 =	simm.s32 @!p0 $0x0  }
0x2c: {  	[sflag:s4] =	ssyncset.done $0x0;
	s18 =	sshll.u32 s17, $0xE  }
0x2d: {  	[sflag:s4] =	ssyncadd.s32 $0xFFFFC000;
	s19 =	sor.u32 $0x40, s18  }
0x2e: {  	s17 =	smul.u32 $0x10200, s17;
	v0 =	vld [tilespmem:s19+$0x30]  }
0x2f: {  	v1 =	vld [tilespmem:s19+$0xFFFFFFD0]  }
0x30: {  	s17 =	sshrl.u32 s17, $0x2;
	v5 =	vld [tilespmem:s19+$0xFFFFFFE0]  }
0x31: {  	v6 =	vld [tilespmem:s19+$0xFFFFFFF0];
	s18 =	sor.u32 $0x8000, s17  }
0x32: {  	s31 =	sand.u32 $0x1, s8;
	v2 =	vld [tilespmem:s19+$0x0];
	s20 =	sadd.s32 $0x0, s18  }
0x33: {  	v3 =	vld [tilespmem:s19+$0x10];
	s17 =	smul.u32 $0x10200, s31;
	[tilespmem:s20+$0x3870 ss:$0x81] =	vst.msk $0xffff, v0  }
0x34: {  	v4 =	vld [tilespmem:s19+$0x20];
	[tilespmem:s20+$0x810 ss:$0x81] =	vst.msk $0xffff, v1  }
0x35: {  	s17 =	sshrl.u32 s17, $0x2;
	v0 =	vld [tilespmem:s19+$0xFFFFFFC0];
	[tilespmem:s20+$0x1020 ss:$0x81] =	vst.msk $0xffff, v5;
	s19 =	sadd.s32 $0x80, s19  }
0x36: {  	s21 =	simm.s32 $0x4;
	s22 =	simm.s32 $0x8;
	s17 =	sor.u32 $0x8000, s17;
	[tilespmem:s20+$0x1830 ss:$0x81] =	vst.msk $0xffff, v6;
	v1 =	vld [tilespmem:s19+$0x30]  }
.LBB1_3:
0x37: {  	p1 =	sne.s32 s22, $0x1FC;
	v5 =	vld [tilespmem:s19+$0xFFFFFFD0];
	[tilespmem:s20+$0x2040 ss:$0x81] =	vst.msk $0xffff, v2  }
0x38: {  	v6 =	vld [tilespmem:s19+$0xFFFFFFE0];
	[tilespmem:s20+$0x2850 ss:$0x81] =	vst.msk $0xffff, v3  }
0x39: {  	s23 =	sshra.s32 s21, $0x2;
	s21 =	smov.u32 s22;
	v7 =	vld [tilespmem:s19+$0xFFFFFFF0];
	[tilespmem:s20+$0x3060 ss:$0x81] =	vst.msk $0xffff, v4  }
.Ltmp3:
0x3a: {  	v2 =	vld [tilespmem:s19+$0x0];
	[tilespmem:s20+$0x0 ss:$0x81] =	vst.msk $0xffff, v0;
	s20 =	sadd.s32 s23, s18;
	(pc) =	sbr.rel @p1 .LBB1_3-.Ltmp3, $4  }
0x3b: {  	v3 =	vld [tilespmem:s19+$0x10];
	[tilespmem:s20+$0x3870 ss:$0x81] =	vst.msk $0xffff, v1  }
0x3c: {  	[tilespmem:s20+$0x810 ss:$0x81] =	vst.msk $0xffff, v5;
	v4 =	vld [tilespmem:s19+$0x20]  }
0x3d: {  	v0 =	vld [tilespmem:s19+$0xFFFFFFC0];
	[tilespmem:s20+$0x1020 ss:$0x81] =	vst.msk $0xffff, v6;
	s19 =	sadd.s32 $0x80, s19  }
0x3e: {  	s22 =	sadd.s32 $0x4, s22;
	v1 =	vld [tilespmem:s19+$0x30];
	[tilespmem:s20+$0x1830 ss:$0x81] =	vst.msk $0xffff, v7  }
0x3f: {  	v5 =	vld [tilespmem:s19+$0xFFFFFFD0];
	[tilespmem:s20+$0x2040 ss:$0x81] =	vst.msk $0xffff, v2  }
0x40: {  	v58 =	vld [tilespmem:s19+$0xFFFFFFE0];
	[tilespmem:s20+$0x2850 ss:$0x81] =	vst.msk $0xffff, v3  }
0x41: {  	s21 =	sshra.s32 s21, $0x2;
	v59 =	vld [tilespmem:s19+$0xFFFFFFF0];
	[tilespmem:s20+$0x3060 ss:$0x81] =	vst.msk $0xffff, v4  }
0x42: {  	v60 =	vld [tilespmem:s19+$0x0];
	s18 =	sadd.s32 s21, s18;
	[tilespmem:s20+$0x0 ss:$0x81] =	vst.msk $0xffff, v0  }
0x43: {  	s16 =	sshll.u32 s16, $0x7;
	v61 =	vld [tilespmem:s19+$0x10];
	[tilespmem:s18+$0x3870 ss:$0x81] =	vst.msk $0xffff, v1  }
0x44: {  	s27 =	sshll.u32 s13, $0x3;
	v62 =	vld [tilespmem:s19+$0x20];
	s15 =	sshll.u32 s15, $0x12;
	s14 =	sshll.u32 s14, $0xA;
	[tilespmem:s18+$0x810 ss:$0x81] =	vst.msk $0xffff, v5  }
0x45: {  	v63 =	vld [tilespmem:s19+$0xFFFFFFC0];
	s29 =	sshrl.u32 s13, $0x3;
	s28 =	sand.u32 $0x1C00, s16;
	s20 =	sand.u32 $0x1C00, s27;
	[tilespmem:s18+$0x1020 ss:$0x81] =	vst.msk $0xffff, v58  }
0x46: {  	s30 =	sand.u32 $0x7, s13;
	s16 =	sand.u32 $0x380, s16;
	s20 =	sadd.s32 s28, s20;
	[tilespmem:s18+$0x1830 ss:$0x81] =	vst.msk $0xffff, v59  }
.Ltmp4:
0x47: {  	s15 =	sadd.s32 s2, s15;
	s16 =	sor.u32 s16, s20;
	[tilespmem:s18+$0x2040 ss:$0x81] =	vst.msk $0xffff, v60;
	(pc) =	sbr.rel .LBB1_5-.Ltmp4, $4  }
0x48: {  	s19 =	sand.u32 $0xF, s29;
	s14 =	sadd.s32 s14, s15;
	[tilespmem:s18+$0x2850 ss:$0x81] =	vst.msk $0xffff, v61;
	s16 =	sshrl.u32 s16, $0x3  }
0x49: {  	s13 =	sshll.u32 s30, $0x12;
	s14 =	sadd.s32 s19, s14;
	[tilespmem:s18+$0x3060 ss:$0x81] =	vst.msk $0xffff, v62;
	s31 =	sand.u32 $0x3F0, s16  }
0x4a: {  	s13 =	sor.u32 $0x80, s13;
	[tilespmem:s18+$0x0 ss:$0x81] =	vst.msk $0xffff, v63;
	s14 =	sadd.s32 s31, s14  }
0x4b: {  	[hbm4b:s14+s13] =	stream.strided.scatter [tilespmem:s17], [sflag:$0x2], $0x4000, s7, s13, $0x20;
	[tilespmem:$0x10100] =	vst v63  }
.LBB1_6:
0x4c: {  	_ =	sfence.sel $0x180000  }
0x4d: {  	s2 =	simm.s32 $0x1;
	[bflag:$0x0] =	sbarrier.arrive $0xFFFF  }
0x4e: {  	s31 =	simm.s32 $0x2;
	[sflag:s2] =	ssyncpa.u1 $0x1  }
0x4f: {  	[sflag:s31] =	ssyncpa.u1 $0x1  }
0x50: {  	p0 =	sne.s32 s1, $0x0;
	_ =	strace $0x90000050  }
0x51: {  	s0 =	sadd.s32 @!p0 $0x100000, s0;
	[bflag:$0x2] =	sbarrier.arrive $0xFFFF  }
0x52: {  	[sflag:s0] =	ssyncadd.tile.s32 @!p0 $0x1;
	_ =	shalt  }
.Lfunc_end1:
_tile_overlayer_lowered:
.L_overlay_start_2:
0x53: {  	(tag) =	ssettag $0x2  }
0x54: {  	s0 =	rddreg [dreg:$0x0];
	s2 =	stileid.u32  }
0x55: {  	s1 =	rddreg [dreg:$0x1];
	p0 =	sne.s32 s2, $0x0  }
0x56: {  	s3 =	rddreg [dreg:$0x2];
	[bflag:$0x3] =	sbarrier.arrive $0xFFFF;
	s2 =	simm.s32 @!p0 $0x1C01  }
0x57: {  	[timem:s3], [sflag:s2] =	dma.local @!p0 [hbm:s0], s1  }
0x58: {  	s0 =	simm.s32 @!p0 $0x1  }
0x59: {  	_ =	swait.ge @!p0 [sflag:s0], s1  }
0x5a: {  	s1 =	ssub.s32 @!p0 $0x0, s1;
	[sflag:s0] =	ssyncset.done @!p0 $0x0  }
0x5b: {  	[sflag:s0] =	ssyncadd.s32 @!p0 s1  }
0x5c: {  	[bflag:$0x3] =	sbarrier.arrive $0xFFFF  }
0x5d: {  	_ =	shalt  }

</sc_bundles>
